<compile_context>
chip_gen: v7x
topology: tpu7x:2x2x1
jax: 0.10.2.dev20260603
libtpu: 0.0.44.dev20260713+nightly
codegen_flags: <defaults>
</compile_context>

<pallas_src>
import functools
import math

import jax
import jax.numpy as jnp
from jax import lax
from jax.experimental import pallas as pl
from jax.experimental.pallas import tpu as pltpu
from jax.experimental.pallas import tpu_sc as plsc

D = 64
SCALE = math.sqrt(D)

_NC = 2
_NS = 16
_NW = _NC * _NS

SB = 128
TB = 2


@functools.partial(jax.jit, static_argnames=("n_seq", "n_tok"))
def _lookup_t_major(xt, lut, n_seq, n_tok):
    n_sblk = n_seq // SB
    n_blocks = n_tok // TB

    mesh = plsc.VectorSubcoreMesh(core_axis_name="c", subcore_axis_name="s")

    @functools.partial(
        pl.kernel,
        out_type=jax.ShapeDtypeStruct((n_tok, D // 8, n_sblk, 8, SB), jnp.float32),
        mesh=mesh,
        scratch_types=[
            pltpu.VMEM((TB, SB), jnp.int32),
            pltpu.VMEM((TB, SB), jnp.int32),
            pltpu.VMEM((TB, SB, D), jnp.float32),
            pltpu.VMEM((TB, SB, D), jnp.float32),
            pltpu.VMEM((TB, D // 8, 8, SB + 1), jnp.float32),
            pltpu.VMEM((TB, D // 8, 8, SB + 1), jnp.float32),
            pltpu.SemaphoreType.DMA,
            pltpu.SemaphoreType.DMA,
            pltpu.SemaphoreType.DMA,
            pltpu.SemaphoreType.DMA,
        ],
        compiler_params=pltpu.CompilerParams(
            use_tc_tiling_on_sc=False, needs_layout_passes=False
        ),
    )
    def k(xt_hbm, lut_hbm, out_hbm, i0, i1, g0, g1, t0, t1, gs0, gs1, os0, os1):
        idx = (i0, i1)
        gbuf = (g0, g1)
        tbuf = (t0, t1)
        gsem = (gs0, gs1)
        osem = (os0, os1)

        w = lax.axis_index("s") * _NC + lax.axis_index("c")
        s0 = w * SB

        def fire(blk, b):
            pltpu.sync_copy(
                xt_hbm.at[pl.ds(blk * TB, TB), pl.ds(s0, SB)], idx[b]
            )
            for kk in range(TB):
                pltpu.async_copy(
                    lut_hbm.at[idx[b].at[kk]], gbuf[b].at[kk], gsem[b]
                )

        def drain_gather(b):
            for kk in range(TB):
                pltpu.make_async_copy(
                    lut_hbm.at[idx[b].at[kk]], gbuf[b].at[kk], gsem[b]
                ).wait()

        def wait_out(blk, b):
            for kk in range(TB):
                pltpu.make_async_copy(
                    tbuf[b].at[kk, :, :, pl.ds(0, SB)], out_hbm.at[blk * TB + kk, :, w], osem[b]
                ).wait()

        dvecs = []
        for j in range(D // 16):
            dv = lax.iota(jnp.int32, 16) + 16 * j
            dvecs.append((dv // 8, dv % 8))

        fire(0, 0)

        def body(b2, carry):
            for b in range(2):
                blk = b2 * 2 + b
                nb = 1 - b

                @pl.when(blk + 1 < n_blocks)
                def _():
                    fire(blk + 1, nb)

                drain_gather(b)

                @pl.when(blk >= 2)
                def _():
                    wait_out(blk - 2, b)

                for kk in range(TB):
                    src = gbuf[b].at[kk]
                    dst = tbuf[b].at[kk]

                    @plsc.parallel_loop(0, SB, 1, unroll=8)
                    def _(s, src=src, dst=dst):
                        svec = jnp.full((16,), 0, jnp.int32) + s
                        for j in range(D // 16):
                            v = src[s, pl.ds(16 * j, 16)]
                            plsc.store_scatter(
                                dst, [dvecs[j][0], dvecs[j][1], svec], v * SCALE
                            )
                    pltpu.async_copy(
                        tbuf[b].at[kk, :, :, pl.ds(0, SB)], out_hbm.at[blk * TB + kk, :, w], osem[b]
                    )
            return carry

        lax.fori_loop(0, n_blocks // 2, body, 0)
        wait_out(n_blocks - 2, 0)
        wait_out(n_blocks - 1, 1)

    return k(xt, lut)


def kernel(x, lut):
    n_seq, n_tok = x.shape
    xt = x.T
    out5 = _lookup_t_major(xt, lut, n_seq, n_tok)
    out = out5.transpose(2, 4, 0, 1, 3).reshape(n_seq, n_tok, D)
    return out

# --- scband reference (transcript-rebuilt; emitter-appended) ---
"""Pipeline reference for scband-embeddings-14611478741556 (READ-ONLY COPY).

The authoritative reference and input builder live on the scoring server;
editing this copy changes nothing except your own understanding.
"""

import math
import jax, jax.numpy as jnp
import numpy as np

D_MODEL = 64
VOCAB = 1000000

def setup_inputs(seed: int = 0) -> dict:
    key = jax.random.key(seed)
    k1, k2 = jax.random.split(key)
    x = jax.random.randint(k1, (4096, 200), 0, VOCAB, dtype=jnp.int64 if jax.config.jax_enable_x64 else jnp.int32).astype(jnp.int32)
    lut = jax.random.normal(k2, (VOCAB, D_MODEL), dtype=jnp.float32)
    return {"x": x, "lut": lut}

def reference(x, lut):
    # Embeddings.forward: self.lut(x) * math.sqrt(self.d_model)
    emb = jnp.take(lut, x, axis=0)
    return emb * math.sqrt(D_MODEL)

if __name__ == "__main__":
    import jax
    _d = setup_inputs()
    print(jax.jit(kernel)(*tuple(_d.values())))

</pallas_src>

<mosaic_0001>
#map = affine_map<(d0, d1) -> (0, 0)>
#map1 = affine_map<(d0, d1) -> (0, 0, 0, 0, 0)>
module attributes {stable_mosaic.version = 14 : i64} {
  func.func @k(%arg0: i32, %arg1: i32, %arg2: memref<200x4096xi32, #tpu.memory_space<hbm>>, %arg3: memref<1000000x64xf32, #tpu.memory_space<hbm>>, %arg4: memref<200x8x32x8x128xf32, #tpu.memory_space<hbm>>, %arg5: memref<2x128xi32, #tpu.memory_space<vmem>>, %arg6: memref<2x128xi32, #tpu.memory_space<vmem>>, %arg7: memref<2x128x64xf32, #tpu.memory_space<vmem>>, %arg8: memref<2x128x64xf32, #tpu.memory_space<vmem>>, %arg9: memref<2x8x8x129xf32, #tpu.memory_space<vmem>>, %arg10: memref<2x8x8x129xf32, #tpu.memory_space<vmem>>, %arg11: memref<!tpu.dma_semaphore, #tpu.memory_space<semaphore_mem>>, %arg12: memref<!tpu.dma_semaphore, #tpu.memory_space<semaphore_mem>>, %arg13: memref<!tpu.dma_semaphore, #tpu.memory_space<semaphore_mem>>, %arg14: memref<!tpu.dma_semaphore, #tpu.memory_space<semaphore_mem>>) attributes {dimension_semantics = [#tpu.dimension_semantics<core_parallel>, #tpu.dimension_semantics<subcore_parallel>], iteration_bounds = array<i64: 2, 16>, scalar_prefetch = 0 : i64, scratch_operands = 10 : i64, tpu.core_type = #tpu.core_type<sc_vector_subcore>, window_params = [{transform_indices = #map}, {transform_indices = #map}, {transform_indices = #map1}]} {
    %mul3A = arith.constant 2 : i32
    %mul3A_0 = arith.muli %arg1, %mul3A : i32
    %add3A = arith.addi %mul3A_0, %arg0 : i32
    %mul3A_1 = arith.constant 128 : i32
    %mul3A_2 = arith.muli %add3A, %mul3A_1 : i32
    %iota3A = tpu.iota {dimensions = array<i32: 0>} : vector<16xi32>
    %add3A_3 = arith.constant 0 : i32
    %add3A_4 = vector.broadcast %add3A_3 : i32 to vector<16xi32>
    %add3A_5 = arith.addi %iota3A, %add3A_4 : vector<16xi32>
    %jit3A = arith.constant 8 : i32
    %div3A = vector.broadcast %jit3A : i32 to vector<16xi32>
    %div3A_6 = arith.divsi %add3A_5, %div3A : vector<16xi32>
    %sign3A = arith.constant 0 : i32
    %sign3A_7 = vector.broadcast %sign3A : i32 to vector<16xi32>
    %sign3A_8 = arith.cmpi sgt, %add3A_5, %sign3A_7 : vector<16xi32>
    %sign3A_9 = arith.extui %sign3A_8 : vector<16xi1> to vector<16xi32>
    %sign3A_10 = arith.constant 0 : i32
    %sign3A_11 = vector.broadcast %sign3A_10 : i32 to vector<16xi32>
    %sign3A_12 = arith.cmpi slt, %add3A_5, %sign3A_11 : vector<16xi32>
    %sign3A_13 = arith.extui %sign3A_12 : vector<16xi1> to vector<16xi32>
    %sign3A_14 = arith.subi %sign3A_9, %sign3A_13 : vector<16xi32>
    %sign3A_15 = arith.constant 0 : i32
    %sign3A_16 = arith.cmpi sgt, %jit3A, %sign3A_15 : i32
    %sign3A_17 = arith.extui %sign3A_16 : i1 to i32
    %sign3A_18 = arith.constant 0 : i32
    %sign3A_19 = arith.cmpi slt, %jit3A, %sign3A_18 : i32
    %sign3A_20 = arith.extui %sign3A_19 : i1 to i32
    %sign3A_21 = arith.subi %sign3A_17, %sign3A_20 : i32
    %ne3A = vector.broadcast %sign3A_21 : i32 to vector<16xi32>
    %ne3A_22 = arith.cmpi ne, %sign3A_14, %ne3A : vector<16xi32>
    %rem3A = vector.broadcast %jit3A : i32 to vector<16xi32>
    %rem3A_23 = arith.remsi %add3A_5, %rem3A : vector<16xi32>
    %ne3A_24 = arith.constant 0 : i32
    %ne3A_25 = vector.broadcast %ne3A_24 : i32 to vector<16xi32>
    %ne3A_26 = arith.cmpi ne, %rem3A_23, %ne3A_25 : vector<16xi32>
    %and3A = arith.andi %ne3A_22, %ne3A_26 : vector<16xi1>
    %sub3A = arith.constant 1 : i32
    %sub3A_27 = vector.broadcast %sub3A : i32 to vector<16xi32>
    %sub3A_28 = arith.subi %div3A_6, %sub3A_27 : vector<16xi32>
    %select_n3A = arith.select %and3A, %sub3A_28, %div3A_6 : vector<16xi1>, vector<16xi32>
    %jit3A_29 = arith.constant 8 : i32
    %eq3A = arith.constant 0 : i32
    %eq3A_30 = arith.cmpi eq, %jit3A_29, %eq3A : i32
    %jit3A_31 = arith.constant 1 : i32
    %select_n3A_32 = arith.select %eq3A_30, %jit3A_31, %jit3A_29 : i32
    %rem3A_33 = vector.broadcast %select_n3A_32 : i32 to vector<16xi32>
    %rem3A_34 = arith.remsi %add3A_5, %rem3A_33 : vector<16xi32>
    %ne3A_35 = arith.constant 0 : i32
    %ne3A_36 = vector.broadcast %ne3A_35 : i32 to vector<16xi32>
    %ne3A_37 = arith.cmpi ne, %rem3A_34, %ne3A_36 : vector<16xi32>
    %lt3A = arith.constant 0 : i32
    %lt3A_38 = vector.broadcast %lt3A : i32 to vector<16xi32>
    %lt3A_39 = arith.cmpi slt, %rem3A_34, %lt3A_38 : vector<16xi32>
    %lt3A_40 = arith.constant 0 : i32
    %lt3A_41 = arith.cmpi slt, %select_n3A_32, %lt3A_40 : i32
    %ne3A_42 = vector.broadcast %lt3A_41 : i1 to vector<16xi1>
    %ne3A_43 = vector.broadcast %ne3A_42 : vector<16xi1> to vector<16xi1>
    %ne3A_44 = arith.xori %lt3A_39, %ne3A_43 : vector<16xi1>
    %and3A_45 = arith.andi %ne3A_44, %ne3A_37 : vector<16xi1>
    %add3A_46 = vector.broadcast %select_n3A_32 : i32 to vector<16xi32>
    %add3A_47 = arith.addi %rem3A_34, %add3A_46 : vector<16xi32>
    %select_n3A_48 = arith.select %and3A_45, %add3A_47, %rem3A_34 : vector<16xi1>, vector<16xi32>
    %iota3A_49 = tpu.iota {dimensions = array<i32: 0>} : vector<16xi32>
    %add3A_50 = arith.constant 16 : i32
    %add3A_51 = vector.broadcast %add3A_50 : i32 to vector<16xi32>
    %add3A_52 = arith.addi %iota3A_49, %add3A_51 : vector<16xi32>
    %jit3A_53 = arith.constant 8 : i32
    %div3A_54 = vector.broadcast %jit3A_53 : i32 to vector<16xi32>
    %div3A_55 = arith.divsi %add3A_52, %div3A_54 : vector<16xi32>
    %sign3A_56 = arith.constant 0 : i32
    %sign3A_57 = vector.broadcast %sign3A_56 : i32 to vector<16xi32>
    %sign3A_58 = arith.cmpi sgt, %add3A_52, %sign3A_57 : vector<16xi32>
    %sign3A_59 = arith.extui %sign3A_58 : vector<16xi1> to vector<16xi32>
    %sign3A_60 = arith.constant 0 : i32
    %sign3A_61 = vector.broadcast %sign3A_60 : i32 to vector<16xi32>
    %sign3A_62 = arith.cmpi slt, %add3A_52, %sign3A_61 : vector<16xi32>
    %sign3A_63 = arith.extui %sign3A_62 : vector<16xi1> to vector<16xi32>
    %sign3A_64 = arith.subi %sign3A_59, %sign3A_63 : vector<16xi32>
    %sign3A_65 = arith.constant 0 : i32
    %sign3A_66 = arith.cmpi sgt, %jit3A_53, %sign3A_65 : i32
    %sign3A_67 = arith.extui %sign3A_66 : i1 to i32
    %sign3A_68 = arith.constant 0 : i32
    %sign3A_69 = arith.cmpi slt, %jit3A_53, %sign3A_68 : i32
    %sign3A_70 = arith.extui %sign3A_69 : i1 to i32
    %sign3A_71 = arith.subi %sign3A_67, %sign3A_70 : i32
    %ne3A_72 = vector.broadcast %sign3A_71 : i32 to vector<16xi32>
    %ne3A_73 = arith.cmpi ne, %sign3A_64, %ne3A_72 : vector<16xi32>
    %rem3A_74 = vector.broadcast %jit3A_53 : i32 to vector<16xi32>
    %rem3A_75 = arith.remsi %add3A_52, %rem3A_74 : vector<16xi32>
    %ne3A_76 = arith.constant 0 : i32
    %ne3A_77 = vector.broadcast %ne3A_76 : i32 to vector<16xi32>
    %ne3A_78 = arith.cmpi ne, %rem3A_75, %ne3A_77 : vector<16xi32>
    %and3A_79 = arith.andi %ne3A_73, %ne3A_78 : vector<16xi1>
    %sub3A_80 = arith.constant 1 : i32
    %sub3A_81 = vector.broadcast %sub3A_80 : i32 to vector<16xi32>
    %sub3A_82 = arith.subi %div3A_55, %sub3A_81 : vector<16xi32>
    %select_n3A_83 = arith.select %and3A_79, %sub3A_82, %div3A_55 : vector<16xi1>, vector<16xi32>
    %jit3A_84 = arith.constant 8 : i32
    %eq3A_85 = arith.constant 0 : i32
    %eq3A_86 = arith.cmpi eq, %jit3A_84, %eq3A_85 : i32
    %jit3A_87 = arith.constant 1 : i32
    %select_n3A_88 = arith.select %eq3A_86, %jit3A_87, %jit3A_84 : i32
    %rem3A_89 = vector.broadcast %select_n3A_88 : i32 to vector<16xi32>
    %rem3A_90 = arith.remsi %add3A_52, %rem3A_89 : vector<16xi32>
    %ne3A_91 = arith.constant 0 : i32
    %ne3A_92 = vector.broadcast %ne3A_91 : i32 to vector<16xi32>
    %ne3A_93 = arith.cmpi ne, %rem3A_90, %ne3A_92 : vector<16xi32>
    %lt3A_94 = arith.constant 0 : i32
    %lt3A_95 = vector.broadcast %lt3A_94 : i32 to vector<16xi32>
    %lt3A_96 = arith.cmpi slt, %rem3A_90, %lt3A_95 : vector<16xi32>
    %lt3A_97 = arith.constant 0 : i32
    %lt3A_98 = arith.cmpi slt, %select_n3A_88, %lt3A_97 : i32
    %ne3A_99 = vector.broadcast %lt3A_98 : i1 to vector<16xi1>
    %ne3A_100 = vector.broadcast %ne3A_99 : vector<16xi1> to vector<16xi1>
    %ne3A_101 = arith.xori %lt3A_96, %ne3A_100 : vector<16xi1>
    %and3A_102 = arith.andi %ne3A_101, %ne3A_93 : vector<16xi1>
    %add3A_103 = vector.broadcast %select_n3A_88 : i32 to vector<16xi32>
    %add3A_104 = arith.addi %rem3A_90, %add3A_103 : vector<16xi32>
    %select_n3A_105 = arith.select %and3A_102, %add3A_104, %rem3A_90 : vector<16xi1>, vector<16xi32>
    %iota3A_106 = tpu.iota {dimensions = array<i32: 0>} : vector<16xi32>
    %add3A_107 = arith.constant 32 : i32
    %add3A_108 = vector.broadcast %add3A_107 : i32 to vector<16xi32>
    %add3A_109 = arith.addi %iota3A_106, %add3A_108 : vector<16xi32>
    %jit3A_110 = arith.constant 8 : i32
    %div3A_111 = vector.broadcast %jit3A_110 : i32 to vector<16xi32>
    %div3A_112 = arith.divsi %add3A_109, %div3A_111 : vector<16xi32>
    %sign3A_113 = arith.constant 0 : i32
    %sign3A_114 = vector.broadcast %sign3A_113 : i32 to vector<16xi32>
    %sign3A_115 = arith.cmpi sgt, %add3A_109, %sign3A_114 : vector<16xi32>
    %sign3A_116 = arith.extui %sign3A_115 : vector<16xi1> to vector<16xi32>
    %sign3A_117 = arith.constant 0 : i32
    %sign3A_118 = vector.broadcast %sign3A_117 : i32 to vector<16xi32>
    %sign3A_119 = arith.cmpi slt, %add3A_109, %sign3A_118 : vector<16xi32>
    %sign3A_120 = arith.extui %sign3A_119 : vector<16xi1> to vector<16xi32>
    %sign3A_121 = arith.subi %sign3A_116, %sign3A_120 : vector<16xi32>
    %sign3A_122 = arith.constant 0 : i32
    %sign3A_123 = arith.cmpi sgt, %jit3A_110, %sign3A_122 : i32
    %sign3A_124 = arith.extui %sign3A_123 : i1 to i32
    %sign3A_125 = arith.constant 0 : i32
    %sign3A_126 = arith.cmpi slt, %jit3A_110, %sign3A_125 : i32
    %sign3A_127 = arith.extui %sign3A_126 : i1 to i32
    %sign3A_128 = arith.subi %sign3A_124, %sign3A_127 : i32
    %ne3A_129 = vector.broadcast %sign3A_128 : i32 to vector<16xi32>
    %ne3A_130 = arith.cmpi ne, %sign3A_121, %ne3A_129 : vector<16xi32>
    %rem3A_131 = vector.broadcast %jit3A_110 : i32 to vector<16xi32>
    %rem3A_132 = arith.remsi %add3A_109, %rem3A_131 : vector<16xi32>
    %ne3A_133 = arith.constant 0 : i32
    %ne3A_134 = vector.broadcast %ne3A_133 : i32 to vector<16xi32>
    %ne3A_135 = arith.cmpi ne, %rem3A_132, %ne3A_134 : vector<16xi32>
    %and3A_136 = arith.andi %ne3A_130, %ne3A_135 : vector<16xi1>
    %sub3A_137 = arith.constant 1 : i32
    %sub3A_138 = vector.broadcast %sub3A_137 : i32 to vector<16xi32>
    %sub3A_139 = arith.subi %div3A_112, %sub3A_138 : vector<16xi32>
    %select_n3A_140 = arith.select %and3A_136, %sub3A_139, %div3A_112 : vector<16xi1>, vector<16xi32>
    %jit3A_141 = arith.constant 8 : i32
    %eq3A_142 = arith.constant 0 : i32
    %eq3A_143 = arith.cmpi eq, %jit3A_141, %eq3A_142 : i32
    %jit3A_144 = arith.constant 1 : i32
    %select_n3A_145 = arith.select %eq3A_143, %jit3A_144, %jit3A_141 : i32
    %rem3A_146 = vector.broadcast %select_n3A_145 : i32 to vector<16xi32>
    %rem3A_147 = arith.remsi %add3A_109, %rem3A_146 : vector<16xi32>
    %ne3A_148 = arith.constant 0 : i32
    %ne3A_149 = vector.broadcast %ne3A_148 : i32 to vector<16xi32>
    %ne3A_150 = arith.cmpi ne, %rem3A_147, %ne3A_149 : vector<16xi32>
    %lt3A_151 = arith.constant 0 : i32
    %lt3A_152 = vector.broadcast %lt3A_151 : i32 to vector<16xi32>
    %lt3A_153 = arith.cmpi slt, %rem3A_147, %lt3A_152 : vector<16xi32>
    %lt3A_154 = arith.constant 0 : i32
    %lt3A_155 = arith.cmpi slt, %select_n3A_145, %lt3A_154 : i32
    %ne3A_156 = vector.broadcast %lt3A_155 : i1 to vector<16xi1>
    %ne3A_157 = vector.broadcast %ne3A_156 : vector<16xi1> to vector<16xi1>
    %ne3A_158 = arith.xori %lt3A_153, %ne3A_157 : vector<16xi1>
    %and3A_159 = arith.andi %ne3A_158, %ne3A_150 : vector<16xi1>
    %add3A_160 = vector.broadcast %select_n3A_145 : i32 to vector<16xi32>
    %add3A_161 = arith.addi %rem3A_147, %add3A_160 : vector<16xi32>
    %select_n3A_162 = arith.select %and3A_159, %add3A_161, %rem3A_147 : vector<16xi1>, vector<16xi32>
    %iota3A_163 = tpu.iota {dimensions = array<i32: 0>} : vector<16xi32>
    %add3A_164 = arith.constant 48 : i32
    %add3A_165 = vector.broadcast %add3A_164 : i32 to vector<16xi32>
    %add3A_166 = arith.addi %iota3A_163, %add3A_165 : vector<16xi32>
    %jit3A_167 = arith.constant 8 : i32
    %div3A_168 = vector.broadcast %jit3A_167 : i32 to vector<16xi32>
    %div3A_169 = arith.divsi %add3A_166, %div3A_168 : vector<16xi32>
    %sign3A_170 = arith.constant 0 : i32
    %sign3A_171 = vector.broadcast %sign3A_170 : i32 to vector<16xi32>
    %sign3A_172 = arith.cmpi sgt, %add3A_166, %sign3A_171 : vector<16xi32>
    %sign3A_173 = arith.extui %sign3A_172 : vector<16xi1> to vector<16xi32>
    %sign3A_174 = arith.constant 0 : i32
    %sign3A_175 = vector.broadcast %sign3A_174 : i32 to vector<16xi32>
    %sign3A_176 = arith.cmpi slt, %add3A_166, %sign3A_175 : vector<16xi32>
    %sign3A_177 = arith.extui %sign3A_176 : vector<16xi1> to vector<16xi32>
    %sign3A_178 = arith.subi %sign3A_173, %sign3A_177 : vector<16xi32>
    %sign3A_179 = arith.constant 0 : i32
    %sign3A_180 = arith.cmpi sgt, %jit3A_167, %sign3A_179 : i32
    %sign3A_181 = arith.extui %sign3A_180 : i1 to i32
    %sign3A_182 = arith.constant 0 : i32
    %sign3A_183 = arith.cmpi slt, %jit3A_167, %sign3A_182 : i32
    %sign3A_184 = arith.extui %sign3A_183 : i1 to i32
    %sign3A_185 = arith.subi %sign3A_181, %sign3A_184 : i32
    %ne3A_186 = vector.broadcast %sign3A_185 : i32 to vector<16xi32>
    %ne3A_187 = arith.cmpi ne, %sign3A_178, %ne3A_186 : vector<16xi32>
    %rem3A_188 = vector.broadcast %jit3A_167 : i32 to vector<16xi32>
    %rem3A_189 = arith.remsi %add3A_166, %rem3A_188 : vector<16xi32>
    %ne3A_190 = arith.constant 0 : i32
    %ne3A_191 = vector.broadcast %ne3A_190 : i32 to vector<16xi32>
    %ne3A_192 = arith.cmpi ne, %rem3A_189, %ne3A_191 : vector<16xi32>
    %and3A_193 = arith.andi %ne3A_187, %ne3A_192 : vector<16xi1>
    %sub3A_194 = arith.constant 1 : i32
    %sub3A_195 = vector.broadcast %sub3A_194 : i32 to vector<16xi32>
    %sub3A_196 = arith.subi %div3A_169, %sub3A_195 : vector<16xi32>
    %select_n3A_197 = arith.select %and3A_193, %sub3A_196, %div3A_169 : vector<16xi1>, vector<16xi32>
    %jit3A_198 = arith.constant 8 : i32
    %eq3A_199 = arith.constant 0 : i32
    %eq3A_200 = arith.cmpi eq, %jit3A_198, %eq3A_199 : i32
    %jit3A_201 = arith.constant 1 : i32
    %select_n3A_202 = arith.select %eq3A_200, %jit3A_201, %jit3A_198 : i32
    %rem3A_203 = vector.broadcast %select_n3A_202 : i32 to vector<16xi32>
    %rem3A_204 = arith.remsi %add3A_166, %rem3A_203 : vector<16xi32>
    %ne3A_205 = arith.constant 0 : i32
    %ne3A_206 = vector.broadcast %ne3A_205 : i32 to vector<16xi32>
    %ne3A_207 = arith.cmpi ne, %rem3A_204, %ne3A_206 : vector<16xi32>
    %lt3A_208 = arith.constant 0 : i32
    %lt3A_209 = vector.broadcast %lt3A_208 : i32 to vector<16xi32>
    %lt3A_210 = arith.cmpi slt, %rem3A_204, %lt3A_209 : vector<16xi32>
    %lt3A_211 = arith.constant 0 : i32
    %lt3A_212 = arith.cmpi slt, %select_n3A_202, %lt3A_211 : i32
    %ne3A_213 = vector.broadcast %lt3A_212 : i1 to vector<16xi1>
    %ne3A_214 = vector.broadcast %ne3A_213 : vector<16xi1> to vector<16xi1>
    %ne3A_215 = arith.xori %lt3A_210, %ne3A_214 : vector<16xi1>
    %and3A_216 = arith.andi %ne3A_215, %ne3A_207 : vector<16xi1>
    %add3A_217 = vector.broadcast %select_n3A_202 : i32 to vector<16xi32>
    %add3A_218 = arith.addi %rem3A_204, %add3A_217 : vector<16xi32>
    %select_n3A_219 = arith.select %and3A_216, %add3A_218, %rem3A_204 : vector<16xi1>, vector<16xi32>
    "tpu.region"() ({
      %run_scoped3A = tpu.sem_alloc : memref<!tpu.dma_semaphore, #tpu.memory_space<semaphore_mem>>
      %dma_start3A_335 = arith.constant 0 : i32
      %dma_start3A_336 = tpu.memref_slice %arg2[%dma_start3A_335, %mul3A_2] : memref<200x4096xi32, #tpu.memory_space<hbm>> -> memref<2x128xi32, #tpu.memory_space<hbm>>
      %dma_start3A_337 = arith.constant 0 : i32
      %dma_start3A_338 = tpu.memref_slice %arg2[%dma_start3A_337, %mul3A_2] : memref<200x4096xi32, #tpu.memory_space<hbm>> -> memref<2x128xi32, #tpu.memory_space<hbm>>
      tpu.enqueue_dma source(%dma_start3A_338 : memref<2x128xi32, #tpu.memory_space<hbm>>) target(%arg5 : memref<2x128xi32, #tpu.memory_space<vmem>>) target_semaphore(%run_scoped3A : memref<!tpu.dma_semaphore, #tpu.memory_space<semaphore_mem>>)
      %dma_wait3A_339 = arith.constant 0 : i32
      %dma_wait3A_340 = tpu.memref_slice %arg2[%dma_wait3A_339, %mul3A_2] : memref<200x4096xi32, #tpu.memory_space<hbm>> -> memref<2x128xi32, #tpu.memory_space<hbm>>
      %dma_wait3A_341 = arith.constant 0 : i32
      %dma_wait3A_342 = tpu.memref_slice %arg2[%dma_wait3A_341, %mul3A_2] : memref<200x4096xi32, #tpu.memory_space<hbm>> -> memref<2x128xi32, #tpu.memory_space<hbm>>
      tpu.wait_dma2 semaphore(%run_scoped3A : memref<!tpu.dma_semaphore, #tpu.memory_space<semaphore_mem>>) src(%dma_wait3A_342 : memref<2x128xi32, #tpu.memory_space<hbm>>) dst(%arg5 : memref<2x128xi32, #tpu.memory_space<vmem>>)
      tpu.yield
    }) : () -> ()
    %dma_start3A = arith.constant 0 : i32
    %dma_start3A_220 = arith.constant 0 : i32
    %dma_start3A_221 = arith.constant 0 : i32
    %dma_start3A_222 = arith.constant 0 : i32
    %dma_start3A_223 = tpu.memref_slice %arg7[%dma_start3A_220, %dma_start3A_221, %dma_start3A_222] : memref<2x128x64xf32, #tpu.memory_space<vmem>> -> memref<1x128x64xf32, #tpu.memory_space<vmem>>
    %dma_start3A_224 = tpu.memref_squeeze %dma_start3A_223 : memref<1x128x64xf32, #tpu.memory_space<vmem>> -> memref<128x64xf32, #tpu.memory_space<vmem>>
    %dma_start3A_225 = arith.constant 0 : i32
    %dma_start3A_226 = tpu.memref_slice %arg5[%dma_start3A, %dma_start3A_225] : memref<2x128xi32, #tpu.memory_space<vmem>> -> memref<1x128xi32, #tpu.memory_space<vmem>>
    %dma_start3A_227 = tpu.memref_squeeze %dma_start3A_226 : memref<1x128xi32, #tpu.memory_space<vmem>> -> memref<128xi32, #tpu.memory_space<vmem>>
    %dma_start3A_228 = arith.constant 0 : i32
    %dma_start3A_229 = arith.constant 0 : i32
    %dma_start3A_230 = tpu.memref_slice %arg3[%dma_start3A_228, %dma_start3A_229] : memref<1000000x64xf32, #tpu.memory_space<hbm>> -> memref<1000000x64xf32, #tpu.memory_space<hbm>>
    tpu.enqueue_indirect_dma source(%dma_start3A_230 : memref<1000000x64xf32, #tpu.memory_space<hbm>>) target(%dma_start3A_224 : memref<128x64xf32, #tpu.memory_space<vmem>>) offsets(%dma_start3A_227 : memref<128xi32, #tpu.memory_space<vmem>>) semaphore(%arg11 : memref<!tpu.dma_semaphore, #tpu.memory_space<semaphore_mem>>)
    %dma_start3A_231 = arith.constant 1 : i32
    %dma_start3A_232 = arith.constant 1 : i32
    %dma_start3A_233 = arith.constant 0 : i32
    %dma_start3A_234 = arith.constant 0 : i32
    %dma_start3A_235 = tpu.memref_slice %arg7[%dma_start3A_232, %dma_start3A_233, %dma_start3A_234] : memref<2x128x64xf32, #tpu.memory_space<vmem>> -> memref<1x128x64xf32, #tpu.memory_space<vmem>>
    %dma_start3A_236 = tpu.memref_squeeze %dma_start3A_235 : memref<1x128x64xf32, #tpu.memory_space<vmem>> -> memref<128x64xf32, #tpu.memory_space<vmem>>
    %dma_start3A_237 = arith.constant 0 : i32
    %dma_start3A_238 = tpu.memref_slice %arg5[%dma_start3A_231, %dma_start3A_237] : memref<2x128xi32, #tpu.memory_space<vmem>> -> memref<1x128xi32, #tpu.memory_space<vmem>>
    %dma_start3A_239 = tpu.memref_squeeze %dma_start3A_238 : memref<1x128xi32, #tpu.memory_space<vmem>> -> memref<128xi32, #tpu.memory_space<vmem>>
    %dma_start3A_240 = arith.constant 0 : i32
    %dma_start3A_241 = arith.constant 0 : i32
    %dma_start3A_242 = tpu.memref_slice %arg3[%dma_start3A_240, %dma_start3A_241] : memref<1000000x64xf32, #tpu.memory_space<hbm>> -> memref<1000000x64xf32, #tpu.memory_space<hbm>>
    tpu.enqueue_indirect_dma source(%dma_start3A_242 : memref<1000000x64xf32, #tpu.memory_space<hbm>>) target(%dma_start3A_236 : memref<128x64xf32, #tpu.memory_space<vmem>>) offsets(%dma_start3A_239 : memref<128xi32, #tpu.memory_space<vmem>>) semaphore(%arg11 : memref<!tpu.dma_semaphore, #tpu.memory_space<semaphore_mem>>)
    %scan3A = arith.constant 0 : i32
    %scan3A_243 = arith.constant 0 : i32
    %scan3A_244 = arith.constant 50 : i32
    %scan3A_245 = arith.addi %scan3A_243, %scan3A_244 : i32
    %scan3A_246 = arith.constant 1 : i32
    scf.for %scan3A_335 = %scan3A_243 to %scan3A_245 step %scan3A_246  : i32 {
      %mul3A_336 = arith.constant 2 : i32
      %mul3A_337 = arith.muli %scan3A_335, %mul3A_336 : i32
      %add3A_338 = arith.constant 0 : i32
      %add3A_339 = arith.addi %mul3A_337, %add3A_338 : i32
      %add3A_340 = arith.constant 1 : i32
      %add3A_341 = arith.addi %add3A_339, %add3A_340 : i32
      %lt3A_342 = arith.constant 100 : i32
      %lt3A_343 = arith.cmpi slt, %add3A_341, %lt3A_342 : i32
      %convert_element_type3A = arith.extui %lt3A_343 : i1 to i32
      %cond3A = arith.constant 0 : i32
      %cond3A_344 = arith.cmpi ne, %convert_element_type3A, %cond3A : i32
      scf.if %cond3A_344 {
        %add3A_532 = arith.constant 1 : i32
        %add3A_533 = arith.addi %add3A_339, %add3A_532 : i32
        %mul3A_534 = arith.constant 2 : i32
        %mul3A_535 = arith.muli %add3A_533, %mul3A_534 : i32
        "tpu.region"() ({
          %run_scoped3A = tpu.sem_alloc : memref<!tpu.dma_semaphore, #tpu.memory_space<semaphore_mem>>
          %dma_start3A_560 = tpu.memref_slice %arg2[%mul3A_535, %mul3A_2] : memref<200x4096xi32, #tpu.memory_space<hbm>> -> memref<2x128xi32, #tpu.memory_space<hbm>>
          %dma_start3A_561 = tpu.memref_slice %arg2[%mul3A_535, %mul3A_2] : memref<200x4096xi32, #tpu.memory_space<hbm>> -> memref<2x128xi32, #tpu.memory_space<hbm>>
          tpu.enqueue_dma source(%dma_start3A_561 : memref<2x128xi32, #tpu.memory_space<hbm>>) target(%arg6 : memref<2x128xi32, #tpu.memory_space<vmem>>) target_semaphore(%run_scoped3A : memref<!tpu.dma_semaphore, #tpu.memory_space<semaphore_mem>>)
          %dma_wait3A_562 = tpu.memref_slice %arg2[%mul3A_535, %mul3A_2] : memref<200x4096xi32, #tpu.memory_space<hbm>> -> memref<2x128xi32, #tpu.memory_space<hbm>>
          %dma_wait3A_563 = tpu.memref_slice %arg2[%mul3A_535, %mul3A_2] : memref<200x4096xi32, #tpu.memory_space<hbm>> -> memref<2x128xi32, #tpu.memory_space<hbm>>
          tpu.wait_dma2 semaphore(%run_scoped3A : memref<!tpu.dma_semaphore, #tpu.memory_space<semaphore_mem>>) src(%dma_wait3A_563 : memref<2x128xi32, #tpu.memory_space<hbm>>) dst(%arg6 : memref<2x128xi32, #tpu.memory_space<vmem>>)
          tpu.yield
        }) : () -> ()
        %dma_start3A_536 = arith.constant 0 : i32
        %dma_start3A_537 = arith.constant 0 : i32
        %dma_start3A_538 = arith.constant 0 : i32
        %dma_start3A_539 = arith.constant 0 : i32
        %dma_start3A_540 = tpu.memref_slice %arg8[%dma_start3A_537, %dma_start3A_538, %dma_start3A_539] : memref<2x128x64xf32, #tpu.memory_space<vmem>> -> memref<1x128x64xf32, #tpu.memory_space<vmem>>
        %dma_start3A_541 = tpu.memref_squeeze %dma_start3A_540 : memref<1x128x64xf32, #tpu.memory_space<vmem>> -> memref<128x64xf32, #tpu.memory_space<vmem>>
        %dma_start3A_542 = arith.constant 0 : i32
        %dma_start3A_543 = tpu.memref_slice %arg6[%dma_start3A_536, %dma_start3A_542] : memref<2x128xi32, #tpu.memory_space<vmem>> -> memref<1x128xi32, #tpu.memory_space<vmem>>
        %dma_start3A_544 = tpu.memref_squeeze %dma_start3A_543 : memref<1x128xi32, #tpu.memory_space<vmem>> -> memref<128xi32, #tpu.memory_space<vmem>>
        %dma_start3A_545 = arith.constant 0 : i32
        %dma_start3A_546 = arith.constant 0 : i32
        %dma_start3A_547 = tpu.memref_slice %arg3[%dma_start3A_545, %dma_start3A_546] : memref<1000000x64xf32, #tpu.memory_space<hbm>> -> memref<1000000x64xf32, #tpu.memory_space<hbm>>
        tpu.enqueue_indirect_dma source(%dma_start3A_547 : memref<1000000x64xf32, #tpu.memory_space<hbm>>) target(%dma_start3A_541 : memref<128x64xf32, #tpu.memory_space<vmem>>) offsets(%dma_start3A_544 : memref<128xi32, #tpu.memory_space<vmem>>) semaphore(%arg12 : memref<!tpu.dma_semaphore, #tpu.memory_space<semaphore_mem>>)
        %dma_start3A_548 = arith.constant 1 : i32
        %dma_start3A_549 = arith.constant 1 : i32
        %dma_start3A_550 = arith.constant 0 : i32
        %dma_start3A_551 = arith.constant 0 : i32
        %dma_start3A_552 = tpu.memref_slice %arg8[%dma_start3A_549, %dma_start3A_550, %dma_start3A_551] : memref<2x128x64xf32, #tpu.memory_space<vmem>> -> memref<1x128x64xf32, #tpu.memory_space<vmem>>
        %dma_start3A_553 = tpu.memref_squeeze %dma_start3A_552 : memref<1x128x64xf32, #tpu.memory_space<vmem>> -> memref<128x64xf32, #tpu.memory_space<vmem>>
        %dma_start3A_554 = arith.constant 0 : i32
        %dma_start3A_555 = tpu.memref_slice %arg6[%dma_start3A_548, %dma_start3A_554] : memref<2x128xi32, #tpu.memory_space<vmem>> -> memref<1x128xi32, #tpu.memory_space<vmem>>
        %dma_start3A_556 = tpu.memref_squeeze %dma_start3A_555 : memref<1x128xi32, #tpu.memory_space<vmem>> -> memref<128xi32, #tpu.memory_space<vmem>>
        %dma_start3A_557 = arith.constant 0 : i32
        %dma_start3A_558 = arith.constant 0 : i32
        %dma_start3A_559 = tpu.memref_slice %arg3[%dma_start3A_557, %dma_start3A_558] : memref<1000000x64xf32, #tpu.memory_space<hbm>> -> memref<1000000x64xf32, #tpu.memory_space<hbm>>
        tpu.enqueue_indirect_dma source(%dma_start3A_559 : memref<1000000x64xf32, #tpu.memory_space<hbm>>) target(%dma_start3A_553 : memref<128x64xf32, #tpu.memory_space<vmem>>) offsets(%dma_start3A_556 : memref<128xi32, #tpu.memory_space<vmem>>) semaphore(%arg12 : memref<!tpu.dma_semaphore, #tpu.memory_space<semaphore_mem>>)
      } else {
      }
      %dma_wait3A_345 = arith.constant 0 : i32
      %dma_wait3A_346 = arith.constant 0 : i32
      %dma_wait3A_347 = arith.constant 0 : i32
      %dma_wait3A_348 = arith.constant 0 : i32
      %dma_wait3A_349 = tpu.memref_slice %arg7[%dma_wait3A_346, %dma_wait3A_347, %dma_wait3A_348] : memref<2x128x64xf32, #tpu.memory_space<vmem>> -> memref<1x128x64xf32, #tpu.memory_space<vmem>>
      %dma_wait3A_350 = tpu.memref_squeeze %dma_wait3A_349 : memref<1x128x64xf32, #tpu.memory_space<vmem>> -> memref<128x64xf32, #tpu.memory_space<vmem>>
      %dma_wait3A_351 = arith.constant 0 : i32
      %dma_wait3A_352 = tpu.memref_slice %arg5[%dma_wait3A_345, %dma_wait3A_351] : memref<2x128xi32, #tpu.memory_space<vmem>> -> memref<1x128xi32, #tpu.memory_space<vmem>>
      %dma_wait3A_353 = tpu.memref_squeeze %dma_wait3A_352 : memref<1x128xi32, #tpu.memory_space<vmem>> -> memref<128xi32, #tpu.memory_space<vmem>>
      %dma_wait3A_354 = arith.constant 0 : i32
      %dma_wait3A_355 = arith.constant 0 : i32
      %dma_wait3A_356 = tpu.memref_slice %arg3[%dma_wait3A_354, %dma_wait3A_355] : memref<1000000x64xf32, #tpu.memory_space<hbm>> -> memref<1000000x64xf32, #tpu.memory_space<hbm>>
      tpu.wait_indirect_dma semaphore(%arg11 : memref<!tpu.dma_semaphore, #tpu.memory_space<semaphore_mem>>) src(%dma_wait3A_356 : memref<1000000x64xf32, #tpu.memory_space<hbm>>) dst(%dma_wait3A_350 : memref<128x64xf32, #tpu.memory_space<vmem>>)
      %dma_wait3A_357 = arith.constant 1 : i32
      %dma_wait3A_358 = arith.constant 1 : i32
      %dma_wait3A_359 = arith.constant 0 : i32
      %dma_wait3A_360 = arith.constant 0 : i32
      %dma_wait3A_361 = tpu.memref_slice %arg7[%dma_wait3A_358, %dma_wait3A_359, %dma_wait3A_360] : memref<2x128x64xf32, #tpu.memory_space<vmem>> -> memref<1x128x64xf32, #tpu.memory_space<vmem>>
      %dma_wait3A_362 = tpu.memref_squeeze %dma_wait3A_361 : memref<1x128x64xf32, #tpu.memory_space<vmem>> -> memref<128x64xf32, #tpu.memory_space<vmem>>
      %dma_wait3A_363 = arith.constant 0 : i32
      %dma_wait3A_364 = tpu.memref_slice %arg5[%dma_wait3A_357, %dma_wait3A_363] : memref<2x128xi32, #tpu.memory_space<vmem>> -> memref<1x128xi32, #tpu.memory_space<vmem>>
      %dma_wait3A_365 = tpu.memref_squeeze %dma_wait3A_364 : memref<1x128xi32, #tpu.memory_space<vmem>> -> memref<128xi32, #tpu.memory_space<vmem>>
      %dma_wait3A_366 = arith.constant 0 : i32
      %dma_wait3A_367 = arith.constant 0 : i32
      %dma_wait3A_368 = tpu.memref_slice %arg3[%dma_wait3A_366, %dma_wait3A_367] : memref<1000000x64xf32, #tpu.memory_space<hbm>> -> memref<1000000x64xf32, #tpu.memory_space<hbm>>
      tpu.wait_indirect_dma semaphore(%arg11 : memref<!tpu.dma_semaphore, #tpu.memory_space<semaphore_mem>>) src(%dma_wait3A_368 : memref<1000000x64xf32, #tpu.memory_space<hbm>>) dst(%dma_wait3A_362 : memref<128x64xf32, #tpu.memory_space<vmem>>)
      %ge3A = arith.constant 2 : i32
      %ge3A_369 = arith.cmpi sge, %add3A_339, %ge3A : i32
      %convert_element_type3A_370 = arith.extui %ge3A_369 : i1 to i32
      %cond3A_371 = arith.constant 0 : i32
      %cond3A_372 = arith.cmpi ne, %convert_element_type3A_370, %cond3A_371 : i32
      scf.if %cond3A_372 {
        %sub3A_532 = arith.constant 2 : i32
        %sub3A_533 = arith.subi %add3A_339, %sub3A_532 : i32
        %mul3A_534 = arith.constant 2 : i32
        %mul3A_535 = arith.muli %sub3A_533, %mul3A_534 : i32
        %add3A_536 = arith.constant 0 : i32
        %add3A_537 = arith.addi %mul3A_535, %add3A_536 : i32
        %dma_wait3A_538 = arith.constant 0 : i32
        %dma_wait3A_539 = arith.constant 0 : i32
        %dma_wait3A_540 = arith.constant 0 : i32
        %dma_wait3A_541 = arith.constant 0 : i32
        %dma_wait3A_542 = tpu.memref_slice %arg9[%dma_wait3A_538, %dma_wait3A_539, %dma_wait3A_540, %dma_wait3A_541] : memref<2x8x8x129xf32, #tpu.memory_space<vmem>> -> memref<1x8x8x128xf32, #tpu.memory_space<vmem>>
        %dma_wait3A_543 = tpu.memref_squeeze %dma_wait3A_542 : memref<1x8x8x128xf32, #tpu.memory_space<vmem>> -> memref<8x8x128xf32, #tpu.memory_space<vmem>>
        %dma_wait3A_544 = arith.constant 0 : i32
        %dma_wait3A_545 = arith.constant 0 : i32
        %dma_wait3A_546 = arith.constant 0 : i32
        %dma_wait3A_547 = tpu.memref_slice %arg4[%add3A_537, %dma_wait3A_544, %add3A, %dma_wait3A_545, %dma_wait3A_546] : memref<200x8x32x8x128xf32, #tpu.memory_space<hbm>> -> memref<1x8x1x8x128xf32, #tpu.memory_space<hbm>>
        %dma_wait3A_548 = tpu.memref_squeeze %dma_wait3A_547 : memref<1x8x1x8x128xf32, #tpu.memory_space<hbm>> -> memref<8x8x128xf32, #tpu.memory_space<hbm>>
        %dma_wait3A_549 = arith.constant 0 : i32
        %dma_wait3A_550 = arith.constant 0 : i32
        %dma_wait3A_551 = arith.constant 0 : i32
        %dma_wait3A_552 = tpu.memref_slice %arg4[%add3A_537, %dma_wait3A_549, %add3A, %dma_wait3A_550, %dma_wait3A_551] : memref<200x8x32x8x128xf32, #tpu.memory_space<hbm>> -> memref<1x8x1x8x128xf32, #tpu.memory_space<hbm>>
        %dma_wait3A_553 = tpu.memref_squeeze %dma_wait3A_552 : memref<1x8x1x8x128xf32, #tpu.memory_space<hbm>> -> memref<8x8x128xf32, #tpu.memory_space<hbm>>
        %dma_wait3A_554 = arith.constant 0 : i32
        %dma_wait3A_555 = arith.constant 0 : i32
        %dma_wait3A_556 = arith.constant 0 : i32
        %dma_wait3A_557 = tpu.memref_slice %arg9[%dma_wait3A_538, %dma_wait3A_554, %dma_wait3A_555, %dma_wait3A_556] : memref<2x8x8x129xf32, #tpu.memory_space<vmem>> -> memref<1x8x8x128xf32, #tpu.memory_space<vmem>>
        %dma_wait3A_558 = tpu.memref_squeeze %dma_wait3A_557 : memref<1x8x8x128xf32, #tpu.memory_space<vmem>> -> memref<8x8x128xf32, #tpu.memory_space<vmem>>
        tpu.wait_dma2 semaphore(%arg13 : memref<!tpu.dma_semaphore, #tpu.memory_space<semaphore_mem>>) src(%dma_wait3A_558 : memref<8x8x128xf32, #tpu.memory_space<vmem>>) dst(%dma_wait3A_553 : memref<8x8x128xf32, #tpu.memory_space<hbm>>)
        %mul3A_559 = arith.constant 2 : i32
        %mul3A_560 = arith.muli %sub3A_533, %mul3A_559 : i32
        %add3A_561 = arith.constant 1 : i32
        %add3A_562 = arith.addi %mul3A_560, %add3A_561 : i32
        %dma_wait3A_563 = arith.constant 1 : i32
        %dma_wait3A_564 = arith.constant 0 : i32
        %dma_wait3A_565 = arith.constant 0 : i32
        %dma_wait3A_566 = arith.constant 0 : i32
        %dma_wait3A_567 = tpu.memref_slice %arg9[%dma_wait3A_563, %dma_wait3A_564, %dma_wait3A_565, %dma_wait3A_566] : memref<2x8x8x129xf32, #tpu.memory_space<vmem>> -> memref<1x8x8x128xf32, #tpu.memory_space<vmem>>
        %dma_wait3A_568 = tpu.memref_squeeze %dma_wait3A_567 : memref<1x8x8x128xf32, #tpu.memory_space<vmem>> -> memref<8x8x128xf32, #tpu.memory_space<vmem>>
        %dma_wait3A_569 = arith.constant 0 : i32
        %dma_wait3A_570 = arith.constant 0 : i32
        %dma_wait3A_571 = arith.constant 0 : i32
        %dma_wait3A_572 = tpu.memref_slice %arg4[%add3A_562, %dma_wait3A_569, %add3A, %dma_wait3A_570, %dma_wait3A_571] : memref<200x8x32x8x128xf32, #tpu.memory_space<hbm>> -> memref<1x8x1x8x128xf32, #tpu.memory_space<hbm>>
        %dma_wait3A_573 = tpu.memref_squeeze %dma_wait3A_572 : memref<1x8x1x8x128xf32, #tpu.memory_space<hbm>> -> memref<8x8x128xf32, #tpu.memory_space<hbm>>
        %dma_wait3A_574 = arith.constant 0 : i32
        %dma_wait3A_575 = arith.constant 0 : i32
        %dma_wait3A_576 = arith.constant 0 : i32
        %dma_wait3A_577 = tpu.memref_slice %arg4[%add3A_562, %dma_wait3A_574, %add3A, %dma_wait3A_575, %dma_wait3A_576] : memref<200x8x32x8x128xf32, #tpu.memory_space<hbm>> -> memref<1x8x1x8x128xf32, #tpu.memory_space<hbm>>
        %dma_wait3A_578 = tpu.memref_squeeze %dma_wait3A_577 : memref<1x8x1x8x128xf32, #tpu.memory_space<hbm>> -> memref<8x8x128xf32, #tpu.memory_space<hbm>>
        %dma_wait3A_579 = arith.constant 0 : i32
        %dma_wait3A_580 = arith.constant 0 : i32
        %dma_wait3A_581 = arith.constant 0 : i32
        %dma_wait3A_582 = tpu.memref_slice %arg9[%dma_wait3A_563, %dma_wait3A_579, %dma_wait3A_580, %dma_wait3A_581] : memref<2x8x8x129xf32, #tpu.memory_space<vmem>> -> memref<1x8x8x128xf32, #tpu.memory_space<vmem>>
        %dma_wait3A_583 = tpu.memref_squeeze %dma_wait3A_582 : memref<1x8x8x128xf32, #tpu.memory_space<vmem>> -> memref<8x8x128xf32, #tpu.memory_space<vmem>>
        tpu.wait_dma2 semaphore(%arg13 : memref<!tpu.dma_semaphore, #tpu.memory_space<semaphore_mem>>) src(%dma_wait3A_583 : memref<8x8x128xf32, #tpu.memory_space<vmem>>) dst(%dma_wait3A_578 : memref<8x8x128xf32, #tpu.memory_space<hbm>>)
      } else {
      }
      %parallel_loop3A = arith.constant 0 : i32
      %parallel_loop3A_373 = arith.constant 128 : i32
      %parallel_loop3A_374 = arith.constant 1 : i32
      %parallel_loop3A_375 = arith.constant 0 : i32
      %parallel_loop3A_376 = arith.constant 0 : i32
      scf.for %parallel_loop3A_532 = %parallel_loop3A to %parallel_loop3A_373 step %parallel_loop3A_374  : i32 {
        %parallel_loop3A_533 = arith.constant 0 : i32
        %parallel_loop3A_534 = vector.broadcast %parallel_loop3A_533 : i32 to vector<16xi32>
        %parallel_loop3A_535 = vector.broadcast %parallel_loop3A_532 : i32 to vector<16xi32>
        %parallel_loop3A_536 = arith.addi %parallel_loop3A_534, %parallel_loop3A_535 : vector<16xi32>
        %parallel_loop3A_537 = arith.constant 0 : i32
        %parallel_loop3A_538 = arith.constant 0 : i32
        %parallel_loop3A_539 = tpu.memref_slice %arg7[%parallel_loop3A_375, %parallel_loop3A_537, %parallel_loop3A_538] : memref<2x128x64xf32, #tpu.memory_space<vmem>> -> memref<1x128x64xf32, #tpu.memory_space<vmem>>
        %parallel_loop3A_540 = tpu.memref_squeeze %parallel_loop3A_539 : memref<1x128x64xf32, #tpu.memory_space<vmem>> -> memref<128x64xf32, #tpu.memory_space<vmem>>
        %parallel_loop3A_541 = arith.index_cast %parallel_loop3A_532 : i32 to index
        %parallel_loop3A_542 = arith.constant 0 : index
        %parallel_loop3A_543 = tpu.vector_load %parallel_loop3A_540[%parallel_loop3A_541, %parallel_loop3A_542] {strides = array<i32>} : memref<128x64xf32, #tpu.memory_space<vmem>>, vector<16xf32>,
        %parallel_loop3A_544 = arith.constant 8.000000e+00 : f32
        %parallel_loop3A_545 = vector.broadcast %parallel_loop3A_544 : f32 to vector<16xf32>
        %parallel_loop3A_546 = arith.mulf %parallel_loop3A_543, %parallel_loop3A_545 : vector<16xf32>
        %parallel_loop3A_547 = arith.constant 0 : i32
        %parallel_loop3A_548 = arith.constant 0 : i32
        %parallel_loop3A_549 = arith.constant 0 : i32
        %parallel_loop3A_550 = tpu.memref_slice %arg9[%parallel_loop3A_376, %parallel_loop3A_547, %parallel_loop3A_548, %parallel_loop3A_549] : memref<2x8x8x129xf32, #tpu.memory_space<vmem>> -> memref<1x8x8x129xf32, #tpu.memory_space<vmem>>
        %parallel_loop3A_551 = tpu.memref_squeeze %parallel_loop3A_550 : memref<1x8x8x129xf32, #tpu.memory_space<vmem>> -> memref<8x8x129xf32, #tpu.memory_space<vmem>>
        tpu.vector_store_idx %parallel_loop3A_551[%select_n3A, %select_n3A_48, %parallel_loop3A_536], %parallel_loop3A_546 : memref<8x8x129xf32, #tpu.memory_space<vmem>>[vector<16xi32>, vector<16xi32>, vector<16xi32>], vector<16xf32>,
        %parallel_loop3A_552 = arith.constant 0 : i32
        %parallel_loop3A_553 = arith.constant 0 : i32
        %parallel_loop3A_554 = tpu.memref_slice %arg7[%parallel_loop3A_375, %parallel_loop3A_552, %parallel_loop3A_553] : memref<2x128x64xf32, #tpu.memory_space<vmem>> -> memref<1x128x64xf32, #tpu.memory_space<vmem>>
        %parallel_loop3A_555 = tpu.memref_squeeze %parallel_loop3A_554 : memref<1x128x64xf32, #tpu.memory_space<vmem>> -> memref<128x64xf32, #tpu.memory_space<vmem>>
        %parallel_loop3A_556 = arith.index_cast %parallel_loop3A_532 : i32 to index
        %parallel_loop3A_557 = arith.constant 16 : index
        %parallel_loop3A_558 = tpu.vector_load %parallel_loop3A_555[%parallel_loop3A_556, %parallel_loop3A_557] {strides = array<i32>} : memref<128x64xf32, #tpu.memory_space<vmem>>, vector<16xf32>,
        %parallel_loop3A_559 = arith.constant 8.000000e+00 : f32
        %parallel_loop3A_560 = vector.broadcast %parallel_loop3A_559 : f32 to vector<16xf32>
        %parallel_loop3A_561 = arith.mulf %parallel_loop3A_558, %parallel_loop3A_560 : vector<16xf32>
        %parallel_loop3A_562 = arith.constant 0 : i32
        %parallel_loop3A_563 = arith.constant 0 : i32
        %parallel_loop3A_564 = arith.constant 0 : i32
        %parallel_loop3A_565 = tpu.memref_slice %arg9[%parallel_loop3A_376, %parallel_loop3A_562, %parallel_loop3A_563, %parallel_loop3A_564] : memref<2x8x8x129xf32, #tpu.memory_space<vmem>> -> memref<1x8x8x129xf32, #tpu.memory_space<vmem>>
        %parallel_loop3A_566 = tpu.memref_squeeze %parallel_loop3A_565 : memref<1x8x8x129xf32, #tpu.memory_space<vmem>> -> memref<8x8x129xf32, #tpu.memory_space<vmem>>
        tpu.vector_store_idx %parallel_loop3A_566[%select_n3A_83, %select_n3A_105, %parallel_loop3A_536], %parallel_loop3A_561 : memref<8x8x129xf32, #tpu.memory_space<vmem>>[vector<16xi32>, vector<16xi32>, vector<16xi32>], vector<16xf32>,
        %parallel_loop3A_567 = arith.constant 0 : i32
        %parallel_loop3A_568 = arith.constant 0 : i32
        %parallel_loop3A_569 = tpu.memref_slice %arg7[%parallel_loop3A_375, %parallel_loop3A_567, %parallel_loop3A_568] : memref<2x128x64xf32, #tpu.memory_space<vmem>> -> memref<1x128x64xf32, #tpu.memory_space<vmem>>
        %parallel_loop3A_570 = tpu.memref_squeeze %parallel_loop3A_569 : memref<1x128x64xf32, #tpu.memory_space<vmem>> -> memref<128x64xf32, #tpu.memory_space<vmem>>
        %parallel_loop3A_571 = arith.index_cast %parallel_loop3A_532 : i32 to index
        %parallel_loop3A_572 = arith.constant 32 : index
        %parallel_loop3A_573 = tpu.vector_load %parallel_loop3A_570[%parallel_loop3A_571, %parallel_loop3A_572] {strides = array<i32>} : memref<128x64xf32, #tpu.memory_space<vmem>>, vector<16xf32>,
        %parallel_loop3A_574 = arith.constant 8.000000e+00 : f32
        %parallel_loop3A_575 = vector.broadcast %parallel_loop3A_574 : f32 to vector<16xf32>
        %parallel_loop3A_576 = arith.mulf %parallel_loop3A_573, %parallel_loop3A_575 : vector<16xf32>
        %parallel_loop3A_577 = arith.constant 0 : i32
        %parallel_loop3A_578 = arith.constant 0 : i32
        %parallel_loop3A_579 = arith.constant 0 : i32
        %parallel_loop3A_580 = tpu.memref_slice %arg9[%parallel_loop3A_376, %parallel_loop3A_577, %parallel_loop3A_578, %parallel_loop3A_579] : memref<2x8x8x129xf32, #tpu.memory_space<vmem>> -> memref<1x8x8x129xf32, #tpu.memory_space<vmem>>
        %parallel_loop3A_581 = tpu.memref_squeeze %parallel_loop3A_580 : memref<1x8x8x129xf32, #tpu.memory_space<vmem>> -> memref<8x8x129xf32, #tpu.memory_space<vmem>>
        tpu.vector_store_idx %parallel_loop3A_581[%select_n3A_140, %select_n3A_162, %parallel_loop3A_536], %parallel_loop3A_576 : memref<8x8x129xf32, #tpu.memory_space<vmem>>[vector<16xi32>, vector<16xi32>, vector<16xi32>], vector<16xf32>,
        %parallel_loop3A_582 = arith.constant 0 : i32
        %parallel_loop3A_583 = arith.constant 0 : i32
        %parallel_loop3A_584 = tpu.memref_slice %arg7[%parallel_loop3A_375, %parallel_loop3A_582, %parallel_loop3A_583] : memref<2x128x64xf32, #tpu.memory_space<vmem>> -> memref<1x128x64xf32, #tpu.memory_space<vmem>>
        %parallel_loop3A_585 = tpu.memref_squeeze %parallel_loop3A_584 : memref<1x128x64xf32, #tpu.memory_space<vmem>> -> memref<128x64xf32, #tpu.memory_space<vmem>>
        %parallel_loop3A_586 = arith.index_cast %parallel_loop3A_532 : i32 to index
        %parallel_loop3A_587 = arith.constant 48 : index
        %parallel_loop3A_588 = tpu.vector_load %parallel_loop3A_585[%parallel_loop3A_586, %parallel_loop3A_587] {strides = array<i32>} : memref<128x64xf32, #tpu.memory_space<vmem>>, vector<16xf32>,
        %parallel_loop3A_589 = arith.constant 8.000000e+00 : f32
        %parallel_loop3A_590 = vector.broadcast %parallel_loop3A_589 : f32 to vector<16xf32>
        %parallel_loop3A_591 = arith.mulf %parallel_loop3A_588, %parallel_loop3A_590 : vector<16xf32>
        %parallel_loop3A_592 = arith.constant 0 : i32
        %parallel_loop3A_593 = arith.constant 0 : i32
        %parallel_loop3A_594 = arith.constant 0 : i32
        %parallel_loop3A_595 = tpu.memref_slice %arg9[%parallel_loop3A_376, %parallel_loop3A_592, %parallel_loop3A_593, %parallel_loop3A_594] : memref<2x8x8x129xf32, #tpu.memory_space<vmem>> -> memref<1x8x8x129xf32, #tpu.memory_space<vmem>>
        %parallel_loop3A_596 = tpu.memref_squeeze %parallel_loop3A_595 : memref<1x8x8x129xf32, #tpu.memory_space<vmem>> -> memref<8x8x129xf32, #tpu.memory_space<vmem>>
        tpu.vector_store_idx %parallel_loop3A_596[%select_n3A_197, %select_n3A_219, %parallel_loop3A_536], %parallel_loop3A_591 : memref<8x8x129xf32, #tpu.memory_space<vmem>>[vector<16xi32>, vector<16xi32>, vector<16xi32>], vector<16xf32>,
      } {sc.loop_unroll_factor = 8 : i64, sc.parallel_access}
      %mul3A_377 = arith.constant 2 : i32
      %mul3A_378 = arith.muli %add3A_339, %mul3A_377 : i32
      %add3A_379 = arith.constant 0 : i32
      %add3A_380 = arith.addi %mul3A_378, %add3A_379 : i32
      %dma_start3A_381 = arith.constant 0 : i32
      %dma_start3A_382 = arith.constant 0 : i32
      %dma_start3A_383 = arith.constant 0 : i32
      %dma_start3A_384 = arith.constant 0 : i32
      %dma_start3A_385 = tpu.memref_slice %arg9[%dma_start3A_381, %dma_start3A_382, %dma_start3A_383, %dma_start3A_384] : memref<2x8x8x129xf32, #tpu.memory_space<vmem>> -> memref<1x8x8x128xf32, #tpu.memory_space<vmem>>
      %dma_start3A_386 = tpu.memref_squeeze %dma_start3A_385 : memref<1x8x8x128xf32, #tpu.memory_space<vmem>> -> memref<8x8x128xf32, #tpu.memory_space<vmem>>
      %dma_start3A_387 = arith.constant 0 : i32
      %dma_start3A_388 = arith.constant 0 : i32
      %dma_start3A_389 = arith.constant 0 : i32
      %dma_start3A_390 = tpu.memref_slice %arg4[%add3A_380, %dma_start3A_387, %add3A, %dma_start3A_388, %dma_start3A_389] : memref<200x8x32x8x128xf32, #tpu.memory_space<hbm>> -> memref<1x8x1x8x128xf32, #tpu.memory_space<hbm>>
      %dma_start3A_391 = tpu.memref_squeeze %dma_start3A_390 : memref<1x8x1x8x128xf32, #tpu.memory_space<hbm>> -> memref<8x8x128xf32, #tpu.memory_space<hbm>>
      %dma_start3A_392 = arith.constant 0 : i32
      %dma_start3A_393 = arith.constant 0 : i32
      %dma_start3A_394 = arith.constant 0 : i32
      %dma_start3A_395 = tpu.memref_slice %arg4[%add3A_380, %dma_start3A_392, %add3A, %dma_start3A_393, %dma_start3A_394] : memref<200x8x32x8x128xf32, #tpu.memory_space<hbm>> -> memref<1x8x1x8x128xf32, #tpu.memory_space<hbm>>
      %dma_start3A_396 = tpu.memref_squeeze %dma_start3A_395 : memref<1x8x1x8x128xf32, #tpu.memory_space<hbm>> -> memref<8x8x128xf32, #tpu.memory_space<hbm>>
      %dma_start3A_397 = arith.constant 0 : i32
      %dma_start3A_398 = arith.constant 0 : i32
      %dma_start3A_399 = arith.constant 0 : i32
      %dma_start3A_400 = tpu.memref_slice %arg9[%dma_start3A_381, %dma_start3A_397, %dma_start3A_398, %dma_start3A_399] : memref<2x8x8x129xf32, #tpu.memory_space<vmem>> -> memref<1x8x8x128xf32, #tpu.memory_space<vmem>>
      %dma_start3A_401 = tpu.memref_squeeze %dma_start3A_400 : memref<1x8x8x128xf32, #tpu.memory_space<vmem>> -> memref<8x8x128xf32, #tpu.memory_space<vmem>>
      tpu.enqueue_dma source(%dma_start3A_401 : memref<8x8x128xf32, #tpu.memory_space<vmem>>) target(%dma_start3A_396 : memref<8x8x128xf32, #tpu.memory_space<hbm>>) target_semaphore(%arg13 : memref<!tpu.dma_semaphore, #tpu.memory_space<semaphore_mem>>)
      %parallel_loop3A_402 = arith.constant 0 : i32
      %parallel_loop3A_403 = arith.constant 128 : i32
      %parallel_loop3A_404 = arith.constant 1 : i32
      %parallel_loop3A_405 = arith.constant 1 : i32
      %parallel_loop3A_406 = arith.constant 1 : i32
      scf.for %parallel_loop3A_532 = %parallel_loop3A_402 to %parallel_loop3A_403 step %parallel_loop3A_404  : i32 {
        %parallel_loop3A_533 = arith.constant 0 : i32
        %parallel_loop3A_534 = vector.broadcast %parallel_loop3A_533 : i32 to vector<16xi32>
        %parallel_loop3A_535 = vector.broadcast %parallel_loop3A_532 : i32 to vector<16xi32>
        %parallel_loop3A_536 = arith.addi %parallel_loop3A_534, %parallel_loop3A_535 : vector<16xi32>
        %parallel_loop3A_537 = arith.constant 0 : i32
        %parallel_loop3A_538 = arith.constant 0 : i32
        %parallel_loop3A_539 = tpu.memref_slice %arg7[%parallel_loop3A_405, %parallel_loop3A_537, %parallel_loop3A_538] : memref<2x128x64xf32, #tpu.memory_space<vmem>> -> memref<1x128x64xf32, #tpu.memory_space<vmem>>
        %parallel_loop3A_540 = tpu.memref_squeeze %parallel_loop3A_539 : memref<1x128x64xf32, #tpu.memory_space<vmem>> -> memref<128x64xf32, #tpu.memory_space<vmem>>
        %parallel_loop3A_541 = arith.index_cast %parallel_loop3A_532 : i32 to index
        %parallel_loop3A_542 = arith.constant 0 : index
        %parallel_loop3A_543 = tpu.vector_load %parallel_loop3A_540[%parallel_loop3A_541, %parallel_loop3A_542] {strides = array<i32>} : memref<128x64xf32, #tpu.memory_space<vmem>>, vector<16xf32>,
        %parallel_loop3A_544 = arith.constant 8.000000e+00 : f32
        %parallel_loop3A_545 = vector.broadcast %parallel_loop3A_544 : f32 to vector<16xf32>
        %parallel_loop3A_546 = arith.mulf %parallel_loop3A_543, %parallel_loop3A_545 : vector<16xf32>
        %parallel_loop3A_547 = arith.constant 0 : i32
        %parallel_loop3A_548 = arith.constant 0 : i32
        %parallel_loop3A_549 = arith.constant 0 : i32
        %parallel_loop3A_550 = tpu.memref_slice %arg9[%parallel_loop3A_406, %parallel_loop3A_547, %parallel_loop3A_548, %parallel_loop3A_549] : memref<2x8x8x129xf32, #tpu.memory_space<vmem>> -> memref<1x8x8x129xf32, #tpu.memory_space<vmem>>
        %parallel_loop3A_551 = tpu.memref_squeeze %parallel_loop3A_550 : memref<1x8x8x129xf32, #tpu.memory_space<vmem>> -> memref<8x8x129xf32, #tpu.memory_space<vmem>>
        tpu.vector_store_idx %parallel_loop3A_551[%select_n3A, %select_n3A_48, %parallel_loop3A_536], %parallel_loop3A_546 : memref<8x8x129xf32, #tpu.memory_space<vmem>>[vector<16xi32>, vector<16xi32>, vector<16xi32>], vector<16xf32>,
        %parallel_loop3A_552 = arith.constant 0 : i32
        %parallel_loop3A_553 = arith.constant 0 : i32
        %parallel_loop3A_554 = tpu.memref_slice %arg7[%parallel_loop3A_405, %parallel_loop3A_552, %parallel_loop3A_553] : memref<2x128x64xf32, #tpu.memory_space<vmem>> -> memref<1x128x64xf32, #tpu.memory_space<vmem>>
        %parallel_loop3A_555 = tpu.memref_squeeze %parallel_loop3A_554 : memref<1x128x64xf32, #tpu.memory_space<vmem>> -> memref<128x64xf32, #tpu.memory_space<vmem>>
        %parallel_loop3A_556 = arith.index_cast %parallel_loop3A_532 : i32 to index
        %parallel_loop3A_557 = arith.constant 16 : index
        %parallel_loop3A_558 = tpu.vector_load %parallel_loop3A_555[%parallel_loop3A_556, %parallel_loop3A_557] {strides = array<i32>} : memref<128x64xf32, #tpu.memory_space<vmem>>, vector<16xf32>,
        %parallel_loop3A_559 = arith.constant 8.000000e+00 : f32
        %parallel_loop3A_560 = vector.broadcast %parallel_loop3A_559 : f32 to vector<16xf32>
        %parallel_loop3A_561 = arith.mulf %parallel_loop3A_558, %parallel_loop3A_560 : vector<16xf32>
        %parallel_loop3A_562 = arith.constant 0 : i32
        %parallel_loop3A_563 = arith.constant 0 : i32
        %parallel_loop3A_564 = arith.constant 0 : i32
        %parallel_loop3A_565 = tpu.memref_slice %arg9[%parallel_loop3A_406, %parallel_loop3A_562, %parallel_loop3A_563, %parallel_loop3A_564] : memref<2x8x8x129xf32, #tpu.memory_space<vmem>> -> memref<1x8x8x129xf32, #tpu.memory_space<vmem>>
        %parallel_loop3A_566 = tpu.memref_squeeze %parallel_loop3A_565 : memref<1x8x8x129xf32, #tpu.memory_space<vmem>> -> memref<8x8x129xf32, #tpu.memory_space<vmem>>
        tpu.vector_store_idx %parallel_loop3A_566[%select_n3A_83, %select_n3A_105, %parallel_loop3A_536], %parallel_loop3A_561 : memref<8x8x129xf32, #tpu.memory_space<vmem>>[vector<16xi32>, vector<16xi32>, vector<16xi32>], vector<16xf32>,
        %parallel_loop3A_567 = arith.constant 0 : i32
        %parallel_loop3A_568 = arith.constant 0 : i32
        %parallel_loop3A_569 = tpu.memref_slice %arg7[%parallel_loop3A_405, %parallel_loop3A_567, %parallel_loop3A_568] : memref<2x128x64xf32, #tpu.memory_space<vmem>> -> memref<1x128x64xf32, #tpu.memory_space<vmem>>
        %parallel_loop3A_570 = tpu.memref_squeeze %parallel_loop3A_569 : memref<1x128x64xf32, #tpu.memory_space<vmem>> -> memref<128x64xf32, #tpu.memory_space<vmem>>
        %parallel_loop3A_571 = arith.index_cast %parallel_loop3A_532 : i32 to index
        %parallel_loop3A_572 = arith.constant 32 : index
        %parallel_loop3A_573 = tpu.vector_load %parallel_loop3A_570[%parallel_loop3A_571, %parallel_loop3A_572] {strides = array<i32>} : memref<128x64xf32, #tpu.memory_space<vmem>>, vector<16xf32>,
        %parallel_loop3A_574 = arith.constant 8.000000e+00 : f32
        %parallel_loop3A_575 = vector.broadcast %parallel_loop3A_574 : f32 to vector<16xf32>
        %parallel_loop3A_576 = arith.mulf %parallel_loop3A_573, %parallel_loop3A_575 : vector<16xf32>
        %parallel_loop3A_577 = arith.constant 0 : i32
        %parallel_loop3A_578 = arith.constant 0 : i32
        %parallel_loop3A_579 = arith.constant 0 : i32
        %parallel_loop3A_580 = tpu.memref_slice %arg9[%parallel_loop3A_406, %parallel_loop3A_577, %parallel_loop3A_578, %parallel_loop3A_579] : memref<2x8x8x129xf32, #tpu.memory_space<vmem>> -> memref<1x8x8x129xf32, #tpu.memory_space<vmem>>
        %parallel_loop3A_581 = tpu.memref_squeeze %parallel_loop3A_580 : memref<1x8x8x129xf32, #tpu.memory_space<vmem>> -> memref<8x8x129xf32, #tpu.memory_space<vmem>>
        tpu.vector_store_idx %parallel_loop3A_581[%select_n3A_140, %select_n3A_162, %parallel_loop3A_536], %parallel_loop3A_576 : memref<8x8x129xf32, #tpu.memory_space<vmem>>[vector<16xi32>, vector<16xi32>, vector<16xi32>], vector<16xf32>,
        %parallel_loop3A_582 = arith.constant 0 : i32
        %parallel_loop3A_583 = arith.constant 0 : i32
        %parallel_loop3A_584 = tpu.memref_slice %arg7[%parallel_loop3A_405, %parallel_loop3A_582, %parallel_loop3A_583] : memref<2x128x64xf32, #tpu.memory_space<vmem>> -> memref<1x128x64xf32, #tpu.memory_space<vmem>>
        %parallel_loop3A_585 = tpu.memref_squeeze %parallel_loop3A_584 : memref<1x128x64xf32, #tpu.memory_space<vmem>> -> memref<128x64xf32, #tpu.memory_space<vmem>>
        %parallel_loop3A_586 = arith.index_cast %parallel_loop3A_532 : i32 to index
        %parallel_loop3A_587 = arith.constant 48 : index
        %parallel_loop3A_588 = tpu.vector_load %parallel_loop3A_585[%parallel_loop3A_586, %parallel_loop3A_587] {strides = array<i32>} : memref<128x64xf32, #tpu.memory_space<vmem>>, vector<16xf32>,
        %parallel_loop3A_589 = arith.constant 8.000000e+00 : f32
        %parallel_loop3A_590 = vector.broadcast %parallel_loop3A_589 : f32 to vector<16xf32>
        %parallel_loop3A_591 = arith.mulf %parallel_loop3A_588, %parallel_loop3A_590 : vector<16xf32>
        %parallel_loop3A_592 = arith.constant 0 : i32
        %parallel_loop3A_593 = arith.constant 0 : i32
        %parallel_loop3A_594 = arith.constant 0 : i32
        %parallel_loop3A_595 = tpu.memref_slice %arg9[%parallel_loop3A_406, %parallel_loop3A_592, %parallel_loop3A_593, %parallel_loop3A_594] : memref<2x8x8x129xf32, #tpu.memory_space<vmem>> -> memref<1x8x8x129xf32, #tpu.memory_space<vmem>>
        %parallel_loop3A_596 = tpu.memref_squeeze %parallel_loop3A_595 : memref<1x8x8x129xf32, #tpu.memory_space<vmem>> -> memref<8x8x129xf32, #tpu.memory_space<vmem>>
        tpu.vector_store_idx %parallel_loop3A_596[%select_n3A_197, %select_n3A_219, %parallel_loop3A_536], %parallel_loop3A_591 : memref<8x8x129xf32, #tpu.memory_space<vmem>>[vector<16xi32>, vector<16xi32>, vector<16xi32>], vector<16xf32>,
      } {sc.loop_unroll_factor = 8 : i64, sc.parallel_access}
      %mul3A_407 = arith.constant 2 : i32
      %mul3A_408 = arith.muli %add3A_339, %mul3A_407 : i32
      %add3A_409 = arith.constant 1 : i32
      %add3A_410 = arith.addi %mul3A_408, %add3A_409 : i32
      %dma_start3A_411 = arith.constant 1 : i32
      %dma_start3A_412 = arith.constant 0 : i32
      %dma_start3A_413 = arith.constant 0 : i32
      %dma_start3A_414 = arith.constant 0 : i32
      %dma_start3A_415 = tpu.memref_slice %arg9[%dma_start3A_411, %dma_start3A_412, %dma_start3A_413, %dma_start3A_414] : memref<2x8x8x129xf32, #tpu.memory_space<vmem>> -> memref<1x8x8x128xf32, #tpu.memory_space<vmem>>
      %dma_start3A_416 = tpu.memref_squeeze %dma_start3A_415 : memref<1x8x8x128xf32, #tpu.memory_space<vmem>> -> memref<8x8x128xf32, #tpu.memory_space<vmem>>
      %dma_start3A_417 = arith.constant 0 : i32
      %dma_start3A_418 = arith.constant 0 : i32
      %dma_start3A_419 = arith.constant 0 : i32
      %dma_start3A_420 = tpu.memref_slice %arg4[%add3A_410, %dma_start3A_417, %add3A, %dma_start3A_418, %dma_start3A_419] : memref<200x8x32x8x128xf32, #tpu.memory_space<hbm>> -> memref<1x8x1x8x128xf32, #tpu.memory_space<hbm>>
      %dma_start3A_421 = tpu.memref_squeeze %dma_start3A_420 : memref<1x8x1x8x128xf32, #tpu.memory_space<hbm>> -> memref<8x8x128xf32, #tpu.memory_space<hbm>>
      %dma_start3A_422 = arith.constant 0 : i32
      %dma_start3A_423 = arith.constant 0 : i32
      %dma_start3A_424 = arith.constant 0 : i32
      %dma_start3A_425 = tpu.memref_slice %arg4[%add3A_410, %dma_start3A_422, %add3A, %dma_start3A_423, %dma_start3A_424] : memref<200x8x32x8x128xf32, #tpu.memory_space<hbm>> -> memref<1x8x1x8x128xf32, #tpu.memory_space<hbm>>
      %dma_start3A_426 = tpu.memref_squeeze %dma_start3A_425 : memref<1x8x1x8x128xf32, #tpu.memory_space<hbm>> -> memref<8x8x128xf32, #tpu.memory_space<hbm>>
      %dma_start3A_427 = arith.constant 0 : i32
      %dma_start3A_428 = arith.constant 0 : i32
      %dma_start3A_429 = arith.constant 0 : i32
      %dma_start3A_430 = tpu.memref_slice %arg9[%dma_start3A_411, %dma_start3A_427, %dma_start3A_428, %dma_start3A_429] : memref<2x8x8x129xf32, #tpu.memory_space<vmem>> -> memref<1x8x8x128xf32, #tpu.memory_space<vmem>>
      %dma_start3A_431 = tpu.memref_squeeze %dma_start3A_430 : memref<1x8x8x128xf32, #tpu.memory_space<vmem>> -> memref<8x8x128xf32, #tpu.memory_space<vmem>>
      tpu.enqueue_dma source(%dma_start3A_431 : memref<8x8x128xf32, #tpu.memory_space<vmem>>) target(%dma_start3A_426 : memref<8x8x128xf32, #tpu.memory_space<hbm>>) target_semaphore(%arg13 : memref<!tpu.dma_semaphore, #tpu.memory_space<semaphore_mem>>)
      %mul3A_432 = arith.constant 2 : i32
      %mul3A_433 = arith.muli %scan3A_335, %mul3A_432 : i32
      %add3A_434 = arith.constant 1 : i32
      %add3A_435 = arith.addi %mul3A_433, %add3A_434 : i32
      %add3A_436 = arith.constant 1 : i32
      %add3A_437 = arith.addi %add3A_435, %add3A_436 : i32
      %lt3A_438 = arith.constant 100 : i32
      %lt3A_439 = arith.cmpi slt, %add3A_437, %lt3A_438 : i32
      %convert_element_type3A_440 = arith.extui %lt3A_439 : i1 to i32
      %cond3A_441 = arith.constant 0 : i32
      %cond3A_442 = arith.cmpi ne, %convert_element_type3A_440, %cond3A_441 : i32
      scf.if %cond3A_442 {
        %add3A_532 = arith.constant 1 : i32
        %add3A_533 = arith.addi %add3A_435, %add3A_532 : i32
        %mul3A_534 = arith.constant 2 : i32
        %mul3A_535 = arith.muli %add3A_533, %mul3A_534 : i32
        "tpu.region"() ({
          %run_scoped3A = tpu.sem_alloc : memref<!tpu.dma_semaphore, #tpu.memory_space<semaphore_mem>>
          %dma_start3A_560 = tpu.memref_slice %arg2[%mul3A_535, %mul3A_2] : memref<200x4096xi32, #tpu.memory_space<hbm>> -> memref<2x128xi32, #tpu.memory_space<hbm>>
          %dma_start3A_561 = tpu.memref_slice %arg2[%mul3A_535, %mul3A_2] : memref<200x4096xi32, #tpu.memory_space<hbm>> -> memref<2x128xi32, #tpu.memory_space<hbm>>
          tpu.enqueue_dma source(%dma_start3A_561 : memref<2x128xi32, #tpu.memory_space<hbm>>) target(%arg5 : memref<2x128xi32, #tpu.memory_space<vmem>>) target_semaphore(%run_scoped3A : memref<!tpu.dma_semaphore, #tpu.memory_space<semaphore_mem>>)
          %dma_wait3A_562 = tpu.memref_slice %arg2[%mul3A_535, %mul3A_2] : memref<200x4096xi32, #tpu.memory_space<hbm>> -> memref<2x128xi32, #tpu.memory_space<hbm>>
          %dma_wait3A_563 = tpu.memref_slice %arg2[%mul3A_535, %mul3A_2] : memref<200x4096xi32, #tpu.memory_space<hbm>> -> memref<2x128xi32, #tpu.memory_space<hbm>>
          tpu.wait_dma2 semaphore(%run_scoped3A : memref<!tpu.dma_semaphore, #tpu.memory_space<semaphore_mem>>) src(%dma_wait3A_563 : memref<2x128xi32, #tpu.memory_space<hbm>>) dst(%arg5 : memref<2x128xi32, #tpu.memory_space<vmem>>)
          tpu.yield
        }) : () -> ()
        %dma_start3A_536 = arith.constant 0 : i32
        %dma_start3A_537 = arith.constant 0 : i32
        %dma_start3A_538 = arith.constant 0 : i32
        %dma_start3A_539 = arith.constant 0 : i32
        %dma_start3A_540 = tpu.memref_slice %arg7[%dma_start3A_537, %dma_start3A_538, %dma_start3A_539] : memref<2x128x64xf32, #tpu.memory_space<vmem>> -> memref<1x128x64xf32, #tpu.memory_space<vmem>>
        %dma_start3A_541 = tpu.memref_squeeze %dma_start3A_540 : memref<1x128x64xf32, #tpu.memory_space<vmem>> -> memref<128x64xf32, #tpu.memory_space<vmem>>
        %dma_start3A_542 = arith.constant 0 : i32
        %dma_start3A_543 = tpu.memref_slice %arg5[%dma_start3A_536, %dma_start3A_542] : memref<2x128xi32, #tpu.memory_space<vmem>> -> memref<1x128xi32, #tpu.memory_space<vmem>>
        %dma_start3A_544 = tpu.memref_squeeze %dma_start3A_543 : memref<1x128xi32, #tpu.memory_space<vmem>> -> memref<128xi32, #tpu.memory_space<vmem>>
        %dma_start3A_545 = arith.constant 0 : i32
        %dma_start3A_546 = arith.constant 0 : i32
        %dma_start3A_547 = tpu.memref_slice %arg3[%dma_start3A_545, %dma_start3A_546] : memref<1000000x64xf32, #tpu.memory_space<hbm>> -> memref<1000000x64xf32, #tpu.memory_space<hbm>>
        tpu.enqueue_indirect_dma source(%dma_start3A_547 : memref<1000000x64xf32, #tpu.memory_space<hbm>>) target(%dma_start3A_541 : memref<128x64xf32, #tpu.memory_space<vmem>>) offsets(%dma_start3A_544 : memref<128xi32, #tpu.memory_space<vmem>>) semaphore(%arg11 : memref<!tpu.dma_semaphore, #tpu.memory_space<semaphore_mem>>)
        %dma_start3A_548 = arith.constant 1 : i32
        %dma_start3A_549 = arith.constant 1 : i32
        %dma_start3A_550 = arith.constant 0 : i32
        %dma_start3A_551 = arith.constant 0 : i32
        %dma_start3A_552 = tpu.memref_slice %arg7[%dma_start3A_549, %dma_start3A_550, %dma_start3A_551] : memref<2x128x64xf32, #tpu.memory_space<vmem>> -> memref<1x128x64xf32, #tpu.memory_space<vmem>>
        %dma_start3A_553 = tpu.memref_squeeze %dma_start3A_552 : memref<1x128x64xf32, #tpu.memory_space<vmem>> -> memref<128x64xf32, #tpu.memory_space<vmem>>
        %dma_start3A_554 = arith.constant 0 : i32
        %dma_start3A_555 = tpu.memref_slice %arg5[%dma_start3A_548, %dma_start3A_554] : memref<2x128xi32, #tpu.memory_space<vmem>> -> memref<1x128xi32, #tpu.memory_space<vmem>>
        %dma_start3A_556 = tpu.memref_squeeze %dma_start3A_555 : memref<1x128xi32, #tpu.memory_space<vmem>> -> memref<128xi32, #tpu.memory_space<vmem>>
        %dma_start3A_557 = arith.constant 0 : i32
        %dma_start3A_558 = arith.constant 0 : i32
        %dma_start3A_559 = tpu.memref_slice %arg3[%dma_start3A_557, %dma_start3A_558] : memref<1000000x64xf32, #tpu.memory_space<hbm>> -> memref<1000000x64xf32, #tpu.memory_space<hbm>>
        tpu.enqueue_indirect_dma source(%dma_start3A_559 : memref<1000000x64xf32, #tpu.memory_space<hbm>>) target(%dma_start3A_553 : memref<128x64xf32, #tpu.memory_space<vmem>>) offsets(%dma_start3A_556 : memref<128xi32, #tpu.memory_space<vmem>>) semaphore(%arg11 : memref<!tpu.dma_semaphore, #tpu.memory_space<semaphore_mem>>)
      } else {
      }
      %dma_wait3A_443 = arith.constant 0 : i32
      %dma_wait3A_444 = arith.constant 0 : i32
      %dma_wait3A_445 = arith.constant 0 : i32
      %dma_wait3A_446 = arith.constant 0 : i32
      %dma_wait3A_447 = tpu.memref_slice %arg8[%dma_wait3A_444, %dma_wait3A_445, %dma_wait3A_446] : memref<2x128x64xf32, #tpu.memory_space<vmem>> -> memref<1x128x64xf32, #tpu.memory_space<vmem>>
      %dma_wait3A_448 = tpu.memref_squeeze %dma_wait3A_447 : memref<1x128x64xf32, #tpu.memory_space<vmem>> -> memref<128x64xf32, #tpu.memory_space<vmem>>
      %dma_wait3A_449 = arith.constant 0 : i32
      %dma_wait3A_450 = tpu.memref_slice %arg6[%dma_wait3A_443, %dma_wait3A_449] : memref<2x128xi32, #tpu.memory_space<vmem>> -> memref<1x128xi32, #tpu.memory_space<vmem>>
      %dma_wait3A_451 = tpu.memref_squeeze %dma_wait3A_450 : memref<1x128xi32, #tpu.memory_space<vmem>> -> memref<128xi32, #tpu.memory_space<vmem>>
      %dma_wait3A_452 = arith.constant 0 : i32
      %dma_wait3A_453 = arith.constant 0 : i32
      %dma_wait3A_454 = tpu.memref_slice %arg3[%dma_wait3A_452, %dma_wait3A_453] : memref<1000000x64xf32, #tpu.memory_space<hbm>> -> memref<1000000x64xf32, #tpu.memory_space<hbm>>
      tpu.wait_indirect_dma semaphore(%arg12 : memref<!tpu.dma_semaphore, #tpu.memory_space<semaphore_mem>>) src(%dma_wait3A_454 : memref<1000000x64xf32, #tpu.memory_space<hbm>>) dst(%dma_wait3A_448 : memref<128x64xf32, #tpu.memory_space<vmem>>)
      %dma_wait3A_455 = arith.constant 1 : i32
      %dma_wait3A_456 = arith.constant 1 : i32
      %dma_wait3A_457 = arith.constant 0 : i32
      %dma_wait3A_458 = arith.constant 0 : i32
      %dma_wait3A_459 = tpu.memref_slice %arg8[%dma_wait3A_456, %dma_wait3A_457, %dma_wait3A_458] : memref<2x128x64xf32, #tpu.memory_space<vmem>> -> memref<1x128x64xf32, #tpu.memory_space<vmem>>
      %dma_wait3A_460 = tpu.memref_squeeze %dma_wait3A_459 : memref<1x128x64xf32, #tpu.memory_space<vmem>> -> memref<128x64xf32, #tpu.memory_space<vmem>>
      %dma_wait3A_461 = arith.constant 0 : i32
      %dma_wait3A_462 = tpu.memref_slice %arg6[%dma_wait3A_455, %dma_wait3A_461] : memref<2x128xi32, #tpu.memory_space<vmem>> -> memref<1x128xi32, #tpu.memory_space<vmem>>
      %dma_wait3A_463 = tpu.memref_squeeze %dma_wait3A_462 : memref<1x128xi32, #tpu.memory_space<vmem>> -> memref<128xi32, #tpu.memory_space<vmem>>
      %dma_wait3A_464 = arith.constant 0 : i32
      %dma_wait3A_465 = arith.constant 0 : i32
      %dma_wait3A_466 = tpu.memref_slice %arg3[%dma_wait3A_464, %dma_wait3A_465] : memref<1000000x64xf32, #tpu.memory_space<hbm>> -> memref<1000000x64xf32, #tpu.memory_space<hbm>>
      tpu.wait_indirect_dma semaphore(%arg12 : memref<!tpu.dma_semaphore, #tpu.memory_space<semaphore_mem>>) src(%dma_wait3A_466 : memref<1000000x64xf32, #tpu.memory_space<hbm>>) dst(%dma_wait3A_460 : memref<128x64xf32, #tpu.memory_space<vmem>>)
      %ge3A_467 = arith.constant 2 : i32
      %ge3A_468 = arith.cmpi sge, %add3A_435, %ge3A_467 : i32
      %convert_element_type3A_469 = arith.extui %ge3A_468 : i1 to i32
      %cond3A_470 = arith.constant 0 : i32
      %cond3A_471 = arith.cmpi ne, %convert_element_type3A_469, %cond3A_470 : i32
      scf.if %cond3A_471 {
        %sub3A_532 = arith.constant 2 : i32
        %sub3A_533 = arith.subi %add3A_435, %sub3A_532 : i32
        %mul3A_534 = arith.constant 2 : i32
        %mul3A_535 = arith.muli %sub3A_533, %mul3A_534 : i32
        %add3A_536 = arith.constant 0 : i32
        %add3A_537 = arith.addi %mul3A_535, %add3A_536 : i32
        %dma_wait3A_538 = arith.constant 0 : i32
        %dma_wait3A_539 = arith.constant 0 : i32
        %dma_wait3A_540 = arith.constant 0 : i32
        %dma_wait3A_541 = arith.constant 0 : i32
        %dma_wait3A_542 = tpu.memref_slice %arg10[%dma_wait3A_538, %dma_wait3A_539, %dma_wait3A_540, %dma_wait3A_541] : memref<2x8x8x129xf32, #tpu.memory_space<vmem>> -> memref<1x8x8x128xf32, #tpu.memory_space<vmem>>
        %dma_wait3A_543 = tpu.memref_squeeze %dma_wait3A_542 : memref<1x8x8x128xf32, #tpu.memory_space<vmem>> -> memref<8x8x128xf32, #tpu.memory_space<vmem>>
        %dma_wait3A_544 = arith.constant 0 : i32
        %dma_wait3A_545 = arith.constant 0 : i32
        %dma_wait3A_546 = arith.constant 0 : i32
        %dma_wait3A_547 = tpu.memref_slice %arg4[%add3A_537, %dma_wait3A_544, %add3A, %dma_wait3A_545, %dma_wait3A_546] : memref<200x8x32x8x128xf32, #tpu.memory_space<hbm>> -> memref<1x8x1x8x128xf32, #tpu.memory_space<hbm>>
        %dma_wait3A_548 = tpu.memref_squeeze %dma_wait3A_547 : memref<1x8x1x8x128xf32, #tpu.memory_space<hbm>> -> memref<8x8x128xf32, #tpu.memory_space<hbm>>
        %dma_wait3A_549 = arith.constant 0 : i32
        %dma_wait3A_550 = arith.constant 0 : i32
        %dma_wait3A_551 = arith.constant 0 : i32
        %dma_wait3A_552 = tpu.memref_slice %arg4[%add3A_537, %dma_wait3A_549, %add3A, %dma_wait3A_550, %dma_wait3A_551] : memref<200x8x32x8x128xf32, #tpu.memory_space<hbm>> -> memref<1x8x1x8x128xf32, #tpu.memory_space<hbm>>
        %dma_wait3A_553 = tpu.memref_squeeze %dma_wait3A_552 : memref<1x8x1x8x128xf32, #tpu.memory_space<hbm>> -> memref<8x8x128xf32, #tpu.memory_space<hbm>>
        %dma_wait3A_554 = arith.constant 0 : i32
        %dma_wait3A_555 = arith.constant 0 : i32
        %dma_wait3A_556 = arith.constant 0 : i32
        %dma_wait3A_557 = tpu.memref_slice %arg10[%dma_wait3A_538, %dma_wait3A_554, %dma_wait3A_555, %dma_wait3A_556] : memref<2x8x8x129xf32, #tpu.memory_space<vmem>> -> memref<1x8x8x128xf32, #tpu.memory_space<vmem>>
        %dma_wait3A_558 = tpu.memref_squeeze %dma_wait3A_557 : memref<1x8x8x128xf32, #tpu.memory_space<vmem>> -> memref<8x8x128xf32, #tpu.memory_space<vmem>>
        tpu.wait_dma2 semaphore(%arg14 : memref<!tpu.dma_semaphore, #tpu.memory_space<semaphore_mem>>) src(%dma_wait3A_558 : memref<8x8x128xf32, #tpu.memory_space<vmem>>) dst(%dma_wait3A_553 : memref<8x8x128xf32, #tpu.memory_space<hbm>>)
        %mul3A_559 = arith.constant 2 : i32
        %mul3A_560 = arith.muli %sub3A_533, %mul3A_559 : i32
        %add3A_561 = arith.constant 1 : i32
        %add3A_562 = arith.addi %mul3A_560, %add3A_561 : i32
        %dma_wait3A_563 = arith.constant 1 : i32
        %dma_wait3A_564 = arith.constant 0 : i32
        %dma_wait3A_565 = arith.constant 0 : i32
        %dma_wait3A_566 = arith.constant 0 : i32
        %dma_wait3A_567 = tpu.memref_slice %arg10[%dma_wait3A_563, %dma_wait3A_564, %dma_wait3A_565, %dma_wait3A_566] : memref<2x8x8x129xf32, #tpu.memory_space<vmem>> -> memref<1x8x8x128xf32, #tpu.memory_space<vmem>>
        %dma_wait3A_568 = tpu.memref_squeeze %dma_wait3A_567 : memref<1x8x8x128xf32, #tpu.memory_space<vmem>> -> memref<8x8x128xf32, #tpu.memory_space<vmem>>
        %dma_wait3A_569 = arith.constant 0 : i32
        %dma_wait3A_570 = arith.constant 0 : i32
        %dma_wait3A_571 = arith.constant 0 : i32
        %dma_wait3A_572 = tpu.memref_slice %arg4[%add3A_562, %dma_wait3A_569, %add3A, %dma_wait3A_570, %dma_wait3A_571] : memref<200x8x32x8x128xf32, #tpu.memory_space<hbm>> -> memref<1x8x1x8x128xf32, #tpu.memory_space<hbm>>
        %dma_wait3A_573 = tpu.memref_squeeze %dma_wait3A_572 : memref<1x8x1x8x128xf32, #tpu.memory_space<hbm>> -> memref<8x8x128xf32, #tpu.memory_space<hbm>>
        %dma_wait3A_574 = arith.constant 0 : i32
        %dma_wait3A_575 = arith.constant 0 : i32
        %dma_wait3A_576 = arith.constant 0 : i32
        %dma_wait3A_577 = tpu.memref_slice %arg4[%add3A_562, %dma_wait3A_574, %add3A, %dma_wait3A_575, %dma_wait3A_576] : memref<200x8x32x8x128xf32, #tpu.memory_space<hbm>> -> memref<1x8x1x8x128xf32, #tpu.memory_space<hbm>>
        %dma_wait3A_578 = tpu.memref_squeeze %dma_wait3A_577 : memref<1x8x1x8x128xf32, #tpu.memory_space<hbm>> -> memref<8x8x128xf32, #tpu.memory_space<hbm>>
        %dma_wait3A_579 = arith.constant 0 : i32
        %dma_wait3A_580 = arith.constant 0 : i32
        %dma_wait3A_581 = arith.constant 0 : i32
        %dma_wait3A_582 = tpu.memref_slice %arg10[%dma_wait3A_563, %dma_wait3A_579, %dma_wait3A_580, %dma_wait3A_581] : memref<2x8x8x129xf32, #tpu.memory_space<vmem>> -> memref<1x8x8x128xf32, #tpu.memory_space<vmem>>
        %dma_wait3A_583 = tpu.memref_squeeze %dma_wait3A_582 : memref<1x8x8x128xf32, #tpu.memory_space<vmem>> -> memref<8x8x128xf32, #tpu.memory_space<vmem>>
        tpu.wait_dma2 semaphore(%arg14 : memref<!tpu.dma_semaphore, #tpu.memory_space<semaphore_mem>>) src(%dma_wait3A_583 : memref<8x8x128xf32, #tpu.memory_space<vmem>>) dst(%dma_wait3A_578 : memref<8x8x128xf32, #tpu.memory_space<hbm>>)
      } else {
      }
      %parallel_loop3A_472 = arith.constant 0 : i32
      %parallel_loop3A_473 = arith.constant 128 : i32
      %parallel_loop3A_474 = arith.constant 1 : i32
      %parallel_loop3A_475 = arith.constant 0 : i32
      %parallel_loop3A_476 = arith.constant 0 : i32
      scf.for %parallel_loop3A_532 = %parallel_loop3A_472 to %parallel_loop3A_473 step %parallel_loop3A_474  : i32 {
        %parallel_loop3A_533 = arith.constant 0 : i32
        %parallel_loop3A_534 = vector.broadcast %parallel_loop3A_533 : i32 to vector<16xi32>
        %parallel_loop3A_535 = vector.broadcast %parallel_loop3A_532 : i32 to vector<16xi32>
        %parallel_loop3A_536 = arith.addi %parallel_loop3A_534, %parallel_loop3A_535 : vector<16xi32>
        %parallel_loop3A_537 = arith.constant 0 : i32
        %parallel_loop3A_538 = arith.constant 0 : i32
        %parallel_loop3A_539 = tpu.memref_slice %arg8[%parallel_loop3A_475, %parallel_loop3A_537, %parallel_loop3A_538] : memref<2x128x64xf32, #tpu.memory_space<vmem>> -> memref<1x128x64xf32, #tpu.memory_space<vmem>>
        %parallel_loop3A_540 = tpu.memref_squeeze %parallel_loop3A_539 : memref<1x128x64xf32, #tpu.memory_space<vmem>> -> memref<128x64xf32, #tpu.memory_space<vmem>>
        %parallel_loop3A_541 = arith.index_cast %parallel_loop3A_532 : i32 to index
        %parallel_loop3A_542 = arith.constant 0 : index
        %parallel_loop3A_543 = tpu.vector_load %parallel_loop3A_540[%parallel_loop3A_541, %parallel_loop3A_542] {strides = array<i32>} : memref<128x64xf32, #tpu.memory_space<vmem>>, vector<16xf32>,
        %parallel_loop3A_544 = arith.constant 8.000000e+00 : f32
        %parallel_loop3A_545 = vector.broadcast %parallel_loop3A_544 : f32 to vector<16xf32>
        %parallel_loop3A_546 = arith.mulf %parallel_loop3A_543, %parallel_loop3A_545 : vector<16xf32>
        %parallel_loop3A_547 = arith.constant 0 : i32
        %parallel_loop3A_548 = arith.constant 0 : i32
        %parallel_loop3A_549 = arith.constant 0 : i32
        %parallel_loop3A_550 = tpu.memref_slice %arg10[%parallel_loop3A_476, %parallel_loop3A_547, %parallel_loop3A_548, %parallel_loop3A_549] : memref<2x8x8x129xf32, #tpu.memory_space<vmem>> -> memref<1x8x8x129xf32, #tpu.memory_space<vmem>>
        %parallel_loop3A_551 = tpu.memref_squeeze %parallel_loop3A_550 : memref<1x8x8x129xf32, #tpu.memory_space<vmem>> -> memref<8x8x129xf32, #tpu.memory_space<vmem>>
        tpu.vector_store_idx %parallel_loop3A_551[%select_n3A, %select_n3A_48, %parallel_loop3A_536], %parallel_loop3A_546 : memref<8x8x129xf32, #tpu.memory_space<vmem>>[vector<16xi32>, vector<16xi32>, vector<16xi32>], vector<16xf32>,
        %parallel_loop3A_552 = arith.constant 0 : i32
        %parallel_loop3A_553 = arith.constant 0 : i32
        %parallel_loop3A_554 = tpu.memref_slice %arg8[%parallel_loop3A_475, %parallel_loop3A_552, %parallel_loop3A_553] : memref<2x128x64xf32, #tpu.memory_space<vmem>> -> memref<1x128x64xf32, #tpu.memory_space<vmem>>
        %parallel_loop3A_555 = tpu.memref_squeeze %parallel_loop3A_554 : memref<1x128x64xf32, #tpu.memory_space<vmem>> -> memref<128x64xf32, #tpu.memory_space<vmem>>
        %parallel_loop3A_556 = arith.index_cast %parallel_loop3A_532 : i32 to index
        %parallel_loop3A_557 = arith.constant 16 : index
        %parallel_loop3A_558 = tpu.vector_load %parallel_loop3A_555[%parallel_loop3A_556, %parallel_loop3A_557] {strides = array<i32>} : memref<128x64xf32, #tpu.memory_space<vmem>>, vector<16xf32>,
        %parallel_loop3A_559 = arith.constant 8.000000e+00 : f32
        %parallel_loop3A_560 = vector.broadcast %parallel_loop3A_559 : f32 to vector<16xf32>
        %parallel_loop3A_561 = arith.mulf %parallel_loop3A_558, %parallel_loop3A_560 : vector<16xf32>
        %parallel_loop3A_562 = arith.constant 0 : i32
        %parallel_loop3A_563 = arith.constant 0 : i32
        %parallel_loop3A_564 = arith.constant 0 : i32
        %parallel_loop3A_565 = tpu.memref_slice %arg10[%parallel_loop3A_476, %parallel_loop3A_562, %parallel_loop3A_563, %parallel_loop3A_564] : memref<2x8x8x129xf32, #tpu.memory_space<vmem>> -> memref<1x8x8x129xf32, #tpu.memory_space<vmem>>
        %parallel_loop3A_566 = tpu.memref_squeeze %parallel_loop3A_565 : memref<1x8x8x129xf32, #tpu.memory_space<vmem>> -> memref<8x8x129xf32, #tpu.memory_space<vmem>>
        tpu.vector_store_idx %parallel_loop3A_566[%select_n3A_83, %select_n3A_105, %parallel_loop3A_536], %parallel_loop3A_561 : memref<8x8x129xf32, #tpu.memory_space<vmem>>[vector<16xi32>, vector<16xi32>, vector<16xi32>], vector<16xf32>,
        %parallel_loop3A_567 = arith.constant 0 : i32
        %parallel_loop3A_568 = arith.constant 0 : i32
        %parallel_loop3A_569 = tpu.memref_slice %arg8[%parallel_loop3A_475, %parallel_loop3A_567, %parallel_loop3A_568] : memref<2x128x64xf32, #tpu.memory_space<vmem>> -> memref<1x128x64xf32, #tpu.memory_space<vmem>>
        %parallel_loop3A_570 = tpu.memref_squeeze %parallel_loop3A_569 : memref<1x128x64xf32, #tpu.memory_space<vmem>> -> memref<128x64xf32, #tpu.memory_space<vmem>>
        %parallel_loop3A_571 = arith.index_cast %parallel_loop3A_532 : i32 to index
        %parallel_loop3A_572 = arith.constant 32 : index
        %parallel_loop3A_573 = tpu.vector_load %parallel_loop3A_570[%parallel_loop3A_571, %parallel_loop3A_572] {strides = array<i32>} : memref<128x64xf32, #tpu.memory_space<vmem>>, vector<16xf32>,
        %parallel_loop3A_574 = arith.constant 8.000000e+00 : f32
        %parallel_loop3A_575 = vector.broadcast %parallel_loop3A_574 : f32 to vector<16xf32>
        %parallel_loop3A_576 = arith.mulf %parallel_loop3A_573, %parallel_loop3A_575 : vector<16xf32>
        %parallel_loop3A_577 = arith.constant 0 : i32
        %parallel_loop3A_578 = arith.constant 0 : i32
        %parallel_loop3A_579 = arith.constant 0 : i32
        %parallel_loop3A_580 = tpu.memref_slice %arg10[%parallel_loop3A_476, %parallel_loop3A_577, %parallel_loop3A_578, %parallel_loop3A_579] : memref<2x8x8x129xf32, #tpu.memory_space<vmem>> -> memref<1x8x8x129xf32, #tpu.memory_space<vmem>>
        %parallel_loop3A_581 = tpu.memref_squeeze %parallel_loop3A_580 : memref<1x8x8x129xf32, #tpu.memory_space<vmem>> -> memref<8x8x129xf32, #tpu.memory_space<vmem>>
        tpu.vector_store_idx %parallel_loop3A_581[%select_n3A_140, %select_n3A_162, %parallel_loop3A_536], %parallel_loop3A_576 : memref<8x8x129xf32, #tpu.memory_space<vmem>>[vector<16xi32>, vector<16xi32>, vector<16xi32>], vector<16xf32>,
        %parallel_loop3A_582 = arith.constant 0 : i32
        %parallel_loop3A_583 = arith.constant 0 : i32
        %parallel_loop3A_584 = tpu.memref_slice %arg8[%parallel_loop3A_475, %parallel_loop3A_582, %parallel_loop3A_583] : memref<2x128x64xf32, #tpu.memory_space<vmem>> -> memref<1x128x64xf32, #tpu.memory_space<vmem>>
        %parallel_loop3A_585 = tpu.memref_squeeze %parallel_loop3A_584 : memref<1x128x64xf32, #tpu.memory_space<vmem>> -> memref<128x64xf32, #tpu.memory_space<vmem>>
        %parallel_loop3A_586 = arith.index_cast %parallel_loop3A_532 : i32 to index
        %parallel_loop3A_587 = arith.constant 48 : index
        %parallel_loop3A_588 = tpu.vector_load %parallel_loop3A_585[%parallel_loop3A_586, %parallel_loop3A_587] {strides = array<i32>} : memref<128x64xf32, #tpu.memory_space<vmem>>, vector<16xf32>,
        %parallel_loop3A_589 = arith.constant 8.000000e+00 : f32
        %parallel_loop3A_590 = vector.broadcast %parallel_loop3A_589 : f32 to vector<16xf32>
        %parallel_loop3A_591 = arith.mulf %parallel_loop3A_588, %parallel_loop3A_590 : vector<16xf32>
        %parallel_loop3A_592 = arith.constant 0 : i32
        %parallel_loop3A_593 = arith.constant 0 : i32
        %parallel_loop3A_594 = arith.constant 0 : i32
        %parallel_loop3A_595 = tpu.memref_slice %arg10[%parallel_loop3A_476, %parallel_loop3A_592, %parallel_loop3A_593, %parallel_loop3A_594] : memref<2x8x8x129xf32, #tpu.memory_space<vmem>> -> memref<1x8x8x129xf32, #tpu.memory_space<vmem>>
        %parallel_loop3A_596 = tpu.memref_squeeze %parallel_loop3A_595 : memref<1x8x8x129xf32, #tpu.memory_space<vmem>> -> memref<8x8x129xf32, #tpu.memory_space<vmem>>
        tpu.vector_store_idx %parallel_loop3A_596[%select_n3A_197, %select_n3A_219, %parallel_loop3A_536], %parallel_loop3A_591 : memref<8x8x129xf32, #tpu.memory_space<vmem>>[vector<16xi32>, vector<16xi32>, vector<16xi32>], vector<16xf32>,
      } {sc.loop_unroll_factor = 8 : i64, sc.parallel_access}
      %mul3A_477 = arith.constant 2 : i32
      %mul3A_478 = arith.muli %add3A_435, %mul3A_477 : i32
      %add3A_479 = arith.constant 0 : i32
      %add3A_480 = arith.addi %mul3A_478, %add3A_479 : i32
      %dma_start3A_481 = arith.constant 0 : i32
      %dma_start3A_482 = arith.constant 0 : i32
      %dma_start3A_483 = arith.constant 0 : i32
      %dma_start3A_484 = arith.constant 0 : i32
      %dma_start3A_485 = tpu.memref_slice %arg10[%dma_start3A_481, %dma_start3A_482, %dma_start3A_483, %dma_start3A_484] : memref<2x8x8x129xf32, #tpu.memory_space<vmem>> -> memref<1x8x8x128xf32, #tpu.memory_space<vmem>>
      %dma_start3A_486 = tpu.memref_squeeze %dma_start3A_485 : memref<1x8x8x128xf32, #tpu.memory_space<vmem>> -> memref<8x8x128xf32, #tpu.memory_space<vmem>>
      %dma_start3A_487 = arith.constant 0 : i32
      %dma_start3A_488 = arith.constant 0 : i32
      %dma_start3A_489 = arith.constant 0 : i32
      %dma_start3A_490 = tpu.memref_slice %arg4[%add3A_480, %dma_start3A_487, %add3A, %dma_start3A_488, %dma_start3A_489] : memref<200x8x32x8x128xf32, #tpu.memory_space<hbm>> -> memref<1x8x1x8x128xf32, #tpu.memory_space<hbm>>
      %dma_start3A_491 = tpu.memref_squeeze %dma_start3A_490 : memref<1x8x1x8x128xf32, #tpu.memory_space<hbm>> -> memref<8x8x128xf32, #tpu.memory_space<hbm>>
      %dma_start3A_492 = arith.constant 0 : i32
      %dma_start3A_493 = arith.constant 0 : i32
      %dma_start3A_494 = arith.constant 0 : i32
      %dma_start3A_495 = tpu.memref_slice %arg4[%add3A_480, %dma_start3A_492, %add3A, %dma_start3A_493, %dma_start3A_494] : memref<200x8x32x8x128xf32, #tpu.memory_space<hbm>> -> memref<1x8x1x8x128xf32, #tpu.memory_space<hbm>>
      %dma_start3A_496 = tpu.memref_squeeze %dma_start3A_495 : memref<1x8x1x8x128xf32, #tpu.memory_space<hbm>> -> memref<8x8x128xf32, #tpu.memory_space<hbm>>
      %dma_start3A_497 = arith.constant 0 : i32
      %dma_start3A_498 = arith.constant 0 : i32
      %dma_start3A_499 = arith.constant 0 : i32
      %dma_start3A_500 = tpu.memref_slice %arg10[%dma_start3A_481, %dma_start3A_497, %dma_start3A_498, %dma_start3A_499] : memref<2x8x8x129xf32, #tpu.memory_space<vmem>> -> memref<1x8x8x128xf32, #tpu.memory_space<vmem>>
      %dma_start3A_501 = tpu.memref_squeeze %dma_start3A_500 : memref<1x8x8x128xf32, #tpu.memory_space<vmem>> -> memref<8x8x128xf32, #tpu.memory_space<vmem>>
      tpu.enqueue_dma source(%dma_start3A_501 : memref<8x8x128xf32, #tpu.memory_space<vmem>>) target(%dma_start3A_496 : memref<8x8x128xf32, #tpu.memory_space<hbm>>) target_semaphore(%arg14 : memref<!tpu.dma_semaphore, #tpu.memory_space<semaphore_mem>>)
      %parallel_loop3A_502 = arith.constant 0 : i32
      %parallel_loop3A_503 = arith.constant 128 : i32
      %parallel_loop3A_504 = arith.constant 1 : i32
      %parallel_loop3A_505 = arith.constant 1 : i32
      %parallel_loop3A_506 = arith.constant 1 : i32
      scf.for %parallel_loop3A_532 = %parallel_loop3A_502 to %parallel_loop3A_503 step %parallel_loop3A_504  : i32 {
        %parallel_loop3A_533 = arith.constant 0 : i32
        %parallel_loop3A_534 = vector.broadcast %parallel_loop3A_533 : i32 to vector<16xi32>
        %parallel_loop3A_535 = vector.broadcast %parallel_loop3A_532 : i32 to vector<16xi32>
        %parallel_loop3A_536 = arith.addi %parallel_loop3A_534, %parallel_loop3A_535 : vector<16xi32>
        %parallel_loop3A_537 = arith.constant 0 : i32
        %parallel_loop3A_538 = arith.constant 0 : i32
        %parallel_loop3A_539 = tpu.memref_slice %arg8[%parallel_loop3A_505, %parallel_loop3A_537, %parallel_loop3A_538] : memref<2x128x64xf32, #tpu.memory_space<vmem>> -> memref<1x128x64xf32, #tpu.memory_space<vmem>>
        %parallel_loop3A_540 = tpu.memref_squeeze %parallel_loop3A_539 : memref<1x128x64xf32, #tpu.memory_space<vmem>> -> memref<128x64xf32, #tpu.memory_space<vmem>>
        %parallel_loop3A_541 = arith.index_cast %parallel_loop3A_532 : i32 to index
        %parallel_loop3A_542 = arith.constant 0 : index
        %parallel_loop3A_543 = tpu.vector_load %parallel_loop3A_540[%parallel_loop3A_541, %parallel_loop3A_542] {strides = array<i32>} : memref<128x64xf32, #tpu.memory_space<vmem>>, vector<16xf32>,
        %parallel_loop3A_544 = arith.constant 8.000000e+00 : f32
        %parallel_loop3A_545 = vector.broadcast %parallel_loop3A_544 : f32 to vector<16xf32>
        %parallel_loop3A_546 = arith.mulf %parallel_loop3A_543, %parallel_loop3A_545 : vector<16xf32>
        %parallel_loop3A_547 = arith.constant 0 : i32
        %parallel_loop3A_548 = arith.constant 0 : i32
        %parallel_loop3A_549 = arith.constant 0 : i32
        %parallel_loop3A_550 = tpu.memref_slice %arg10[%parallel_loop3A_506, %parallel_loop3A_547, %parallel_loop3A_548, %parallel_loop3A_549] : memref<2x8x8x129xf32, #tpu.memory_space<vmem>> -> memref<1x8x8x129xf32, #tpu.memory_space<vmem>>
        %parallel_loop3A_551 = tpu.memref_squeeze %parallel_loop3A_550 : memref<1x8x8x129xf32, #tpu.memory_space<vmem>> -> memref<8x8x129xf32, #tpu.memory_space<vmem>>
        tpu.vector_store_idx %parallel_loop3A_551[%select_n3A, %select_n3A_48, %parallel_loop3A_536], %parallel_loop3A_546 : memref<8x8x129xf32, #tpu.memory_space<vmem>>[vector<16xi32>, vector<16xi32>, vector<16xi32>], vector<16xf32>,
        %parallel_loop3A_552 = arith.constant 0 : i32
        %parallel_loop3A_553 = arith.constant 0 : i32
        %parallel_loop3A_554 = tpu.memref_slice %arg8[%parallel_loop3A_505, %parallel_loop3A_552, %parallel_loop3A_553] : memref<2x128x64xf32, #tpu.memory_space<vmem>> -> memref<1x128x64xf32, #tpu.memory_space<vmem>>
        %parallel_loop3A_555 = tpu.memref_squeeze %parallel_loop3A_554 : memref<1x128x64xf32, #tpu.memory_space<vmem>> -> memref<128x64xf32, #tpu.memory_space<vmem>>
        %parallel_loop3A_556 = arith.index_cast %parallel_loop3A_532 : i32 to index
        %parallel_loop3A_557 = arith.constant 16 : index
        %parallel_loop3A_558 = tpu.vector_load %parallel_loop3A_555[%parallel_loop3A_556, %parallel_loop3A_557] {strides = array<i32>} : memref<128x64xf32, #tpu.memory_space<vmem>>, vector<16xf32>,
        %parallel_loop3A_559 = arith.constant 8.000000e+00 : f32
        %parallel_loop3A_560 = vector.broadcast %parallel_loop3A_559 : f32 to vector<16xf32>
        %parallel_loop3A_561 = arith.mulf %parallel_loop3A_558, %parallel_loop3A_560 : vector<16xf32>
        %parallel_loop3A_562 = arith.constant 0 : i32
        %parallel_loop3A_563 = arith.constant 0 : i32
        %parallel_loop3A_564 = arith.constant 0 : i32
        %parallel_loop3A_565 = tpu.memref_slice %arg10[%parallel_loop3A_506, %parallel_loop3A_562, %parallel_loop3A_563, %parallel_loop3A_564] : memref<2x8x8x129xf32, #tpu.memory_space<vmem>> -> memref<1x8x8x129xf32, #tpu.memory_space<vmem>>
        %parallel_loop3A_566 = tpu.memref_squeeze %parallel_loop3A_565 : memref<1x8x8x129xf32, #tpu.memory_space<vmem>> -> memref<8x8x129xf32, #tpu.memory_space<vmem>>
        tpu.vector_store_idx %parallel_loop3A_566[%select_n3A_83, %select_n3A_105, %parallel_loop3A_536], %parallel_loop3A_561 : memref<8x8x129xf32, #tpu.memory_space<vmem>>[vector<16xi32>, vector<16xi32>, vector<16xi32>], vector<16xf32>,
        %parallel_loop3A_567 = arith.constant 0 : i32
        %parallel_loop3A_568 = arith.constant 0 : i32
        %parallel_loop3A_569 = tpu.memref_slice %arg8[%parallel_loop3A_505, %parallel_loop3A_567, %parallel_loop3A_568] : memref<2x128x64xf32, #tpu.memory_space<vmem>> -> memref<1x128x64xf32, #tpu.memory_space<vmem>>
        %parallel_loop3A_570 = tpu.memref_squeeze %parallel_loop3A_569 : memref<1x128x64xf32, #tpu.memory_space<vmem>> -> memref<128x64xf32, #tpu.memory_space<vmem>>
        %parallel_loop3A_571 = arith.index_cast %parallel_loop3A_532 : i32 to index
        %parallel_loop3A_572 = arith.constant 32 : index
        %parallel_loop3A_573 = tpu.vector_load %parallel_loop3A_570[%parallel_loop3A_571, %parallel_loop3A_572] {strides = array<i32>} : memref<128x64xf32, #tpu.memory_space<vmem>>, vector<16xf32>,
        %parallel_loop3A_574 = arith.constant 8.000000e+00 : f32
        %parallel_loop3A_575 = vector.broadcast %parallel_loop3A_574 : f32 to vector<16xf32>
        %parallel_loop3A_576 = arith.mulf %parallel_loop3A_573, %parallel_loop3A_575 : vector<16xf32>
        %parallel_loop3A_577 = arith.constant 0 : i32
        %parallel_loop3A_578 = arith.constant 0 : i32
        %parallel_loop3A_579 = arith.constant 0 : i32
        %parallel_loop3A_580 = tpu.memref_slice %arg10[%parallel_loop3A_506, %parallel_loop3A_577, %parallel_loop3A_578, %parallel_loop3A_579] : memref<2x8x8x129xf32, #tpu.memory_space<vmem>> -> memref<1x8x8x129xf32, #tpu.memory_space<vmem>>
        %parallel_loop3A_581 = tpu.memref_squeeze %parallel_loop3A_580 : memref<1x8x8x129xf32, #tpu.memory_space<vmem>> -> memref<8x8x129xf32, #tpu.memory_space<vmem>>
        tpu.vector_store_idx %parallel_loop3A_581[%select_n3A_140, %select_n3A_162, %parallel_loop3A_536], %parallel_loop3A_576 : memref<8x8x129xf32, #tpu.memory_space<vmem>>[vector<16xi32>, vector<16xi32>, vector<16xi32>], vector<16xf32>,
        %parallel_loop3A_582 = arith.constant 0 : i32
        %parallel_loop3A_583 = arith.constant 0 : i32
        %parallel_loop3A_584 = tpu.memref_slice %arg8[%parallel_loop3A_505, %parallel_loop3A_582, %parallel_loop3A_583] : memref<2x128x64xf32, #tpu.memory_space<vmem>> -> memref<1x128x64xf32, #tpu.memory_space<vmem>>
        %parallel_loop3A_585 = tpu.memref_squeeze %parallel_loop3A_584 : memref<1x128x64xf32, #tpu.memory_space<vmem>> -> memref<128x64xf32, #tpu.memory_space<vmem>>
        %parallel_loop3A_586 = arith.index_cast %parallel_loop3A_532 : i32 to index
        %parallel_loop3A_587 = arith.constant 48 : index
        %parallel_loop3A_588 = tpu.vector_load %parallel_loop3A_585[%parallel_loop3A_586, %parallel_loop3A_587] {strides = array<i32>} : memref<128x64xf32, #tpu.memory_space<vmem>>, vector<16xf32>,
        %parallel_loop3A_589 = arith.constant 8.000000e+00 : f32
        %parallel_loop3A_590 = vector.broadcast %parallel_loop3A_589 : f32 to vector<16xf32>
        %parallel_loop3A_591 = arith.mulf %parallel_loop3A_588, %parallel_loop3A_590 : vector<16xf32>
        %parallel_loop3A_592 = arith.constant 0 : i32
        %parallel_loop3A_593 = arith.constant 0 : i32
        %parallel_loop3A_594 = arith.constant 0 : i32
        %parallel_loop3A_595 = tpu.memref_slice %arg10[%parallel_loop3A_506, %parallel_loop3A_592, %parallel_loop3A_593, %parallel_loop3A_594] : memref<2x8x8x129xf32, #tpu.memory_space<vmem>> -> memref<1x8x8x129xf32, #tpu.memory_space<vmem>>
        %parallel_loop3A_596 = tpu.memref_squeeze %parallel_loop3A_595 : memref<1x8x8x129xf32, #tpu.memory_space<vmem>> -> memref<8x8x129xf32, #tpu.memory_space<vmem>>
        tpu.vector_store_idx %parallel_loop3A_596[%select_n3A_197, %select_n3A_219, %parallel_loop3A_536], %parallel_loop3A_591 : memref<8x8x129xf32, #tpu.memory_space<vmem>>[vector<16xi32>, vector<16xi32>, vector<16xi32>], vector<16xf32>,
      } {sc.loop_unroll_factor = 8 : i64, sc.parallel_access}
      %mul3A_507 = arith.constant 2 : i32
      %mul3A_508 = arith.muli %add3A_435, %mul3A_507 : i32
      %add3A_509 = arith.constant 1 : i32
      %add3A_510 = arith.addi %mul3A_508, %add3A_509 : i32
      %dma_start3A_511 = arith.constant 1 : i32
      %dma_start3A_512 = arith.constant 0 : i32
      %dma_start3A_513 = arith.constant 0 : i32
      %dma_start3A_514 = arith.constant 0 : i32
      %dma_start3A_515 = tpu.memref_slice %arg10[%dma_start3A_511, %dma_start3A_512, %dma_start3A_513, %dma_start3A_514] : memref<2x8x8x129xf32, #tpu.memory_space<vmem>> -> memref<1x8x8x128xf32, #tpu.memory_space<vmem>>
      %dma_start3A_516 = tpu.memref_squeeze %dma_start3A_515 : memref<1x8x8x128xf32, #tpu.memory_space<vmem>> -> memref<8x8x128xf32, #tpu.memory_space<vmem>>
      %dma_start3A_517 = arith.constant 0 : i32
      %dma_start3A_518 = arith.constant 0 : i32
      %dma_start3A_519 = arith.constant 0 : i32
      %dma_start3A_520 = tpu.memref_slice %arg4[%add3A_510, %dma_start3A_517, %add3A, %dma_start3A_518, %dma_start3A_519] : memref<200x8x32x8x128xf32, #tpu.memory_space<hbm>> -> memref<1x8x1x8x128xf32, #tpu.memory_space<hbm>>
      %dma_start3A_521 = tpu.memref_squeeze %dma_start3A_520 : memref<1x8x1x8x128xf32, #tpu.memory_space<hbm>> -> memref<8x8x128xf32, #tpu.memory_space<hbm>>
      %dma_start3A_522 = arith.constant 0 : i32
      %dma_start3A_523 = arith.constant 0 : i32
      %dma_start3A_524 = arith.constant 0 : i32
      %dma_start3A_525 = tpu.memref_slice %arg4[%add3A_510, %dma_start3A_522, %add3A, %dma_start3A_523, %dma_start3A_524] : memref<200x8x32x8x128xf32, #tpu.memory_space<hbm>> -> memref<1x8x1x8x128xf32, #tpu.memory_space<hbm>>
      %dma_start3A_526 = tpu.memref_squeeze %dma_start3A_525 : memref<1x8x1x8x128xf32, #tpu.memory_space<hbm>> -> memref<8x8x128xf32, #tpu.memory_space<hbm>>
      %dma_start3A_527 = arith.constant 0 : i32
      %dma_start3A_528 = arith.constant 0 : i32
      %dma_start3A_529 = arith.constant 0 : i32
      %dma_start3A_530 = tpu.memref_slice %arg10[%dma_start3A_511, %dma_start3A_527, %dma_start3A_528, %dma_start3A_529] : memref<2x8x8x129xf32, #tpu.memory_space<vmem>> -> memref<1x8x8x128xf32, #tpu.memory_space<vmem>>
      %dma_start3A_531 = tpu.memref_squeeze %dma_start3A_530 : memref<1x8x8x128xf32, #tpu.memory_space<vmem>> -> memref<8x8x128xf32, #tpu.memory_space<vmem>>
      tpu.enqueue_dma source(%dma_start3A_531 : memref<8x8x128xf32, #tpu.memory_space<vmem>>) target(%dma_start3A_526 : memref<8x8x128xf32, #tpu.memory_space<hbm>>) target_semaphore(%arg14 : memref<!tpu.dma_semaphore, #tpu.memory_space<semaphore_mem>>)
    }
    %scan3A_247 = arith.constant 50 : i32
    %dma_wait3A = arith.constant 0 : i32
    %dma_wait3A_248 = arith.constant 196 : i32
    %dma_wait3A_249 = arith.constant 0 : i32
    %dma_wait3A_250 = arith.constant 0 : i32
    %dma_wait3A_251 = arith.constant 0 : i32
    %dma_wait3A_252 = tpu.memref_slice %arg9[%dma_wait3A, %dma_wait3A_249, %dma_wait3A_250, %dma_wait3A_251] : memref<2x8x8x129xf32, #tpu.memory_space<vmem>> -> memref<1x8x8x128xf32, #tpu.memory_space<vmem>>
    %dma_wait3A_253 = tpu.memref_squeeze %dma_wait3A_252 : memref<1x8x8x128xf32, #tpu.memory_space<vmem>> -> memref<8x8x128xf32, #tpu.memory_space<vmem>>
    %dma_wait3A_254 = arith.constant 0 : i32
    %dma_wait3A_255 = arith.constant 0 : i32
    %dma_wait3A_256 = arith.constant 0 : i32
    %dma_wait3A_257 = tpu.memref_slice %arg4[%dma_wait3A_248, %dma_wait3A_254, %add3A, %dma_wait3A_255, %dma_wait3A_256] : memref<200x8x32x8x128xf32, #tpu.memory_space<hbm>> -> memref<1x8x1x8x128xf32, #tpu.memory_space<hbm>>
    %dma_wait3A_258 = tpu.memref_squeeze %dma_wait3A_257 : memref<1x8x1x8x128xf32, #tpu.memory_space<hbm>> -> memref<8x8x128xf32, #tpu.memory_space<hbm>>
    %dma_wait3A_259 = arith.constant 0 : i32
    %dma_wait3A_260 = arith.constant 0 : i32
    %dma_wait3A_261 = arith.constant 0 : i32
    %dma_wait3A_262 = tpu.memref_slice %arg4[%dma_wait3A_248, %dma_wait3A_259, %add3A, %dma_wait3A_260, %dma_wait3A_261] : memref<200x8x32x8x128xf32, #tpu.memory_space<hbm>> -> memref<1x8x1x8x128xf32, #tpu.memory_space<hbm>>
    %dma_wait3A_263 = tpu.memref_squeeze %dma_wait3A_262 : memref<1x8x1x8x128xf32, #tpu.memory_space<hbm>> -> memref<8x8x128xf32, #tpu.memory_space<hbm>>
    %dma_wait3A_264 = arith.constant 0 : i32
    %dma_wait3A_265 = arith.constant 0 : i32
    %dma_wait3A_266 = arith.constant 0 : i32
    %dma_wait3A_267 = tpu.memref_slice %arg9[%dma_wait3A, %dma_wait3A_264, %dma_wait3A_265, %dma_wait3A_266] : memref<2x8x8x129xf32, #tpu.memory_space<vmem>> -> memref<1x8x8x128xf32, #tpu.memory_space<vmem>>
    %dma_wait3A_268 = tpu.memref_squeeze %dma_wait3A_267 : memref<1x8x8x128xf32, #tpu.memory_space<vmem>> -> memref<8x8x128xf32, #tpu.memory_space<vmem>>
    tpu.wait_dma2 semaphore(%arg13 : memref<!tpu.dma_semaphore, #tpu.memory_space<semaphore_mem>>) src(%dma_wait3A_268 : memref<8x8x128xf32, #tpu.memory_space<vmem>>) dst(%dma_wait3A_263 : memref<8x8x128xf32, #tpu.memory_space<hbm>>)
    %dma_wait3A_269 = arith.constant 1 : i32
    %dma_wait3A_270 = arith.constant 197 : i32
    %dma_wait3A_271 = arith.constant 0 : i32
    %dma_wait3A_272 = arith.constant 0 : i32
    %dma_wait3A_273 = arith.constant 0 : i32
    %dma_wait3A_274 = tpu.memref_slice %arg9[%dma_wait3A_269, %dma_wait3A_271, %dma_wait3A_272, %dma_wait3A_273] : memref<2x8x8x129xf32, #tpu.memory_space<vmem>> -> memref<1x8x8x128xf32, #tpu.memory_space<vmem>>
    %dma_wait3A_275 = tpu.memref_squeeze %dma_wait3A_274 : memref<1x8x8x128xf32, #tpu.memory_space<vmem>> -> memref<8x8x128xf32, #tpu.memory_space<vmem>>
    %dma_wait3A_276 = arith.constant 0 : i32
    %dma_wait3A_277 = arith.constant 0 : i32
    %dma_wait3A_278 = arith.constant 0 : i32
    %dma_wait3A_279 = tpu.memref_slice %arg4[%dma_wait3A_270, %dma_wait3A_276, %add3A, %dma_wait3A_277, %dma_wait3A_278] : memref<200x8x32x8x128xf32, #tpu.memory_space<hbm>> -> memref<1x8x1x8x128xf32, #tpu.memory_space<hbm>>
    %dma_wait3A_280 = tpu.memref_squeeze %dma_wait3A_279 : memref<1x8x1x8x128xf32, #tpu.memory_space<hbm>> -> memref<8x8x128xf32, #tpu.memory_space<hbm>>
    %dma_wait3A_281 = arith.constant 0 : i32
    %dma_wait3A_282 = arith.constant 0 : i32
    %dma_wait3A_283 = arith.constant 0 : i32
    %dma_wait3A_284 = tpu.memref_slice %arg4[%dma_wait3A_270, %dma_wait3A_281, %add3A, %dma_wait3A_282, %dma_wait3A_283] : memref<200x8x32x8x128xf32, #tpu.memory_space<hbm>> -> memref<1x8x1x8x128xf32, #tpu.memory_space<hbm>>
    %dma_wait3A_285 = tpu.memref_squeeze %dma_wait3A_284 : memref<1x8x1x8x128xf32, #tpu.memory_space<hbm>> -> memref<8x8x128xf32, #tpu.memory_space<hbm>>
    %dma_wait3A_286 = arith.constant 0 : i32
    %dma_wait3A_287 = arith.constant 0 : i32
    %dma_wait3A_288 = arith.constant 0 : i32
    %dma_wait3A_289 = tpu.memref_slice %arg9[%dma_wait3A_269, %dma_wait3A_286, %dma_wait3A_287, %dma_wait3A_288] : memref<2x8x8x129xf32, #tpu.memory_space<vmem>> -> memref<1x8x8x128xf32, #tpu.memory_space<vmem>>
    %dma_wait3A_290 = tpu.memref_squeeze %dma_wait3A_289 : memref<1x8x8x128xf32, #tpu.memory_space<vmem>> -> memref<8x8x128xf32, #tpu.memory_space<vmem>>
    tpu.wait_dma2 semaphore(%arg13 : memref<!tpu.dma_semaphore, #tpu.memory_space<semaphore_mem>>) src(%dma_wait3A_290 : memref<8x8x128xf32, #tpu.memory_space<vmem>>) dst(%dma_wait3A_285 : memref<8x8x128xf32, #tpu.memory_space<hbm>>)
    %dma_wait3A_291 = arith.constant 0 : i32
    %dma_wait3A_292 = arith.constant 198 : i32
    %dma_wait3A_293 = arith.constant 0 : i32
    %dma_wait3A_294 = arith.constant 0 : i32
    %dma_wait3A_295 = arith.constant 0 : i32
    %dma_wait3A_296 = tpu.memref_slice %arg10[%dma_wait3A_291, %dma_wait3A_293, %dma_wait3A_294, %dma_wait3A_295] : memref<2x8x8x129xf32, #tpu.memory_space<vmem>> -> memref<1x8x8x128xf32, #tpu.memory_space<vmem>>
    %dma_wait3A_297 = tpu.memref_squeeze %dma_wait3A_296 : memref<1x8x8x128xf32, #tpu.memory_space<vmem>> -> memref<8x8x128xf32, #tpu.memory_space<vmem>>
    %dma_wait3A_298 = arith.constant 0 : i32
    %dma_wait3A_299 = arith.constant 0 : i32
    %dma_wait3A_300 = arith.constant 0 : i32
    %dma_wait3A_301 = tpu.memref_slice %arg4[%dma_wait3A_292, %dma_wait3A_298, %add3A, %dma_wait3A_299, %dma_wait3A_300] : memref<200x8x32x8x128xf32, #tpu.memory_space<hbm>> -> memref<1x8x1x8x128xf32, #tpu.memory_space<hbm>>
    %dma_wait3A_302 = tpu.memref_squeeze %dma_wait3A_301 : memref<1x8x1x8x128xf32, #tpu.memory_space<hbm>> -> memref<8x8x128xf32, #tpu.memory_space<hbm>>
    %dma_wait3A_303 = arith.constant 0 : i32
    %dma_wait3A_304 = arith.constant 0 : i32
    %dma_wait3A_305 = arith.constant 0 : i32
    %dma_wait3A_306 = tpu.memref_slice %arg4[%dma_wait3A_292, %dma_wait3A_303, %add3A, %dma_wait3A_304, %dma_wait3A_305] : memref<200x8x32x8x128xf32, #tpu.memory_space<hbm>> -> memref<1x8x1x8x128xf32, #tpu.memory_space<hbm>>
    %dma_wait3A_307 = tpu.memref_squeeze %dma_wait3A_306 : memref<1x8x1x8x128xf32, #tpu.memory_space<hbm>> -> memref<8x8x128xf32, #tpu.memory_space<hbm>>
    %dma_wait3A_308 = arith.constant 0 : i32
    %dma_wait3A_309 = arith.constant 0 : i32
    %dma_wait3A_310 = arith.constant 0 : i32
    %dma_wait3A_311 = tpu.memref_slice %arg10[%dma_wait3A_291, %dma_wait3A_308, %dma_wait3A_309, %dma_wait3A_310] : memref<2x8x8x129xf32, #tpu.memory_space<vmem>> -> memref<1x8x8x128xf32, #tpu.memory_space<vmem>>
    %dma_wait3A_312 = tpu.memref_squeeze %dma_wait3A_311 : memref<1x8x8x128xf32, #tpu.memory_space<vmem>> -> memref<8x8x128xf32, #tpu.memory_space<vmem>>
    tpu.wait_dma2 semaphore(%arg14 : memref<!tpu.dma_semaphore, #tpu.memory_space<semaphore_mem>>) src(%dma_wait3A_312 : memref<8x8x128xf32, #tpu.memory_space<vmem>>) dst(%dma_wait3A_307 : memref<8x8x128xf32, #tpu.memory_space<hbm>>)
    %dma_wait3A_313 = arith.constant 1 : i32
    %dma_wait3A_314 = arith.constant 199 : i32
    %dma_wait3A_315 = arith.constant 0 : i32
    %dma_wait3A_316 = arith.constant 0 : i32
    %dma_wait3A_317 = arith.constant 0 : i32
    %dma_wait3A_318 = tpu.memref_slice %arg10[%dma_wait3A_313, %dma_wait3A_315, %dma_wait3A_316, %dma_wait3A_317] : memref<2x8x8x129xf32, #tpu.memory_space<vmem>> -> memref<1x8x8x128xf32, #tpu.memory_space<vmem>>
    %dma_wait3A_319 = tpu.memref_squeeze %dma_wait3A_318 : memref<1x8x8x128xf32, #tpu.memory_space<vmem>> -> memref<8x8x128xf32, #tpu.memory_space<vmem>>
    %dma_wait3A_320 = arith.constant 0 : i32
    %dma_wait3A_321 = arith.constant 0 : i32
    %dma_wait3A_322 = arith.constant 0 : i32
    %dma_wait3A_323 = tpu.memref_slice %arg4[%dma_wait3A_314, %dma_wait3A_320, %add3A, %dma_wait3A_321, %dma_wait3A_322] : memref<200x8x32x8x128xf32, #tpu.memory_space<hbm>> -> memref<1x8x1x8x128xf32, #tpu.memory_space<hbm>>
    %dma_wait3A_324 = tpu.memref_squeeze %dma_wait3A_323 : memref<1x8x1x8x128xf32, #tpu.memory_space<hbm>> -> memref<8x8x128xf32, #tpu.memory_space<hbm>>
    %dma_wait3A_325 = arith.constant 0 : i32
    %dma_wait3A_326 = arith.constant 0 : i32
    %dma_wait3A_327 = arith.constant 0 : i32
    %dma_wait3A_328 = tpu.memref_slice %arg4[%dma_wait3A_314, %dma_wait3A_325, %add3A, %dma_wait3A_326, %dma_wait3A_327] : memref<200x8x32x8x128xf32, #tpu.memory_space<hbm>> -> memref<1x8x1x8x128xf32, #tpu.memory_space<hbm>>
    %dma_wait3A_329 = tpu.memref_squeeze %dma_wait3A_328 : memref<1x8x1x8x128xf32, #tpu.memory_space<hbm>> -> memref<8x8x128xf32, #tpu.memory_space<hbm>>
    %dma_wait3A_330 = arith.constant 0 : i32
    %dma_wait3A_331 = arith.constant 0 : i32
    %dma_wait3A_332 = arith.constant 0 : i32
    %dma_wait3A_333 = tpu.memref_slice %arg10[%dma_wait3A_313, %dma_wait3A_330, %dma_wait3A_331, %dma_wait3A_332] : memref<2x8x8x129xf32, #tpu.memory_space<vmem>> -> memref<1x8x8x128xf32, #tpu.memory_space<vmem>>
    %dma_wait3A_334 = tpu.memref_squeeze %dma_wait3A_333 : memref<1x8x8x128xf32, #tpu.memory_space<vmem>> -> memref<8x8x128xf32, #tpu.memory_space<vmem>>
    tpu.wait_dma2 semaphore(%arg14 : memref<!tpu.dma_semaphore, #tpu.memory_space<semaphore_mem>>) src(%dma_wait3A_334 : memref<8x8x128xf32, #tpu.memory_space<vmem>>) dst(%dma_wait3A_329 : memref<8x8x128xf32, #tpu.memory_space<hbm>>)
    return
  }
}

</mosaic_0001>

<sc_bundles>
// kernel: _lookup_t_major.3.cloned.1.call-start
scs
__scs_entry_jumppad:
0x0: {  	(pc) =	sbr.rel $0x88, $3  }
0x1: {  	(tag) =	ssettag $0x0;
	lr =	simm.s32 $0x1  }
0x2: {  	[smem:$0x3F9F] =	sst lr;
	_ =	strace $0xD0000000  }
0x3: {  	_ = 	snop  }
0x4: {  	_ = 	snop  }
0x5: {  	_ = 	snop  }
0x6: {  	_ = 	snop  }
0x7: {  	_ = 	snop  }
__scs_overlays_trampoline_lowered:
0x8: {  	[smem:$0x3FAE] =	sst s0  }
0x9: {  	[smem:$0x3FAF] =	sst s1  }
0xa: {  	[smem:$0x3FB0] =	sst s2  }
0xb: {  	[smem:$0x3FB1] =	sst s3  }
0xc: {  	[smem:$0x3FB2] =	sst s4  }
0xd: {  	[smem:$0x3FB3] =	sst s5  }
0xe: {  	[smem:$0x3FB4] =	sst s6  }
0xf: {  	[smem:$0x3FB5] =	sst s7  }
0x10: {  	[smem:$0x3FB6] =	sst s8  }
0x11: {  	[smem:$0x3FB7] =	sst s9;
	s0 =	simm.s32 @!p0 $0x0  }
0x12: {  	s1 =	sld [smem:$0x3F9D];
	s0 =	simm.s32 @p0 $0x1  }
0x13: {  	[smem:$0x3FB8] =	sst s0;
	s0 =	simm.s32 @!p1 $0x0  }
0x14: {  	s2 =	sld [smem:$0x3F9C];
	s0 =	simm.s32 @p1 $0x1  }
0x15: {  	[smem:$0x3FB9] =	sst s0;
	s0 =	simm.s32 @!p2 $0x0  }
0x16: {  	s3 =	sld [smem:$0x3FDB];
	s0 =	simm.s32 @p2 $0x1  }
0x17: {  	s4 =	simm.s32 $0x1BF5;
	[smem:$0x3FBB] =	sst s0  }
0x18: {  	s0 =	sld [smem:$0x3F9E];
	_ =	swait.ge [sflag:s4], $0x0  }
0x19: {  	s7 =	sld [smem:$0x3F9F]  }
0x1a: {  	s8 =	sadd.s32 $0xFFFFE003, lr  }
0x1b: {  	s9 =	sadd.s32 $0xFFFFFEF7, lr;
	s5 =	simm.s32 $0xFFFFFFFF;
	p2 =	slt.u32 s8, $0xFFFFF086  }
0x1c: {  	p1 =	slt.u32 s9, $0xF7A;
	s5 =	simm.s32 @!p2 $0x0  }
0x1d: {  	s5 =	simm.s32 @p1 $0x1;
	p0 =	seq.s32 s7, s2  }
0x1e: {  	s7 =	smul.u32 @!p0 $0xF7A, s2;
	p2 =	seq.s32 @!p0 s5, $0x0  }
0x1f: {  	s9 =	smul.u32 $0xF7A, s1;
	s8 =	simm.s32 @!p0 $0x1BF5;
	p2 =	por !p2, p0  }
0x20: {  	[sflag:s8] =	ssyncset.s32 @!p0 $0xFFFFF086;
	s6 =	sadd.s32 @!p0 s3, s7;
	s7 =	simm.s32 @!p0 $0x108  }
0x21: {  	s3 =	sadd.s32 s3, s9;
	s6 =	sadd.s32 @!p0 $0x88, s6;
	s7 =	simm.s32 @p2 $0x1082  }
0x22: {  	[simem:s7], [sflag:s8] =	dma.local @!p0 [hbm:s6], $0xF7A  }
0x23: {  	s9 =	sor.u32 $0xD0000000, s2;
	s6 =	simm.s32 $0x108;
	_ =	swait.ge @!p0 [sflag:s8], $0x0  }
0x24: {  	s3 =	sadd.s32 $0x88, s3;
	s6 =	simm.s32 @!p1 $0x1082;
	[sflag:s4] =	ssyncset.s32 $0xFFFFF086  }
0x25: {  	[simem:s6], [sflag:s4] =	dma.local [hbm:s3], $0xF7A  }
0x26: {  	[smem:$0x3F9F] =	sst s1;
	(tag) =	ssettag s2;
	_ =	strace s9  }
0x27: {  	s1 =	sld [smem:$0x3FAF]  }
0x28: {  	s2 =	sld [smem:$0x3FB0]  }
0x29: {  	s4 =	sld [smem:$0x3FB2]  }
0x2a: {  	p0 =	seq.s32 s5, $0x0;
	s5 =	sld [smem:$0x3FB3]  }
0x2b: {  	s6 =	sld [smem:$0x3FB4]  }
0x2c: {  	s7 =	sld [smem:$0x3FB5]  }
0x2d: {  	s3 =	simm.s32 $0x108;
	s8 =	sld [smem:$0x3FB6]  }
0x2e: {  	s3 =	simm.s32 @!p0 $0x1082;
	s9 =	sld [smem:$0x3FB7]  }
0x2f: {  	lr =	sadd.s32 s0, s3;
	s0 =	sld [smem:$0x3FAE]  }
0x30: {  	s3 =	sld [smem:$0x3FB1]  }
0x31: {  	[smem:$0x3FBA] =	sst s10  }
0x32: {  	s10 =	sld [smem:$0x3FB8];
	_ =	sdelay $0x3  }
0x33: {  	p0 =	seq.s32 s10, $0x1;
	s10 =	sld [smem:$0x3FBA];
	_ =	sdelay $0x3  }
0x34: {  	[smem:$0x3FBA] =	sst s10  }
0x35: {  	s10 =	sld [smem:$0x3FB9];
	_ =	sdelay $0x3  }
0x36: {  	p1 =	seq.s32 s10, $0x1;
	s10 =	sld [smem:$0x3FBA];
	_ =	sdelay $0x3  }
0x37: {  	[smem:$0x3FBA] =	sst s10  }
0x38: {  	s10 =	sld [smem:$0x3FBB]  }
0x39: {  	_ = 	snop;
	(pc) =	sbr.ind lr, $3  }
0x3a: {  	_ = 	snop  }
0x3b: {  	_ = 	snop  }
0x3c: {  	p2 =	seq.s32 s10, $0x1;
	s10 =	sld [smem:$0x3FBA]  }
0x3d: {  	_ =	shalt  }
0x3e: {  	_ =	shalt  }
0x3f: {  	_ =	shalt  }
0x40: {  	_ =	shalt  }
0x41: {  	_ =	shalt  }
0x42: {  	_ =	shalt  }
0x43: {  	_ =	shalt  }
0x44: {  	_ =	shalt  }
0x45: {  	_ =	shalt  }
0x46: {  	_ =	shalt  }
0x47: {  	_ =	shalt  }
0x48: {  	_ =	shalt  }
0x49: {  	_ =	shalt  }
0x4a: {  	_ =	shalt  }
0x4b: {  	_ =	shalt  }
0x4c: {  	_ =	shalt  }
0x4d: {  	_ =	shalt  }
0x4e: {  	_ =	shalt  }
0x4f: {  	_ =	shalt  }
0x50: {  	_ =	shalt  }
0x51: {  	_ =	shalt  }
0x52: {  	_ =	shalt  }
0x53: {  	_ =	shalt  }
0x54: {  	_ =	shalt  }
0x55: {  	_ =	shalt  }
0x56: {  	_ =	shalt  }
0x57: {  	_ =	shalt  }
0x58: {  	_ =	shalt  }
0x59: {  	_ =	shalt  }
0x5a: {  	_ =	shalt  }
0x5b: {  	_ =	shalt  }
0x5c: {  	_ =	shalt  }
0x5d: {  	_ =	shalt  }
0x5e: {  	_ =	shalt  }
0x5f: {  	_ =	shalt  }
0x60: {  	_ =	shalt  }
0x61: {  	_ =	shalt  }
0x62: {  	_ =	shalt  }
0x63: {  	_ =	shalt  }
0x64: {  	_ =	shalt  }
0x65: {  	_ =	shalt  }
0x66: {  	_ =	shalt  }
0x67: {  	_ =	shalt  }
0x68: {  	_ =	shalt  }
0x69: {  	_ =	shalt  }
0x6a: {  	_ =	shalt  }
0x6b: {  	_ =	shalt  }
0x6c: {  	_ =	shalt  }
0x6d: {  	_ =	shalt  }
0x6e: {  	_ =	shalt  }
0x6f: {  	_ =	shalt  }
0x70: {  	_ =	shalt  }
0x71: {  	_ =	shalt  }
0x72: {  	_ =	shalt  }
0x73: {  	_ =	shalt  }
0x74: {  	_ =	shalt  }
0x75: {  	_ =	shalt  }
0x76: {  	_ =	shalt  }
0x77: {  	_ =	shalt  }
0x78: {  	_ =	shalt  }
0x79: {  	_ =	shalt  }
0x7a: {  	_ =	shalt  }
0x7b: {  	_ =	shalt  }
0x7c: {  	_ =	shalt  }
0x7d: {  	_ =	shalt  }
0x7e: {  	_ =	shalt  }
0x7f: {  	_ =	shalt  }
0x80: {  	_ =	shalt  }
0x81: {  	_ =	shalt  }
0x82: {  	_ =	shalt  }
0x83: {  	_ =	shalt  }
0x84: {  	_ =	shalt  }
0x85: {  	_ =	shalt  }
0x86: {  	_ =	shalt  }
0x87: {  	_ =	shalt  }
.Lfunc_end0:
.L_simem_size_0:
called_computation_lowered:
.L_overlay_start_0:
0x88: {  	s2 =	sld [smem:$0x3FD9]  }
0x89: {  	s3 =	sld [smem:$0x3FFE];
	_ =	sdelay $0x1  }
0x8a: {  	s1 =	srdreg.scid  }
0x8b: {  	s0 =	sand.u32 $0x1, s1  }
0x8c: {  	s17 =	sshll.u32 s0, $0xA;
	s2 =	sadd.s32 s3, s2  }
0x8d: {  	s2 =	sadd.s32 s2, s17  }
0x8e: {  	[smem:$0x3FC6] =	sst s2  }
0x8f: {  	_ = 	snop  }
0x90: {  	s2 =	sld [smem:$0x3FD0];
	(tm) =	ssettm $0x1  }
0x91: {  	s18 =	sld [smem:$0x3FFB];
	_ =	sdelay $0x3  }
0x92: {  	_ =	strace s18  }
0x93: {  	s3 =	sld [smem:$0x3FFC];
	_ =	sdelay $0x3  }
0x94: {  	_ =	strace s3  }
0x95: {  	s3 =	sld [smem:$0x3FFD];
	_ =	sdelay $0x3  }
0x96: {  	_ =	strace s3  }
0x97: {  	_ =	strace $0x8FFFFFFF  }
0x98: {  	s19 =	sld [smem:$0x3FDB];
	_ =	sdelay $0x1  }
0x99: {  	s4 =	simm.s32 $_scs_section_size  }
0x9a: {  	s5 =	simm.s32 $_size__tile_overlayer_lowered;
	s6 =	simm.s32 $_tile_overlayer_lowered  }
0x9b: {  	s22 =	simm.s32 $0x1BFF;
	s21 =	sshll.u32 s6, $0x1;
	s3 =	sadd.s32 s4, s19  }
0x9c: {  	s7 =	simm.s32 $0x0;
	s20 =	sshll.u32 s5, $0x1;
	s5 =	sadd.s32 s21, s3  }
0x9d: {  	[timem:s7], [sflag:s22] =	dma.local [hbm:s5], s20  }
0x9e: {  	_ =	swait.ge [sflag:s22], s20  }
0x9f: {  	s4 =	ssub.s32 $0x0, s20;
	[sflag:s22] =	ssyncset.done $0x0  }
0xa0: {  	[sflag:s22] =	ssyncadd.s32 s4;
	_ =	sdelay $0x1  }
0xa1: {  	s23 =	simm.s32 $0x1B8B  }
0xa2: {  	_ =	swait.ge [sflag:s23], $0x1  }
0xa3: {  	[sflag:s23] =	ssyncset.done $0x0  }
0xa4: {  	s25 =	simm.s32 $0x1B8E;
	s24 =	sld [smem:$0x3FFE];
	[sflag:s23] =	ssyncadd.s32 $0xFFFFFFFF  }
0xa5: {  	s26 =	simm.s32 $execute0_lowered;
	[smem:$0x3FD2] =	sst s25  }
0xa6: {  	s5 =	sshll.u32 s26, $0x1;
	_ =	strace $0x80000046;
	[dreg:$0x1] =	wrdreg $0xFFFFFFFF  }
0xa7: {  	s28 =	simm.s32 $_size_execute0_lowered;
	s3 =	sadd.s32 s3, s5;
	[dreg:$0x0] =	wrdreg $0x0  }
0xa8: {  	s5 =	sshll.u32 s28, $0x1;
	[dreg:$0x2] =	wrdreg s3  }
0xa9: {  	[dreg:$0x3] =	wrdreg s5  }
0xaa: {  	[dreg:$0x4] =	wrdreg $0xC0  }
0xab: {  	_ =	task [dreg:s7], $0x5FFFF  }
0xac: {  	[dreg:$0x1] =	wrdreg $0xFFFFFFFF  }
0xad: {  	[dreg:$0x0] =	wrdreg $0x60  }
0xae: {  	[dreg:$0x2] =	wrdreg s24  }
0xaf: {  	[dreg:$0x3] =	wrdreg s2  }
0xb0: {  	[dreg:$0x4] =	wrdreg $0x9  }
0xb1: {  	_ =	task.clear_ibuf [dreg:s7], $0x5FFFF;
	_ =	strace $0x90000046  }
0xb2: {  	s29 =	simm.s32 $0x9;
	_ =	strace $0x80000048  }
0xb3: {  	_ =	swait.ge [sflag:s29], $0x1  }
0xb4: {  	[sflag:s29] =	ssyncadd.s32 $0xFFFFFFFF  }
0xb5: {  	_ =	strace $0x90000048  }
0xb6: {  	_ =	sfence  }
0xb7: {  	s30 =	sld [smem:$0x0];
	_ =	sdelay $0x2  }
0xb8: {  	s31 =	sshll.u32 s1, $0xD;
	s1 =	sshrl.u32 s1, $0x2  }
0xb9: {  	s3 =	sand.u32 $0x4000, s31;
	s1 =	sadd.s32 s1, s30  }
0xba: {  	s0 =	sor.u32 s3, s0;
	s1 =	sshll.u32 s1, $0x11  }
0xbb: {  	s0 =	sor.u32 s1, s0  }
0xbc: {  	s0 =	sadd.s32 $0x8F2B, s0  }
0xbd: {  	[sflag:s0] =	ssyncadd.remote.s32 $0x1  }
0xbe: {  	_ =	sfence.sel $0xFFFF  }
0xbf: {  	[dreg:$0x0] =	wrdreg $0xFFFFFFFF;
	(pc) =	sbr.abs _section_cstart, $3  }
0xc0: {  	[dreg:$0x1] =	wrdreg $0xFFFFFFFF  }
0xc1: {  	_ =	task.clear_ibuf [dreg:s7], $0x2FFFF;
	_ =	strace $0x9FFFFFFF  }
0xc2: {  	(tm) =	ssettm $0x7FFFFFFF  }
0xc3: {  	_ =	shalt  }
tec
execute0_lowered:
.L_overlay_start_1:
0x0: {  	(tag) =	ssettag $0x1  }
0x1: {  	v0 =	vlaneseq.u32  }
0x2: {  	s0 =	rddreg [dreg:$0x0];
	s2 =	simm.s32 $0x0;
	v9 =	vmul.u32 $0x88, v0  }
0x3: {  	[smem:$0x7FF] =	sst s2  }
0x4: {  	s1 =	rddreg [dreg:$0x1];
	_ =	strace $0x80000047;
	v3 =	vadd.s32 $0x1981, v9;
	[tilespmem:$0x1FE50] =	vst v9  }
0x5: {  	v0 =	vadd.s32 $0x880, v9;
	[tilespmem:$0x1FE10] =	vst v3  }
0x6: {  	v2 =	vadd.s32 $0x1100, v9;
	[tilespmem:$0x1FE60] =	vst v0  }
0x7: {  	v12 =	vadd.s32 $0x1980, v9;
	[tilespmem:$0x1FE70] =	vst v2  }
0x8: {  	v13 =	vor.u32 $0x1, v9;
	[tilespmem:$0x1FE80] =	vst v12  }
0x9: {  	v10 =	vadd.s32 $0x881, v9;
	[tilespmem:$0x1FE90] =	vst v13  }
0xa: {  	v16 =	vadd.s32 $0x1101, v9;
	[tilespmem:$0x1FEA0] =	vst v10  }
0xb: {  	v6 =	vor.u32 $0x2, v9;
	[tilespmem:$0x1FEB0] =	vst v16  }
0xc: {  	v29 =	vadd.s32 $0x882, v9;
	[tilespmem:$0x1FEC0] =	vst v6  }
0xd: {  	v24 =	vadd.s32 $0x1102, v9;
	[tilespmem:$0x1FED0] =	vst v29  }
0xe: {  	v17 =	vadd.s32 $0x1982, v9;
	[tilespmem:$0x1FEE0] =	vst v24  }
0xf: {  	v28 =	vor.u32 $0x3, v9;
	[tilespmem:$0x1FEF0] =	vst v17  }
0x10: {  	v25 =	vadd.s32 $0x883, v9;
	[tilespmem:$0x1FF00] =	vst v28  }
0x11: {  	v11 =	vadd.s32 $0x1983, v9;
	[tilespmem:$0x1FF10] =	vst v25  }
0x12: {  	v4 =	vor.u32 $0x4, v9;
	[tilespmem:$0x1FF20] =	vst v11  }
0x13: {  	v61 =	vadd.s32 $0x884, v9;
	[tilespmem:$0x1FF30] =	vst v4  }
0x14: {  	v7 =	vadd.s32 $0x1984, v9;
	[tilespmem:$0x1FF40] =	vst v61  }
0x15: {  	v32 =	vor.u32 $0x5, v9;
	[tilespmem:$0x1FF50] =	vst v7  }
0x16: {  	v5 =	vadd.s32 $0x885, v9;
	[tilespmem:$0x1FF60] =	vst v32  }
0x17: {  	v31 =	vadd.s32 $0x1985, v9;
	[tilespmem:$0x1FF70] =	vst v5  }
0x18: {  	s3 =	srdreg.scid;
	s5 =	stileid.u32;
	s12 =	simm.s32 $0x80;
	v27 =	vor.u32 $0x6, v9;
	[tilespmem:$0x1FF80] =	vst v31  }
0x19: {  	s13 =	simm.s32 $0x1000;
	s14 =	simm.s32 $0x5;
	s17 =	simm.s32 $0x100;
	v14 =	vadd.s32 $0x886, v9;
	[tilespmem:$0x1FF90] =	vst v27  }
0x1a: {  	s18 =	simm.s32 $0x4200;
	s19 =	simm.s32 $0x180;
	s20 =	simm.s32 $0x6200;
	v30 =	vadd.s32 $0x1106, v9;
	[tilespmem:$0x1FFA0] =	vst v14  }
0x1b: {  	s21 =	simm.s32 $0x1;
	s22 =	simm.s32 $0x8200;
	s23 =	simm.s32 $0xA400;
	v8 =	vadd.s32 $0x1986, v9;
	[tilespmem:$0x1FFB0] =	vst v30  }
0x1c: {  	s24 =	simm.s32 $0x2;
	s25 =	simm.s32 $0xC600;
	s26 =	simm.s32 $0xE800;
	v23 =	vor.u32 $0x7, v9;
	[tilespmem:$0x1FFC0] =	vst v8  }
0x1d: {  	s4 =	sadd.s32 $0x600, s0;
	s3 =	sand.u32 $0x1, s3;
	s6 =	sshll.u32 s5, $0x1;
	v19 =	vadd.s32 $0x1987, v9;
	[tilespmem:$0x1FFD0] =	vst v23  }
0x1e: {  	s5 =	sadd.s32 $0xF42A00, s0;
	s30 =	ssub.s32 $0x2, s3;
	s3 =	sor.u32 s3, s6;
	v62 =	vadd.s32 $0x1107, v9;
	[tilespmem:$0x1FFE0] =	vst v19  }
0x1f: {  	s10 =	sadd.s32 $0x8000, s1;
	s7 =	sshrl.u32 s30, $0x1;
	s8 =	sshll.u32 s3, $0x4;
	v3 =	vadd.s32 $0x1103, v9;
	[tilespmem:$0x1FFF0] =	vst v62  }
0x20: {  	s6 =	sshll.u32 s3, $0x7;
	s0 =	ssub.s32 s30, s7;
	s31 =	sadd.s32 s4, s8;
	[tilespmem:$0x1FE20] =	vst v3;
	v3 =	vadd.s32 $0x1104, v9  }
0x21: {  	v1 =	vimm.s32 $0x0;
	vm0 =	vcmask $0x300;
	s9 =	sshll.u32 s3, $0xA;
	[dreg:$0x3] =	wrdreg s31;
	s0 =	smax.u32 s0, $0x1;
	[tilespmem:$0x1FE30] =	vst v3;
	v3 =	vadd.s32 $0x1105, v9  }
0x22: {  	v1 =	vsel vm0, $0x3, v1;
	v63 =	vadd.s32 $0x887, v9;
	s8 =	sor.u32 $0x4000, s6;
	s7 =	simm.s32 $0x0;
	[dreg:$0x4] =	wrdreg s0;
	[tilespmem:$0x1FE40] =	vst v3  }
.LBB2_1:
0x23: {  	[dreg:$0x5] =	wrdreg s7  }
0x24: {  	s0 =	rddreg [dreg:$0x3]  }
0x25: {  	[tilespmem:s2], [sflag:$0x5] =	stream.strided.gather [hbm4b:s0+s12], $0x100, s13, s12, $0x38;
	[tilespmem:$0x10A00] =	vst v63  }
0x26: {  	_ =	swait.ge [sflag:s14], $0x100  }
0x27: {  	[sflag:s14] =	ssyncset.done $0x0  }
0x28: {  	s29 =	simm.s32 $0x200;
	[sflag:s14] =	ssyncadd.s32 $0xFFFFFF00  }
0x29: {  	[tilespmem:s29], [sflag:$0x1] =	stream.indirect.gather [hbm4b:s5+s12], $0x40, s2, s12, $0xb8;
	[tilespmem:$0x10A00] =	vst v63  }
0x2a: {  	s30 =	simm.s32 $0x2200;
	s31 =	simm.s32 $0x0  }
0x2b: {  	[tilespmem:s30], [sflag:$0x1] =	stream.indirect.gather [hbm4b:s5+s12], $0x40, s12, s12, $0xb8;
	[tilespmem:$0x10A00] =	vst v63  }
.LBB2_2:
0x2c: {  	s0 =	sshllo.u32 s31, $0x1  }
0x2d: {  	s3 =	sshll.u32 s0, $0xD  }
0x2e: {  	s3 =	sor.u32 s6, s3  }
0x2f: {  	s3 =	sshrl.u32 s3, $0x3  }
0x30: {  	s3 =	sadd.s32 s4, s3  }
0x31: {  	[tilespmem:s17], [sflag:$0x5] =	stream.strided.gather [hbm4b:s3+s12], $0x100, s13, s12, $0x38;
	[tilespmem:$0x10A00] =	vst v63  }
0x32: {  	_ =	swait.ge [sflag:s14], $0x100  }
0x33: {  	[sflag:s14] =	ssyncset.done $0x0  }
0x34: {  	[sflag:s14] =	ssyncadd.s32 $0xFFFFFF00  }
0x35: {  	[tilespmem:s18], [sflag:$0x2] =	stream.indirect.gather [hbm4b:s5+s12], $0x40, s17, s12, $0xb8;
	[tilespmem:$0x10A00] =	vst v63  }
0x36: {  	_ = 	snop  }
0x37: {  	[tilespmem:s20], [sflag:$0x2] =	stream.indirect.gather [hbm4b:s5+s12], $0x40, s19, s12, $0xb8;
	[tilespmem:$0x10A00] =	vst v63  }
0x38: {  	_ =	swait.ge [sflag:s21], $0x2000  }
0x39: {  	[sflag:s21] =	ssyncset.done $0x0  }
0x3a: {  	[sflag:s21] =	ssyncadd.s32 $0xFFFFE000  }
0x3b: {  	p0 =	seq.s32 s31, $0x0;
	_ =	swait.ge [sflag:s21], $0x2000  }
0x3c: {  	s7 =	simm.s32 $0x0;
	s11 =	simm.s32 $0x1;
	[sflag:s21] =	ssyncset.done $0x0  }
0x3d: {  	s29 =	simm.s32 $0x2;
	s3 =	simm.s32 @!p0 $0x3;
	[sflag:s21] =	ssyncadd.s32 $0xFFFFE000  }
0x3e: {  	s30 =	simm.s32 $0x3;
	s15 =	simm.s32 $0x4;
	v33 =	vmov s7;
	v34 =	vmov s11;
	_ =	swait.ge @!p0 [sflag:s3], $0x2000  }
0x3f: {  	s16 =	simm.s32 $0x5;
	s28 =	simm.s32 $0x6;
	v35 =	vmov s29;
	v36 =	vmov s30;
	v37 =	vmov s15;
	[sflag:s3] =	ssyncset.done @!p0 $0x0  }
0x40: {  	v38 =	vmov s16;
	v39 =	vmov s28;
	s29 =	simm.s32 $0x7;
	v33 =	vshrl.u32 v33, $0x3;
	[sflag:s3] =	ssyncadd.s32 @!p0 $0xFFFFE000  }
0x41: {  	v34 =	vshrl.u32 v34, $0x3;
	v40 =	vmov s29;
	v35 =	vshrl.u32 v35, $0x3;
	_ =	swait.ge @!p0 [sflag:s3], $0x2000  }
0x42: {  	v36 =	vshrl.u32 v36, $0x3;
	v37 =	vshrl.u32 v37, $0x3;
	v40 =	vshrl.u32 v40, $0x3;
	[sflag:s3] =	ssyncset.done @!p0 $0x0  }
0x43: {  	v38 =	vshrl.u32 v38, $0x3;
	v42 =	vshrl.u32 v39, $0x3;
	v40 =	vshll.u32 v40, v1;
	[sflag:s3] =	ssyncadd.s32 @!p0 $0xFFFFE000;
	s3 =	simm.s32 $0x300  }
0x44: {  	v33 =	vshll.u32 v33, v1;
	v34 =	vshll.u32 v34, v1;
	v26 =	vbroadcast v40, $0x0;
	v55 =	vld [tilespmem:s3+$0xC0]  }
0x45: {  	v35 =	vshll.u32 v35, v1;
	v36 =	vshll.u32 v36, v1;
	v18 =	vbroadcast v33, $0x0;
	v43 =	vld [tilespmem:s3+$0xFFFFFF00]  }
0x46: {  	v44 =	vshll.u32 v37, v1;
	v22 =	vbroadcast v34, $0x0;
	v46 =	vadd.s32 v23, v26;
	v45 =	vld [tilespmem:s3+$0xFFFFFF40]  }
0x47: {  	v56 =	vshll.u32 v38, v1;
	v37 =	vbroadcast v35, $0x0;
	v57 =	vadd.s32 v9, v18;
	v47 =	vld [tilespmem:s3+$0xFFFFFF80]  }
0x48: {  	v42 =	vshll.u32 v42, v1;
	v36 =	vbroadcast v36, $0x0;
	v48 =	vadd.s32 v13, v22;
	v49 =	vld [tilespmem:s3+$0xFFFFFFC0]  }
0x49: {  	v35 =	vbroadcast v44, $0x0;
	v50 =	vadd.s32 v6, v37;
	v51 =	vld [tilespmem:s3+$0x0];
	v58 =	vmul.f32 $8.000000000e+00, v55  }
0x4a: {  	v33 =	vbroadcast v56, $0x0;
	v52 =	vadd.s32 v28, v36;
	v53 =	vld [tilespmem:s3+$0x40];
	v43 =	vmul.f32 $8.000000000e+00, v43  }
0x4b: {  	v34 =	vbroadcast v42, $0x0;
	v54 =	vadd.s32 v4, v35;
	v45 =	vmul.f32 $8.000000000e+00, v45;
	v55 =	vld [tilespmem:s3+$0x80];
	[tilespmem:v46+s22+$0x0] =	vst.idx.msk $0xffff, v58  }
0x4c: {  	v60 =	vmul.f32 $8.000000000e+00, v47;
	[tilespmem:v57+s22+$0x0] =	vst.idx.msk $0xffff, v43;
	v43 =	vadd.s32 v32, v33;
	v44 =	vld [tilespmem:s3+$0xD0]  }
0x4d: {  	v40 =	vmul.f32 $8.000000000e+00, v49;
	v47 =	vadd.s32 v27, v34;
	[tilespmem:v48+s22+$0x0] =	vst.idx.msk $0xffff, v45;
	v46 =	vld [tilespmem:s3+$0xFFFFFF10]  }
0x4e: {  	v41 =	vmul.f32 $8.000000000e+00, v51;
	[tilespmem:v50+s22+$0x0] =	vst.idx.msk $0xffff, v60;
	v50 =	vadd.s32 v63, v26;
	v49 =	vld [tilespmem:s3+$0xFFFFFF50]  }
0x4f: {  	s30 =	simm.s32 $0x8;
	v56 =	vadd.s32 v0, v18;
	[tilespmem:v52+s22+$0x0] =	vst.idx.msk $0xffff, v40;
	v60 =	vmul.f32 $8.000000000e+00, v53;
	v57 =	vld [tilespmem:s3+$0xFFFFFF90]  }
0x50: {  	v59 =	vmov s30;
	v53 =	vadd.s32 v10, v22;
	[tilespmem:v54+s22+$0x0] =	vst.idx.msk $0xffff, v41;
	v58 =	vld [tilespmem:s3+$0xFFFFFFD0];
	v38 =	vmul.f32 $8.000000000e+00, v55  }
0x51: {  	v42 =	vshrl.u32 v59, $0x3;
	v59 =	vld [tilespmem:s3+$0x10];
	v55 =	vadd.s32 v29, v37;
	[tilespmem:v43+s22+$0x0] =	vst.idx.msk $0xffff, v60;
	v43 =	vmul.f32 $8.000000000e+00, v44  }
0x52: {  	[tilespmem:v47+s22+$0x0] =	vst.idx.msk $0xffff, v38;
	v45 =	vmul.f32 $8.000000000e+00, v46;
	v46 =	vadd.s32 v25, v36;
	v60 =	vld [tilespmem:s3+$0x50]  }
0x53: {  	v47 =	vmul.f32 $8.000000000e+00, v49;
	v49 =	vadd.s32 v61, v35;
	[tilespmem:v50+s22+$0x0] =	vst.idx.msk $0xffff, v43  }
0x54: {  	v39 =	vmul.f32 $8.000000000e+00, v57;
	[tilespmem:v56+s22+$0x0] =	vst.idx.msk $0xffff, v45;
	v45 =	vadd.s32 v5, v33  }
0x55: {  	[tilespmem:v53+s22+$0x0] =	vst.idx.msk $0xffff, v47;
	v47 =	vmul.f32 $8.000000000e+00, v58  }
0x56: {  	[tilespmem:v55+s22+$0x0] =	vst.idx.msk $0xffff, v39;
	v39 =	vmul.f32 $8.000000000e+00, v59  }
0x57: {  	v6 =	vmov v61;
	v61 =	vld [tilespmem:s3+$0x90];
	[tilespmem:v46+s22+$0x0] =	vst.idx.msk $0xffff, v47;
	v46 =	vmul.f32 $8.000000000e+00, v60  }
0x58: {  	v50 =	vld [tilespmem:s3+$0xE0];
	[tilespmem:v49+s22+$0x0] =	vst.idx.msk $0xffff, v39  }
0x59: {  	v56 =	vld [tilespmem:s3+$0xFFFFFF20];
	[tilespmem:v45+s22+$0x0] =	vst.idx.msk $0xffff, v46  }
0x5a: {  	v15 =	vmov v2;
	v53 =	vadd.s32 v14, v34;
	v58 =	vadd.s32 v2, v18;
	v2 =	vld [tilespmem:$0x1FE20]  }
0x5b: {  	s30 =	simm.s32 $0xE;
	v55 =	vadd.s32 v62, v26;
	v57 =	vld [tilespmem:s3+$0xFFFFFF60]  }
0x5c: {  	s29 =	simm.s32 $0xD;
	v38 =	vmov s30;
	v59 =	vld [tilespmem:s3+$0xFFFFFFA0]  }
0x5d: {  	v28 =	vmovc v62;
	v44 =	vmov s29;
	v60 =	vadd.s32 v16, v22;
	v47 =	vmul.f32 $8.000000000e+00, v61;
	v62 =	vld [tilespmem:s3+$0xFFFFFFE0]  }
0x5e: {  	v41 =	vshrl.u32 v44, $0x3;
	v49 =	vadd.s32 v24, v37;
	v44 =	vmul.f32 $8.000000000e+00, v50  }
0x5f: {  	v43 =	vshll.u32 v42, v1;
	v50 =	vmul.f32 $8.000000000e+00, v56;
	[tilespmem:v53+s22+$0x0] =	vst.idx.msk $0xffff, v47;
	v39 =	vadd.s32 v2, v36  }
0x60: {  	v42 =	vshrl.u32 v38, $0x3;
	v38 =	vbroadcast v43, $0x0;
	v43 =	vmul.f32 $8.000000000e+00, v57;
	v3 =	vld [tilespmem:$0x1FE30];
	[tilespmem:v55+s22+$0x0] =	vst.idx.msk $0xffff, v44  }
0x61: {  	v21 =	vmov v63;
	s15 =	simm.s32 $0xA;
	v63 =	vld [tilespmem:s3+$0x20];
	v46 =	vmul.f32 $8.000000000e+00, v59;
	[tilespmem:v58+s22+$0x0] =	vst.idx.msk $0xffff, v50  }
0x62: {  	s11 =	simm.s32 $0x9;
	v51 =	vmov s15;
	v20 =	vld [tilespmem:$0x1FE40];
	[tilespmem:v60+s22+$0x0] =	vst.idx.msk $0xffff, v43;
	v62 =	vmul.f32 $8.000000000e+00, v62  }
0x63: {  	s16 =	simm.s32 $0xB;
	s28 =	simm.s32 $0xC;
	v51 =	vshrl.u32 v51, $0x3;
	v48 =	vmov s11;
	v40 =	vld [tilespmem:s3+$0x60];
	[tilespmem:v49+s22+$0x0] =	vst.idx.msk $0xffff, v46  }
0x64: {  	v52 =	vmov s16;
	v54 =	vmov s28;
	v48 =	vshrl.u32 v48, $0x3;
	v61 =	vld [tilespmem:s3+$0xA0];
	[tilespmem:v39+s22+$0x0] =	vst.idx.msk $0xffff, v62  }
0x65: {  	v4 =	vmovc v0;
	v52 =	vshrl.u32 v52, $0x3;
	v54 =	vshrl.u32 v54, $0x3;
	v57 =	vadd.s32 v3, v35;
	v0 =	vld [tilespmem:$0x1FE10]  }
0x66: {  	v45 =	vshll.u32 v52, v1;
	v47 =	vshll.u32 v48, v1;
	v53 =	vadd.s32 v19, v26;
	v56 =	vld [tilespmem:s3+$0xF0]  }
0x67: {  	v48 =	vadd.s32 v12, v18;
	v44 =	vshll.u32 v51, v1;
	v51 =	vadd.s32 v30, v34;
	v50 =	vld [tilespmem:s3+$0xFFFFFF30]  }
0x68: {  	v63 =	vmul.f32 $8.000000000e+00, v63;
	v46 =	vshll.u32 v54, v1;
	v52 =	vld [tilespmem:s3+$0xFFFFFF70];
	v55 =	vadd.s32 v20, v33  }
0x69: {  	v43 =	vshll.u32 v41, v1;
	v49 =	vld [tilespmem:s3+$0xFFFFFFB0];
	v18 =	vmovc v2;
	v26 =	vmovc v20;
	v20 =	vmov v8;
	v39 =	vmul.f32 $8.000000000e+00, v40  }
0x6a: {  	s7 =	simm.s32 $0xF;
	s15 =	simm.s32 $0x10;
	v40 =	vmul.f32 $8.000000000e+00, v61;
	v54 =	vld [tilespmem:s3+$0xFFFFFFF0];
	[tilespmem:v57+s22+$0x0] =	vst.idx.msk $0xffff, v63;
	v41 =	vadd.s32 v0, v22;
	v22 =	vmovc v3;
	v8 =	vmov v0  }
.LBB2_3:
0x6b: {  	_ = 	snop  }
0x6c: {  	v37 =	vadd.s32 v17, v37  }
0x6d: {  	v58 =	vld [tilespmem:s3+$0x30];
	[tilespmem:v55+s22+$0x0] =	vst.idx.msk $0xffff, v39;
	v60 =	vmul.f32 $8.000000000e+00, v56  }
0x6e: {  	v36 =	vadd.s32 v11, v36;
	v0 =	vld [tilespmem:$0x1FEC0];
	[tilespmem:v51+s22+$0x0] =	vst.idx.msk $0xffff, v40;
	v50 =	vmul.f32 $8.000000000e+00, v50  }
0x6f: {  	v62 =	vld [tilespmem:s3+$0x70];
	v55 =	vmul.f32 $8.000000000e+00, v49;
	[tilespmem:v53+s22+$0x0] =	vst.idx.msk $0xffff, v60  }
0x70: {  	v57 =	vmov s7;
	v63 =	vmul.f32 $8.000000000e+00, v52;
	v52 =	vld [tilespmem:s3+$0xB0];
	s3 =	sadd.s32 $0x200, s3;
	[tilespmem:v48+s22+$0x0] =	vst.idx.msk $0xffff, v50  }
0x71: {  	v61 =	vshrl.u32 v57, $0x3;
	v57 =	vmul.f32 $8.000000000e+00, v54;
	[tilespmem:v37+s22+$0x0] =	vst.idx.msk $0xffff, v55;
	v37 =	vbroadcast v44, $0x0;
	v53 =	vld [tilespmem:s3+$0xC0]  }
0x72: {  	v35 =	vadd.s32 v7, v35;
	v39 =	vmov v38;
	v38 =	vshll.u32 v61, v1;
	v48 =	vld [tilespmem:s3+$0xFFFFFF00]  }
0x73: {  	v40 =	vbroadcast v38, $0x0;
	[tilespmem:v36+s22+$0x0] =	vst.idx.msk $0xffff, v57;
	v36 =	vbroadcast v45, $0x0;
	v45 =	vadd.s32 v0, v37;
	v0 =	vld [tilespmem:$0x1FF00]  }
0x74: {  	v33 =	vadd.s32 v31, v33;
	[tilespmem:v41+s22+$0x0] =	vst.idx.msk $0xffff, v63  }
0x75: {  	v41 =	vbroadcast v47, $0x0;
	v47 =	vadd.s32 v23, v40;
	v59 =	vld [tilespmem:s3+$0xFFFFFF40]  }
0x76: {  	v51 =	vadd.s32 v9, v39;
	v60 =	vmul.f32 $8.000000000e+00, v58;
	v61 =	vld [tilespmem:s3+$0xFFFFFF80]  }
0x77: {  	v34 =	vadd.s32 v20, v34;
	v62 =	vmul.f32 $8.000000000e+00, v62;
	v63 =	vld [tilespmem:s3+$0xFFFFFFC0]  }
0x78: {  	[tilespmem:v35+s22+$0x0] =	vst.idx.msk $0xffff, v60;
	v57 =	vmul.f32 $8.000000000e+00, v53;
	v58 =	vmul.f32 $8.000000000e+00, v48;
	v48 =	vadd.s32 v0, v36;
	v0 =	vld [tilespmem:$0x1FF30]  }
0x79: {  	v56 =	vmul.f32 $8.000000000e+00, v52;
	v52 =	vld [tilespmem:s3+$0x0];
	[tilespmem:v33+s22+$0x0] =	vst.idx.msk $0xffff, v62  }
0x7a: {  	v49 =	vadd.s32 v13, v41;
	v33 =	vbroadcast v43, $0x0;
	v53 =	vld [tilespmem:s3+$0x40];
	[tilespmem:v47+s22+$0x0] =	vst.idx.msk $0xffff, v57  }
0x7b: {  	v35 =	vbroadcast v46, $0x0;
	v61 =	vmul.f32 $8.000000000e+00, v61;
	[tilespmem:v51+s22+$0x0] =	vst.idx.msk $0xffff, v58;
	v47 =	vld [tilespmem:s3+$0xD0]  }
0x7c: {  	v42 =	vshll.u32 v42, v1;
	[tilespmem:v34+s22+$0x0] =	vst.idx.msk $0xffff, v56;
	v62 =	vadd.s32 v32, v33;
	v63 =	vmul.f32 $8.000000000e+00, v63;
	v51 =	vld [tilespmem:s3+$0xFFFFFF10]  }
0x7d: {  	v34 =	vbroadcast v42, $0x0;
	v59 =	vmul.f32 $8.000000000e+00, v59;
	v50 =	vld [tilespmem:s3+$0x80];
	[tilespmem:v45+s22+$0x0] =	vst.idx.msk $0xffff, v61;
	v43 =	vadd.s32 v0, v35  }
0x7e: {  	v45 =	vadd.s32 v21, v40;
	[tilespmem:v48+s22+$0x0] =	vst.idx.msk $0xffff, v63  }
0x7f: {  	v60 =	vmov s15;
	[tilespmem:v49+s22+$0x0] =	vst.idx.msk $0xffff, v59;
	v49 =	vadd.s32 v27, v34;
	v61 =	vmul.f32 $8.000000000e+00, v53;
	v58 =	vld [tilespmem:s3+$0xFFFFFFD0]  }
0x80: {  	v42 =	vshrl.u32 v60, $0x3;
	v56 =	vadd.s32 v4, v39;
	v60 =	vmul.f32 $8.000000000e+00, v52;
	v55 =	vld [tilespmem:s3+$0xFFFFFF50]  }
0x81: {  	s30 =	sadd.s32 $0x1, s15;
	v57 =	vld [tilespmem:s3+$0xFFFFFF90];
	[tilespmem:v62+s22+$0x0] =	vst.idx.msk $0xffff, v61;
	v38 =	vmul.f32 $8.000000000e+00, v47;
	v47 =	vmul.f32 $8.000000000e+00, v51;
	v51 =	vadd.s32 v25, v36  }
0x82: {  	v54 =	vmov s30;
	v53 =	vadd.s32 v10, v41;
	[tilespmem:v43+s22+$0x0] =	vst.idx.msk $0xffff, v60;
	v43 =	vmul.f32 $8.000000000e+00, v50  }
0x83: {  	s28 =	sadd.s32 $0x4, s15;
	s29 =	sadd.s32 $0x5, s15;
	v54 =	vshrl.u32 v54, $0x3;
	[tilespmem:v45+s22+$0x0] =	vst.idx.msk $0xffff, v38;
	v50 =	vadd.s32 v29, v37;
	v59 =	vld [tilespmem:s3+$0x10]  }
0x84: {  	s11 =	sadd.s32 $0x2, s15;
	v44 =	vmov s28;
	v46 =	vmov s29;
	v60 =	vld [tilespmem:s3+$0x50];
	v63 =	vmul.f32 $8.000000000e+00, v58;
	[tilespmem:v49+s22+$0x0] =	vst.idx.msk $0xffff, v43  }
0x85: {  	v52 =	vmov s11;
	[tilespmem:v56+s22+$0x0] =	vst.idx.msk $0xffff, v47;
	v49 =	vmul.f32 $8.000000000e+00, v55;
	v55 =	vadd.s32 v6, v35;
	v61 =	vld [tilespmem:s3+$0x90]  }
0x86: {  	s16 =	sadd.s32 $0x3, s15;
	v52 =	vshrl.u32 v52, $0x3;
	v62 =	vmul.f32 $8.000000000e+00, v57;
	v45 =	vadd.s32 v5, v33;
	v47 =	vld [tilespmem:s3+$0xE0];
	[tilespmem:v51+s22+$0x0] =	vst.idx.msk $0xffff, v63  }
0x87: {  	v48 =	vmov s16;
	v0 =	vadd.s32 v18, v36;
	v56 =	vld [tilespmem:s3+$0xFFFFFF20];
	[tilespmem:v53+s22+$0x0] =	vst.idx.msk $0xffff, v49;
	v53 =	vadd.s32 v14, v34  }
0x88: {  	v38 =	vshll.u32 v42, v1;
	v57 =	vld [tilespmem:s3+$0xFFFFFF60];
	[tilespmem:v50+s22+$0x0] =	vst.idx.msk $0xffff, v62;
	v50 =	vadd.s32 v28, v40;
	v42 =	vmul.f32 $8.000000000e+00, v59  }
0x89: {  	v48 =	vshrl.u32 v48, $0x3;
	v58 =	vadd.s32 v15, v39;
	v49 =	vmul.f32 $8.000000000e+00, v60;
	v62 =	vld [tilespmem:s3+$0xFFFFFFE0]  }
0x8a: {  	s30 =	sadd.s32 $0x6, s15;
	v51 =	vadd.s32 v16, v41;
	v60 =	vshrl.u32 v44, $0x3;
	v59 =	vld [tilespmem:s3+$0xFFFFFFA0];
	[tilespmem:v55+s22+$0x0] =	vst.idx.msk $0xffff, v42;
	v44 =	vmul.f32 $8.000000000e+00, v61  }
0x8b: {  	v43 =	vmov s30;
	v41 =	vadd.s32 v8, v41;
	[tilespmem:v45+s22+$0x0] =	vst.idx.msk $0xffff, v49;
	v45 =	vmul.f32 $8.000000000e+00, v47;
	v63 =	vld [tilespmem:s3+$0x20]  }
0x8c: {  	v61 =	vshrl.u32 v46, $0x3;
	v46 =	vadd.s32 v24, v37;
	v55 =	vmul.f32 $8.000000000e+00, v56;
	v2 =	vld [tilespmem:s3+$0x60];
	[tilespmem:v53+s22+$0x0] =	vst.idx.msk $0xffff, v44  }
0x8d: {  	p1 =	slt.u32 s15, $0x78;
	v47 =	vshll.u32 v54, v1;
	v49 =	vmul.f32 $8.000000000e+00, v57;
	v57 =	vadd.s32 v22, v35;
	[tilespmem:v50+s22+$0x0] =	vst.idx.msk $0xffff, v45;
	v3 =	vld [tilespmem:s3+$0xA0]  }
.Ltmp0:
0x8e: {  	v42 =	vshrl.u32 v43, $0x3;
	[tilespmem:v58+s22+$0x0] =	vst.idx.msk $0xffff, v55;
	v55 =	vadd.s32 v26, v33;
	v62 =	vmul.f32 $8.000000000e+00, v62;
	v56 =	vld [tilespmem:s3+$0xF0];
	(pc) =	sbr.rel @p1 .LBB2_3-.Ltmp0, $4  }
0x8f: {  	v44 =	vshll.u32 v52, v1;
	v45 =	vshll.u32 v48, v1;
	v43 =	vmul.f32 $8.000000000e+00, v59;
	v50 =	vld [tilespmem:s3+$0xFFFFFF30];
	[tilespmem:v51+s22+$0x0] =	vst.idx.msk $0xffff, v49  }
0x90: {  	v53 =	vadd.s32 v19, v40;
	v48 =	vadd.s32 v12, v39;
	[tilespmem:v0+s22+$0x0] =	vst.idx.msk $0xffff, v62;
	v52 =	vld [tilespmem:s3+$0xFFFFFF70];
	v63 =	vmul.f32 $8.000000000e+00, v63  }
0x91: {  	v38 =	vbroadcast v38, $0x0;
	v51 =	vadd.s32 v30, v34;
	[tilespmem:v46+s22+$0x0] =	vst.idx.msk $0xffff, v43;
	v46 =	vshll.u32 v60, v1;
	v54 =	vld [tilespmem:s3+$0xFFFFFFF0]  }
0x92: {  	s7 =	sadd.s32 $0x7, s15;
	s15 =	sadd.s32 $0x8, s15;
	v39 =	vmul.f32 $8.000000000e+00, v2;
	v43 =	vshll.u32 v61, v1;
	v49 =	vld [tilespmem:s3+$0xFFFFFFB0];
	[tilespmem:v57+s22+$0x0] =	vst.idx.msk $0xffff, v63;
	v40 =	vmul.f32 $8.000000000e+00, v3  }
0x93: {  	_ =	sdelay $0x3  }
0x94: {  	v2 =	vadd.s32 v17, v37;
	v3 =	vld [tilespmem:s3+$0x30];
	v58 =	vmul.f32 $8.000000000e+00, v56;
	[tilespmem:v55+s22+$0x0] =	vst.idx.msk $0xffff, v39  }
0x95: {  	v36 =	vadd.s32 v11, v36;
	v59 =	vmul.f32 $8.000000000e+00, v50;
	[tilespmem:v51+s22+$0x0] =	vst.idx.msk $0xffff, v40;
	v60 =	vld [tilespmem:s3+$0x70]  }
0x96: {  	v35 =	vadd.s32 v7, v35;
	v61 =	vmul.f32 $8.000000000e+00, v52;
	v51 =	vld [tilespmem:s3+$0xB0];
	[tilespmem:v53+s22+$0x0] =	vst.idx.msk $0xffff, v58  }
0x97: {  	v33 =	vadd.s32 v31, v33;
	[tilespmem:v48+s22+$0x0] =	vst.idx.msk $0xffff, v59;
	v62 =	vmul.f32 $8.000000000e+00, v49  }
0x98: {  	s15 =	sadd.s32 $0x200, s3;
	v34 =	vadd.s32 v20, v34;
	v54 =	vmul.f32 $8.000000000e+00, v54;
	[tilespmem:v41+s22+$0x0] =	vst.idx.msk $0xffff, v61  }
0x99: {  	v0 =	vmov s7;
	v37 =	vld [tilespmem:s15+$0xC0];
	[tilespmem:v2+s22+$0x0] =	vst.idx.msk $0xffff, v62;
	v2 =	vmul.f32 $8.000000000e+00, v3  }
0x9a: {  	v0 =	vshrl.u32 v0, $0x3;
	v63 =	vld [tilespmem:s15+$0xFFFFFF00];
	[tilespmem:v36+s22+$0x0] =	vst.idx.msk $0xffff, v54;
	v56 =	vmul.f32 $8.000000000e+00, v60  }
0x9b: {  	v0 =	vshll.u32 v0, v1;
	v41 =	vld [tilespmem:s15+$0xFFFFFF40];
	[tilespmem:v35+s22+$0x0] =	vst.idx.msk $0xffff, v2;
	v2 =	vmul.f32 $8.000000000e+00, v51  }
0x9c: {  	v57 =	vmov v17;
	v0 =	vbroadcast v0, $0x0;
	v17 =	vld [tilespmem:$0x1FEC0];
	[tilespmem:v33+s22+$0x0] =	vst.idx.msk $0xffff, v56  }
0x9d: {  	v52 =	vld [tilespmem:$0x1FF00];
	[tilespmem:v34+s22+$0x0] =	vst.idx.msk $0xffff, v2  }
0x9e: {  	v47 =	vbroadcast v47, $0x0;
	v49 =	vadd.s32 v23, v0;
	v53 =	vld [tilespmem:$0x1FF30]  }
0x9f: {  	v44 =	vbroadcast v44, $0x0;
	v39 =	vld [tilespmem:s15+$0xFFFFFF80];
	v3 =	vadd.s32 v9, v38  }
0xa0: {  	v42 =	vshll.u32 v42, v1;
	v45 =	vbroadcast v45, $0x0;
	v58 =	vadd.s32 v13, v47;
	v59 =	vld [tilespmem:s15+$0xFFFFFFC0]  }
0xa1: {  	v46 =	vbroadcast v46, $0x0;
	v61 =	vld [tilespmem:s15+$0x0];
	v37 =	vmul.f32 $8.000000000e+00, v37;
	v60 =	vadd.s32 v17, v44  }
0xa2: {  	v43 =	vbroadcast v43, $0x0;
	v62 =	vmul.f32 $8.000000000e+00, v63;
	v63 =	vld [tilespmem:s15+$0x40];
	v36 =	vadd.s32 v52, v45  }
0xa3: {  	v42 =	vbroadcast v42, $0x0;
	v2 =	vmul.f32 $8.000000000e+00, v41;
	v41 =	vld [tilespmem:s15+$0x80];
	[tilespmem:v49+s22+$0x0] =	vst.idx.msk $0xffff, v37;
	v34 =	vadd.s32 v53, v46  }
0xa4: {  	v33 =	vadd.s32 v32, v43;
	[tilespmem:v3+s22+$0x0] =	vst.idx.msk $0xffff, v62;
	v3 =	vmul.f32 $8.000000000e+00, v39;
	v37 =	vld [tilespmem:s15+$0xD0]  }
0xa5: {  	v56 =	vld [tilespmem:s15+$0xFFFFFF10];
	[tilespmem:v58+s22+$0x0] =	vst.idx.msk $0xffff, v2;
	v2 =	vmul.f32 $8.000000000e+00, v59;
	v58 =	vadd.s32 v27, v42  }
0xa6: {  	v59 =	vld [tilespmem:s15+$0xFFFFFF50];
	[tilespmem:v60+s22+$0x0] =	vst.idx.msk $0xffff, v3;
	v3 =	vmul.f32 $8.000000000e+00, v61;
	v60 =	vadd.s32 v21, v0  }
0xa7: {  	v61 =	vadd.s32 v4, v38;
	v62 =	vld [tilespmem:s15+$0xFFFFFF90];
	[tilespmem:v36+s22+$0x0] =	vst.idx.msk $0xffff, v2;
	v2 =	vmul.f32 $8.000000000e+00, v63  }
0xa8: {  	v63 =	vadd.s32 v10, v47;
	v54 =	vld [tilespmem:s15+$0xFFFFFFD0];
	[tilespmem:v34+s22+$0x0] =	vst.idx.msk $0xffff, v3;
	v3 =	vmul.f32 $8.000000000e+00, v41  }
0xa9: {  	v34 =	vadd.s32 v29, v44;
	v41 =	vld [tilespmem:s15+$0x10];
	[tilespmem:v33+s22+$0x0] =	vst.idx.msk $0xffff, v2;
	v2 =	vmul.f32 $8.000000000e+00, v37  }
0xaa: {  	v56 =	vmul.f32 $8.000000000e+00, v56;
	v37 =	vadd.s32 v25, v45;
	v39 =	vld [tilespmem:s15+$0x50];
	[tilespmem:v58+s22+$0x0] =	vst.idx.msk $0xffff, v3  }
0xab: {  	v40 =	vadd.s32 v6, v46;
	v3 =	vmul.f32 $8.000000000e+00, v59;
	v49 =	vld [tilespmem:s15+$0x90];
	[tilespmem:v60+s22+$0x0] =	vst.idx.msk $0xffff, v2  }
0xac: {  	v58 =	vadd.s32 v5, v43;
	[tilespmem:v61+s22+$0x0] =	vst.idx.msk $0xffff, v56;
	v2 =	vmul.f32 $8.000000000e+00, v62;
	v35 =	vld [tilespmem:s15+$0xE0]  }
0xad: {  	v36 =	vadd.s32 v14, v42;
	v50 =	vld [tilespmem:s15+$0xFFFFFF20];
	[tilespmem:v63+s22+$0x0] =	vst.idx.msk $0xffff, v3;
	v3 =	vmul.f32 $8.000000000e+00, v54  }
0xae: {  	v54 =	vld [tilespmem:s15+$0xFFFFFF60];
	[tilespmem:v34+s22+$0x0] =	vst.idx.msk $0xffff, v2;
	v2 =	vmul.f32 $8.000000000e+00, v41;
	v34 =	vadd.s32 v28, v0  }
0xaf: {  	v41 =	vadd.s32 v15, v38;
	v56 =	vld [tilespmem:s15+$0xFFFFFFA0];
	[tilespmem:v37+s22+$0x0] =	vst.idx.msk $0xffff, v3;
	v3 =	vmul.f32 $8.000000000e+00, v39  }
0xb0: {  	v37 =	vadd.s32 v16, v47;
	v39 =	vld [tilespmem:s15+$0xFFFFFFE0];
	[tilespmem:v40+s22+$0x0] =	vst.idx.msk $0xffff, v2;
	v2 =	vmul.f32 $8.000000000e+00, v49  }
0xb1: {  	v40 =	vadd.s32 v24, v44;
	v49 =	vld [tilespmem:s15+$0x20];
	[tilespmem:v58+s22+$0x0] =	vst.idx.msk $0xffff, v3;
	v3 =	vmul.f32 $8.000000000e+00, v35  }
0xb2: {  	v58 =	vmul.f32 $8.000000000e+00, v50;
	v35 =	vadd.s32 v18, v45;
	v63 =	vld [tilespmem:s15+$0x60];
	[tilespmem:v36+s22+$0x0] =	vst.idx.msk $0xffff, v2  }
0xb3: {  	v2 =	vmul.f32 $8.000000000e+00, v54;
	v36 =	vadd.s32 v22, v46;
	v54 =	vld [tilespmem:s15+$0xA0];
	[tilespmem:v34+s22+$0x0] =	vst.idx.msk $0xffff, v3  }
0xb4: {  	[tilespmem:v41+s22+$0x0] =	vst.idx.msk $0xffff, v58;
	v3 =	vmul.f32 $8.000000000e+00, v56;
	v56 =	vadd.s32 v26, v43;
	v34 =	vld [tilespmem:s15+$0xF0]  }
0xb5: {  	v41 =	vld [tilespmem:s15+$0xFFFFFF30];
	[tilespmem:v37+s22+$0x0] =	vst.idx.msk $0xffff, v2;
	v37 =	vadd.s32 v30, v42;
	v2 =	vmul.f32 $8.000000000e+00, v39  }
0xb6: {  	v0 =	vadd.s32 v19, v0;
	v58 =	vld [tilespmem:s15+$0xFFFFFF70];
	[tilespmem:v40+s22+$0x0] =	vst.idx.msk $0xffff, v3;
	v3 =	vmul.f32 $8.000000000e+00, v49  }
0xb7: {  	v38 =	vadd.s32 v12, v38;
	v40 =	vld [tilespmem:s15+$0xFFFFFFB0];
	[tilespmem:v35+s22+$0x0] =	vst.idx.msk $0xffff, v2;
	v2 =	vmul.f32 $8.000000000e+00, v63  }
0xb8: {  	v63 =	vadd.s32 v8, v47;
	v49 =	vld [tilespmem:s15+$0xFFFFFFF0];
	[tilespmem:v36+s22+$0x0] =	vst.idx.msk $0xffff, v3;
	v3 =	vmul.f32 $8.000000000e+00, v54  }
0xb9: {  	v55 =	vmov v11;
	v50 =	vadd.s32 v57, v44;
	v51 =	vld [tilespmem:s15+$0x30];
	[tilespmem:v56+s22+$0x0] =	vst.idx.msk $0xffff, v2;
	v2 =	vmul.f32 $8.000000000e+00, v34  }
0xba: {  	v55 =	vadd.s32 v55, v45;
	v54 =	vmul.f32 $8.000000000e+00, v41;
	v56 =	vld [tilespmem:s15+$0x70];
	[tilespmem:v37+s22+$0x0] =	vst.idx.msk $0xffff, v3  }
0xbb: {  	v57 =	vadd.s32 v7, v46;
	v3 =	vmul.f32 $8.000000000e+00, v58;
	v58 =	vld [tilespmem:s15+$0xB0];
	[tilespmem:v0+s22+$0x0] =	vst.idx.msk $0xffff, v2  }
0xbc: {  	[tilespmem:v38+s22+$0x0] =	vst.idx.msk $0xffff, v54;
	v2 =	vadd.s32 v31, v43;
	v0 =	vmul.f32 $8.000000000e+00, v40  }
0xbd: {  	[tilespmem:v63+s22+$0x0] =	vst.idx.msk $0xffff, v3;
	v63 =	vadd.s32 v20, v42;
	v3 =	vmul.f32 $8.000000000e+00, v49  }
0xbe: {  	[tilespmem:v50+s22+$0x0] =	vst.idx.msk $0xffff, v0;
	v0 =	vmul.f32 $8.000000000e+00, v51  }
0xbf: {  	s16 =	sshll.u32 s31, $0x14;
	[tilespmem:v55+s22+$0x0] =	vst.idx.msk $0xffff, v3;
	v3 =	vmul.f32 $8.000000000e+00, v56  }
0xc0: {  	s3 =	sor.u32 s9, s16;
	[tilespmem:v57+s22+$0x0] =	vst.idx.msk $0xffff, v0;
	v0 =	vmul.f32 $8.000000000e+00, v58  }
0xc1: {  	s3 =	sshrl.u32 s3, $0x3;
	[tilespmem:v2+s22+$0x0] =	vst.idx.msk $0xffff, v3  }
0xc2: {  	s11 =	simm.s32 $0x8200;
	s7 =	sadd.s32 s1, s3;
	s15 =	simm.s32 $0x0;
	[tilespmem:v63+s22+$0x0] =	vst.idx.msk $0xffff, v0  }
0xc3: {  	[hbm4b:s7+s15] =	stream.linear.scatter [tilespmem:s11], [sflag:$0x3], $0x80, $0x38;
	[tilespmem:$0x10A00] =	vst v63  }
0xc4: {  	s30 =	simm.s32 $0x8288;
	s16 =	sadd.s32 $0x10, s7  }
0xc5: {  	[hbm4b:s16+s15] =	stream.linear.scatter [tilespmem:s30], [sflag:$0x3], $0x80, $0x38;
	[tilespmem:$0x10A00] =	vst v63  }
0xc6: {  	s16 =	simm.s32 $0x8310;
	s30 =	sadd.s32 $0x20, s7  }
0xc7: {  	[hbm4b:s30+s15] =	stream.linear.scatter [tilespmem:s16], [sflag:$0x3], $0x80, $0x38;
	[tilespmem:$0x10A00] =	vst v63  }
0xc8: {  	s16 =	simm.s32 $0x8398;
	s30 =	sadd.s32 $0x30, s7  }
0xc9: {  	[hbm4b:s30+s15] =	stream.linear.scatter [tilespmem:s16], [sflag:$0x3], $0x80, $0x38;
	[tilespmem:$0x10A00] =	vst v63  }
0xca: {  	s16 =	simm.s32 $0x8420;
	s30 =	sadd.s32 $0x40, s7  }
0xcb: {  	[hbm4b:s30+s15] =	stream.linear.scatter [tilespmem:s16], [sflag:$0x3], $0x80, $0x38;
	[tilespmem:$0x10A00] =	vst v63  }
0xcc: {  	s28 =	simm.s32 $0x85B8;
	s16 =	simm.s32 $0x84A8;
	s30 =	sadd.s32 $0x50, s7  }
0xcd: {  	v11 =	vmovc v21;
	v21 =	vmovc v29;
	v29 =	vmov v6;
	v6 =	vmov v28;
	v59 =	vmov v5;
	[hbm4b:s30+s15] =	stream.linear.scatter [tilespmem:s16], [sflag:$0x3], $0x80, $0x38;
	[tilespmem:$0x10A00] =	vst v63  }
0xce: {  	s29 =	sadd.s32 $0x70, s7;
	v5 =	vmovc v4;
	v60 =	vmovc v14;
	v14 =	vmov v15;
	v61 =	vmov v16;
	v62 =	vmov v18;
	s16 =	simm.s32 $0x8530;
	s30 =	sadd.s32 $0x60, s7  }
0xcf: {  	v15 =	vmovc v11;
	v16 =	vmovc v24;
	v18 =	vmov v22;
	v22 =	vmov v32;
	v26 =	vmov v30;
	[hbm4b:s30+s15] =	stream.linear.scatter [tilespmem:s16], [sflag:$0x3], $0x80, $0x38;
	[tilespmem:$0x10A00] =	vst v63  }
0xd0: {  	v30 =	vmovc v19;
	v40 =	vmovc v29;
	v20 =	vmov v17;
	v29 =	vmov v52;
	v17 =	vmov v53;
	s11 =	simm.s32 $0x2200;
	s7 =	sadd.s32 $0x1000, s7;
	s16 =	simm.s32 $0x440  }
.LBB2_5:
0xd1: {  	[hbm4b:s29+s15] =	stream.linear.scatter [tilespmem:s28], [sflag:$0x3], $0x80, $0x38;
	[tilespmem:$0x10A00] =	vst v63  }
0xd2: {  	s28 =	smov.u32 s16;
	s16 =	smov.u32 s11  }
0xd3: {  	s30 =	sadd.s32 $0x1100, s11;
	s16 =	sshra.s32 s16, $0x2;
	s29 =	sadd.s32 $0x8200, s28  }
0xd4: {  	[hbm4b:s7+s15] =	stream.linear.scatter [tilespmem:s29], [sflag:$0x3], $0x80, $0x38;
	[tilespmem:$0x10A00] =	vst v63  }
0xd5: {  	p1 =	sne.s32 s11, $0x7700;
	s11 =	sadd.s32 $0x8288, s28;
	s29 =	sadd.s32 $0x10, s7  }
0xd6: {  	[hbm4b:s29+s15] =	stream.linear.scatter [tilespmem:s11], [sflag:$0x3], $0x80, $0x38;
	[tilespmem:$0x10A00] =	vst v63  }
0xd7: {  	s11 =	sadd.s32 $0x8310, s28;
	s29 =	sadd.s32 $0x20, s7  }
0xd8: {  	[hbm4b:s29+s15] =	stream.linear.scatter [tilespmem:s11], [sflag:$0x3], $0x80, $0x38;
	[tilespmem:$0x10A00] =	vst v63  }
0xd9: {  	s11 =	sadd.s32 $0x8398, s28;
	s29 =	sadd.s32 $0x30, s7  }
0xda: {  	[hbm4b:s29+s15] =	stream.linear.scatter [tilespmem:s11], [sflag:$0x3], $0x80, $0x38;
	[tilespmem:$0x10A00] =	vst v63  }
0xdb: {  	s11 =	sadd.s32 $0x8420, s28;
	s29 =	sadd.s32 $0x40, s7  }
0xdc: {  	[hbm4b:s29+s15] =	stream.linear.scatter [tilespmem:s11], [sflag:$0x3], $0x80, $0x38;
	[tilespmem:$0x10A00] =	vst v63  }
.Ltmp1:
0xdd: {  	s11 =	sadd.s32 $0x84A8, s28;
	s29 =	sadd.s32 $0x50, s7;
	(pc) =	sbr.rel @p1 .LBB2_5-.Ltmp1, $4  }
0xde: {  	[hbm4b:s29+s15] =	stream.linear.scatter [tilespmem:s11], [sflag:$0x3], $0x80, $0x38;
	[tilespmem:$0x10A00] =	vst v63  }
0xdf: {  	s11 =	sadd.s32 $0x8530, s28;
	s29 =	sadd.s32 $0x60, s7;
	s28 =	sadd.s32 $0x85B8, s28  }
0xe0: {  	[hbm4b:s29+s15] =	stream.linear.scatter [tilespmem:s11], [sflag:$0x3], $0x80, $0x38;
	[tilespmem:$0x10A00] =	vst v63  }
0xe1: {  	s29 =	sadd.s32 $0x70, s7;
	s7 =	sadd.s32 $0x1000, s7;
	s11 =	smov.u32 s30  }
0xe2: {  	[hbm4b:s29+s15] =	stream.linear.scatter [tilespmem:s28], [sflag:$0x3], $0x80, $0x38;
	[tilespmem:$0x10A00] =	vst v63  }
0xe3: {  	s11 =	sadd.s32 $0x8200, s16  }
0xe4: {  	[hbm4b:s7+s15] =	stream.linear.scatter [tilespmem:s11], [sflag:$0x3], $0x80, $0x38;
	[tilespmem:$0x10A00] =	vst v63  }
0xe5: {  	s29 =	sadd.s32 $0x8288, s16;
	s30 =	sadd.s32 $0x10, s7  }
0xe6: {  	[hbm4b:s30+s15] =	stream.linear.scatter [tilespmem:s29], [sflag:$0x3], $0x80, $0x38;
	[tilespmem:$0x10A00] =	vst v63  }
0xe7: {  	s29 =	sadd.s32 $0x8310, s16;
	s30 =	sadd.s32 $0x20, s7  }
0xe8: {  	[hbm4b:s30+s15] =	stream.linear.scatter [tilespmem:s29], [sflag:$0x3], $0x80, $0x38;
	[tilespmem:$0x10A00] =	vst v63  }
0xe9: {  	s29 =	sadd.s32 $0x8398, s16;
	s30 =	sadd.s32 $0x30, s7  }
0xea: {  	[hbm4b:s30+s15] =	stream.linear.scatter [tilespmem:s29], [sflag:$0x3], $0x80, $0x38;
	[tilespmem:$0x10A00] =	vst v63  }
0xeb: {  	s29 =	sadd.s32 $0x8420, s16;
	s30 =	sadd.s32 $0x40, s7  }
0xec: {  	[hbm4b:s30+s15] =	stream.linear.scatter [tilespmem:s29], [sflag:$0x3], $0x80, $0x38;
	[tilespmem:$0x10A00] =	vst v63  }
0xed: {  	s29 =	sadd.s32 $0x84A8, s16;
	s30 =	sadd.s32 $0x50, s7  }
0xee: {  	[hbm4b:s30+s15] =	stream.linear.scatter [tilespmem:s29], [sflag:$0x3], $0x80, $0x38;
	[tilespmem:$0x10A00] =	vst v63  }
0xef: {  	v3 =	vmov s15;
	s29 =	sadd.s32 $0x8530, s16;
	s30 =	sadd.s32 $0x60, s7  }
0xf0: {  	v3 =	vshrl.u32 v3, $0x3;
	[hbm4b:s30+s15] =	stream.linear.scatter [tilespmem:s29], [sflag:$0x3], $0x80, $0x38;
	[tilespmem:$0x10A00] =	vst v63  }
0xf1: {  	v3 =	vshll.u32 v3, v1;
	s29 =	simm.s32 $0x1;
	s30 =	simm.s32 $0x2  }
0xf2: {  	v39 =	vbroadcast v3, $0x0;
	v0 =	vmov s29;
	v2 =	vmov s30;
	s29 =	simm.s32 $0x3;
	s30 =	simm.s32 $0x4  }
0xf3: {  	v33 =	vmov s29;
	v34 =	vmov s30;
	s29 =	simm.s32 $0x5;
	s30 =	simm.s32 $0x6  }
0xf4: {  	s28 =	sadd.s32 $0x70, s7;
	v44 =	vadd.s32 v9, v39;
	v35 =	vmov s29;
	v36 =	vmov s30;
	s29 =	simm.s32 $0x7;
	s30 =	sadd.s32 $0x85B8, s16  }
0xf5: {  	v0 =	vshrl.u32 v0, $0x3;
	v2 =	vshrl.u32 v2, $0x3;
	v37 =	vmov s29;
	[hbm4b:s28+s15] =	stream.linear.scatter [tilespmem:s30], [sflag:$0x3], $0x80, $0x38;
	[tilespmem:$0x10A00] =	vst v63  }
0xf6: {  	v33 =	vshrl.u32 v33, $0x3;
	v34 =	vshrl.u32 v34, $0x3;
	s15 =	simm.s32 $0x23F0;
	v37 =	vshrl.u32 v37, $0x3  }
0xf7: {  	v0 =	vshll.u32 v0, v1;
	v2 =	vshll.u32 v2, v1;
	v38 =	vld [tilespmem:s15+$0xFFFFFE10];
	v37 =	vshll.u32 v37, v1  }
0xf8: {  	v35 =	vshrl.u32 v35, $0x3;
	v36 =	vshrl.u32 v36, $0x3;
	v3 =	vld [tilespmem:s15+$0xFFFFFFD0];
	v41 =	vbroadcast v37, $0x0  }
0xf9: {  	v33 =	vshll.u32 v33, v1;
	v34 =	vshll.u32 v34, v1;
	v4 =	vbroadcast v0, $0x0;
	v42 =	vld [tilespmem:s15+$0xFFFFFE50]  }
0xfa: {  	v43 =	vshll.u32 v35, v1;
	v45 =	vld [tilespmem:s15+$0xFFFFFE90];
	v37 =	vbroadcast v2, $0x0;
	v0 =	vadd.s32 v23, v41  }
0xfb: {  	v47 =	vld [tilespmem:s15+$0xFFFFFED0];
	v46 =	vadd.s32 v13, v4;
	v2 =	vshll.u32 v36, v1;
	v36 =	vbroadcast v33, $0x0  }
0xfc: {  	v49 =	vld [tilespmem:s15+$0xFFFFFF10];
	v35 =	vbroadcast v34, $0x0;
	v48 =	vadd.s32 v20, v37;
	v38 =	vmul.f32 $8.000000000e+00, v38  }
0xfd: {  	v51 =	vld [tilespmem:s15+$0xFFFFFF50];
	v33 =	vbroadcast v43, $0x0;
	v50 =	vadd.s32 v29, v36;
	v3 =	vmul.f32 $8.000000000e+00, v3  }
0xfe: {  	v52 =	vld [tilespmem:s15+$0xFFFFFF90];
	v58 =	vadd.s32 v17, v35;
	v34 =	vbroadcast v2, $0x0;
	v42 =	vmul.f32 $8.000000000e+00, v42;
	[tilespmem:v44+s23+$0x0] =	vst.idx.msk $0xffff, v38  }
0xff: {  	v2 =	vmul.f32 $8.000000000e+00, v45;
	v44 =	vld [tilespmem:s15+$0xFFFFFE20];
	[tilespmem:v0+s23+$0x0] =	vst.idx.msk $0xffff, v3;
	v3 =	vadd.s32 v22, v33  }
0x100: {  	v63 =	vmul.f32 $8.000000000e+00, v47;
	v45 =	vadd.s32 v27, v34;
	[tilespmem:v46+s23+$0x0] =	vst.idx.msk $0xffff, v42;
	v38 =	vld [tilespmem:s15+$0xFFFFFFE0]  }
0x101: {  	v53 =	vadd.s32 v5, v39;
	v47 =	vld [tilespmem:s15+$0xFFFFFE60];
	[tilespmem:v48+s23+$0x0] =	vst.idx.msk $0xffff, v2;
	v2 =	vmul.f32 $8.000000000e+00, v49  }
0x102: {  	v32 =	vmul.f32 $8.000000000e+00, v51;
	v48 =	vadd.s32 v15, v41;
	[tilespmem:v50+s23+$0x0] =	vst.idx.msk $0xffff, v63;
	v54 =	vld [tilespmem:s15+$0xFFFFFEA0]  }
0x103: {  	v51 =	vadd.s32 v10, v4;
	v55 =	vld [tilespmem:s15+$0xFFFFFEE0];
	[tilespmem:v58+s23+$0x0] =	vst.idx.msk $0xffff, v2;
	v2 =	vmul.f32 $8.000000000e+00, v52  }
0x104: {  	v52 =	vadd.s32 v21, v37;
	v56 =	vld [tilespmem:s15+$0xFFFFFF20];
	v63 =	vmul.f32 $8.000000000e+00, v44;
	[tilespmem:v3+s23+$0x0] =	vst.idx.msk $0xffff, v32  }
0x105: {  	v44 =	vadd.s32 v25, v36;
	[tilespmem:v45+s23+$0x0] =	vst.idx.msk $0xffff, v2;
	v3 =	vmul.f32 $8.000000000e+00, v38;
	v57 =	vld [tilespmem:s15+$0xFFFFFF60]  }
0x106: {  	s30 =	simm.s32 $0x9;
	v32 =	vmul.f32 $8.000000000e+00, v47;
	v47 =	vadd.s32 v40, v35;
	v58 =	vld [tilespmem:s15+$0xFFFFFFA0];
	[tilespmem:v53+s23+$0x0] =	vst.idx.msk $0xffff, v63  }
0x107: {  	s16 =	simm.s32 $0xB;
	v46 =	vmov s30;
	v42 =	vadd.s32 v59, v33;
	v53 =	vld [tilespmem:s15+$0xFFFFFE30];
	[tilespmem:v48+s23+$0x0] =	vst.idx.msk $0xffff, v3;
	v3 =	vmul.f32 $8.000000000e+00, v54  }
0x108: {  	v24 =	vmovc v27;
	v50 =	vmov s16;
	v63 =	vmul.f32 $8.000000000e+00, v55;
	[tilespmem:v51+s23+$0x0] =	vst.idx.msk $0xffff, v32;
	v51 =	vadd.s32 v60, v34;
	v48 =	vld [tilespmem:s15+$0xFFFFFFF0]  }
0x109: {  	s29 =	simm.s32 $0x8;
	v27 =	vmovc v59;
	v59 =	vshrl.u32 v50, $0x3;
	v50 =	vadd.s32 v14, v39;
	v54 =	vld [tilespmem:s15+$0xFFFFFE70];
	[tilespmem:v52+s23+$0x0] =	vst.idx.msk $0xffff, v3;
	v3 =	vmul.f32 $8.000000000e+00, v56  }
0x10a: {  	s30 =	simm.s32 $0xE;
	v0 =	vmov s29;
	[tilespmem:v44+s23+$0x0] =	vst.idx.msk $0xffff, v63;
	v52 =	vadd.s32 v6, v41;
	v55 =	vld [tilespmem:s15+$0xFFFFFEB0];
	v32 =	vmul.f32 $8.000000000e+00, v57  }
0x10b: {  	v31 =	vmovc v60;
	v0 =	vshrl.u32 v0, $0x3;
	v2 =	vmov s30;
	v57 =	vld [tilespmem:s15+$0xFFFFFEF0];
	[tilespmem:v47+s23+$0x0] =	vst.idx.msk $0xffff, v3;
	v3 =	vmul.f32 $8.000000000e+00, v58  }
0x10c: {  	v12 =	vmovc v61;
	v45 =	vadd.s32 v61, v4;
	v61 =	vld [tilespmem:s15+$0xFFFFFF30];
	[tilespmem:v42+s23+$0x0] =	vst.idx.msk $0xffff, v32;
	v42 =	vshrl.u32 v2, $0x3;
	v2 =	vmul.f32 $8.000000000e+00, v53  }
0x10d: {  	s29 =	simm.s32 $0xD;
	v0 =	vshll.u32 v0, v1;
	v60 =	vadd.s32 v16, v37;
	v56 =	vmul.f32 $8.000000000e+00, v48;
	v63 =	vld [tilespmem:s15+$0xFFFFFF70];
	[tilespmem:v51+s23+$0x0] =	vst.idx.msk $0xffff, v3  }
0x10e: {  	v38 =	vmov s29;
	v6 =	vmovc v14;
	v14 =	vmov v62;
	v62 =	vadd.s32 v62, v36;
	v32 =	vld [tilespmem:s15+$0xFFFFFFB0];
	[tilespmem:v50+s23+$0x0] =	vst.idx.msk $0xffff, v2  }
0x10f: {  	v58 =	vshrl.u32 v38, $0x3;
	v38 =	vbroadcast v0, $0x0;
	v0 =	vmul.f32 $8.000000000e+00, v54;
	[tilespmem:v52+s23+$0x0] =	vst.idx.msk $0xffff, v56;
	v50 =	vld [tilespmem:s15+$0xFFFFFE40]  }
0x110: {  	v7 =	vmov v20;
	v20 =	vmov v17;
	v2 =	vmul.f32 $8.000000000e+00, v55;
	v17 =	vld [tilespmem:$0x1FE40]  }
0x111: {  	s11 =	simm.s32 $0xA;
	v3 =	vadd.s32 v18, v35;
	v56 =	vld [tilespmem:s15+$0x0];
	[tilespmem:v45+s23+$0x0] =	vst.idx.msk $0xffff, v0  }
0x112: {  	v49 =	vmov s11;
	v0 =	vmul.f32 $8.000000000e+00, v57;
	v52 =	vld [tilespmem:s15+$0xFFFFFE80];
	[tilespmem:v60+s23+$0x0] =	vst.idx.msk $0xffff, v2  }
0x113: {  	v49 =	vshrl.u32 v49, $0x3;
	v9 =	vld [tilespmem:$0x1FE80]  }
0x114: {  	v8 =	vmov v13;
	v44 =	vshll.u32 v49, v1;
	v2 =	vmul.f32 $8.000000000e+00, v61;
	v49 =	vld [tilespmem:s15+$0xFFFFFEC0];
	[tilespmem:v62+s23+$0x0] =	vst.idx.msk $0xffff, v0  }
0x115: {  	v0 =	vld [tilespmem:$0x1FE10]  }
0x116: {  	v28 =	vmov v23;
	v11 =	vmov v10;
	s28 =	simm.s32 $0xC;
	v54 =	vld [tilespmem:s15+$0xFFFFFF00];
	[tilespmem:v3+s23+$0x0] =	vst.idx.msk $0xffff, v2  }
0x117: {  	v19 =	vmovc v25;
	v13 =	vmovc v15;
	v43 =	vmov s28;
	v10 =	vmov v8;
	v8 =	vmov v6;
	v6 =	vld [tilespmem:$0x1FE50]  }
0x118: {  	v43 =	vshrl.u32 v43, $0x3;
	v23 =	vmovc v40;
	v46 =	vshrl.u32 v46, $0x3;
	v40 =	vmul.f32 $8.000000000e+00, v32;
	v32 =	vmovc v28;
	v28 =	vld [tilespmem:$0x1FEF0]  }
0x119: {  	v47 =	vshll.u32 v46, v1;
	v53 =	vadd.s32 v30, v41;
	v30 =	vmovc v24;
	v24 =	vmovc v18;
	v18 =	vmov v29;
	v29 =	vld [tilespmem:$0x1FF20]  }
0x11a: {  	v15 =	vmovc v21;
	v46 =	vshll.u32 v43, v1;
	v43 =	vshll.u32 v58, v1;
	v21 =	vld [tilespmem:$0x1FF80];
	v55 =	vadd.s32 v17, v33  }
0x11b: {  	v51 =	vadd.s32 v26, v34;
	v26 =	vmovc v22;
	v22 =	vmovc v20;
	v20 =	vmov v14;
	v48 =	vadd.s32 v9, v39;
	v9 =	vld [tilespmem:$0x1FF50]  }
0x11c: {  	s7 =	simm.s32 $0xF;
	s16 =	simm.s32 $0x10;
	v14 =	vmovc v7;
	v7 =	vmovc v5;
	v45 =	vshll.u32 v59, v1;
	v25 =	vld [tilespmem:$0x1FFC0];
	v39 =	vmul.f32 $8.000000000e+00, v63;
	v41 =	vadd.s32 v0, v4  }
.LBB2_7:
0x11d: {  	_ = 	snop  }
0x11e: {  	v0 =	vmov s7  }
0x11f: {  	v2 =	vadd.s32 v28, v37;
	v3 =	vld [tilespmem:s15+$0xFFFFFF40];
	v36 =	vadd.s32 v29, v36;
	[tilespmem:v55+s23+$0x0] =	vst.idx.msk $0xffff, v39;
	v63 =	vmul.f32 $8.000000000e+00, v56  }
0x120: {  	v35 =	vadd.s32 v9, v35;
	v0 =	vshrl.u32 v0, $0x3;
	[tilespmem:v51+s23+$0x0] =	vst.idx.msk $0xffff, v40;
	v57 =	vld [tilespmem:s15+$0xFFFFFF80];
	v56 =	vmul.f32 $8.000000000e+00, v50  }
0x121: {  	v33 =	vadd.s32 v21, v33;
	v0 =	vshll.u32 v0, v1;
	v59 =	vld [tilespmem:s15+$0xFFFFFFC0];
	s15 =	sadd.s32 $0x200, s15;
	v58 =	vmul.f32 $8.000000000e+00, v52;
	[tilespmem:v53+s23+$0x0] =	vst.idx.msk $0xffff, v63  }
0x122: {  	v42 =	vshll.u32 v42, v1;
	v40 =	vbroadcast v0, $0x0;
	v0 =	vmul.f32 $8.000000000e+00, v49;
	[tilespmem:v48+s23+$0x0] =	vst.idx.msk $0xffff, v56;
	v53 =	vld [tilespmem:s15+$0xFFFFFFD0]  }
0x123: {  	v34 =	vadd.s32 v25, v34;
	v39 =	vmov v38;
	v61 =	vmul.f32 $8.000000000e+00, v54;
	[tilespmem:v41+s23+$0x0] =	vst.idx.msk $0xffff, v58;
	v38 =	vld [tilespmem:s15+$0xFFFFFE10]  }
0x124: {  	v41 =	vbroadcast v47, $0x0;
	v63 =	vadd.s32 v32, v40;
	[tilespmem:v2+s23+$0x0] =	vst.idx.msk $0xffff, v0;
	v0 =	vmul.f32 $8.000000000e+00, v3;
	v62 =	vld [tilespmem:s15+$0xFFFFFE50]  }
0x125: {  	v37 =	vbroadcast v44, $0x0;
	v2 =	vadd.s32 v6, v39;
	[tilespmem:v36+s23+$0x0] =	vst.idx.msk $0xffff, v61;
	v3 =	vld [tilespmem:s15+$0xFFFFFE90];
	v60 =	vmul.f32 $8.000000000e+00, v57  }
0x126: {  	v36 =	vbroadcast v45, $0x0;
	v61 =	vld [tilespmem:s15+$0xFFFFFED0];
	v48 =	vadd.s32 v10, v41;
	[tilespmem:v35+s23+$0x0] =	vst.idx.msk $0xffff, v0;
	v0 =	vmul.f32 $8.000000000e+00, v59  }
0x127: {  	v45 =	vadd.s32 v14, v37;
	v35 =	vbroadcast v46, $0x0;
	v51 =	vld [tilespmem:s15+$0xFFFFFF10];
	[tilespmem:v33+s23+$0x0] =	vst.idx.msk $0xffff, v60;
	v56 =	vmul.f32 $8.000000000e+00, v53  }
0x128: {  	v44 =	vadd.s32 v18, v36;
	v33 =	vbroadcast v43, $0x0;
	v57 =	vld [tilespmem:s15+$0xFFFFFF50];
	[tilespmem:v34+s23+$0x0] =	vst.idx.msk $0xffff, v0;
	v38 =	vmul.f32 $8.000000000e+00, v38  }
0x129: {  	v58 =	vadd.s32 v22, v35;
	v34 =	vbroadcast v42, $0x0;
	v59 =	vld [tilespmem:s15+$0xFFFFFF90];
	v0 =	vmul.f32 $8.000000000e+00, v62;
	[tilespmem:v63+s23+$0x0] =	vst.idx.msk $0xffff, v56  }
0x12a: {  	[tilespmem:v2+s23+$0x0] =	vst.idx.msk $0xffff, v38;
	v2 =	vmul.f32 $8.000000000e+00, v3;
	v3 =	vadd.s32 v26, v33;
	v63 =	vld [tilespmem:s15+$0xFFFFFFE0]  }
0x12b: {  	v47 =	vadd.s32 v30, v34;
	[tilespmem:v48+s23+$0x0] =	vst.idx.msk $0xffff, v0;
	v0 =	vmul.f32 $8.000000000e+00, v61;
	v60 =	vld [tilespmem:s15+$0xFFFFFE20]  }
0x12c: {  	v61 =	vld [tilespmem:s15+$0xFFFFFE60];
	[tilespmem:v45+s23+$0x0] =	vst.idx.msk $0xffff, v2;
	v2 =	vmul.f32 $8.000000000e+00, v51;
	v45 =	vadd.s32 v13, v40  }
0x12d: {  	v4 =	vld [tilespmem:$0x1FFF0];
	v62 =	vmov s16;
	v53 =	vadd.s32 v7, v39;
	[tilespmem:v44+s23+$0x0] =	vst.idx.msk $0xffff, v0;
	v0 =	vmul.f32 $8.000000000e+00, v57  }
0x12e: {  	v52 =	vadd.s32 v11, v41;
	v42 =	vshrl.u32 v62, $0x3;
	v62 =	vld [tilespmem:s15+$0xFFFFFEA0];
	[tilespmem:v58+s23+$0x0] =	vst.idx.msk $0xffff, v2;
	v2 =	vmul.f32 $8.000000000e+00, v59  }
0x12f: {  	v55 =	vld [tilespmem:s15+$0xFFFFFEE0];
	[tilespmem:v3+s23+$0x0] =	vst.idx.msk $0xffff, v0;
	v0 =	vmul.f32 $8.000000000e+00, v63  }
0x130: {  	v49 =	vadd.s32 v15, v37;
	v56 =	vld [tilespmem:s15+$0xFFFFFF20];
	v63 =	vmul.f32 $8.000000000e+00, v60;
	[tilespmem:v47+s23+$0x0] =	vst.idx.msk $0xffff, v2  }
0x131: {  	v60 =	vadd.s32 v19, v36;
	v57 =	vld [tilespmem:s15+$0xFFFFFF60];
	v61 =	vmul.f32 $8.000000000e+00, v61;
	[tilespmem:v45+s23+$0x0] =	vst.idx.msk $0xffff, v0  }
0x132: {  	v50 =	vadd.s32 v23, v35;
	v58 =	vld [tilespmem:s15+$0xFFFFFFA0];
	[tilespmem:v53+s23+$0x0] =	vst.idx.msk $0xffff, v63  }
0x133: {  	s11 =	sadd.s32 $0x3, s16;
	v0 =	vshll.u32 v42, v1;
	v62 =	vmul.f32 $8.000000000e+00, v62;
	v42 =	vadd.s32 v27, v33;
	[tilespmem:v52+s23+$0x0] =	vst.idx.msk $0xffff, v61;
	v53 =	vld [tilespmem:s15+$0xFFFFFE30]  }
0x134: {  	v44 =	vmov s11;
	v63 =	vmul.f32 $8.000000000e+00, v55;
	v52 =	vadd.s32 v31, v34;
	v54 =	vld [tilespmem:s15+$0xFFFFFE70]  }
0x135: {  	s30 =	sadd.s32 $0x2, s16;
	v59 =	vshrl.u32 v44, $0x3;
	v44 =	vadd.s32 v8, v39;
	v45 =	vld [tilespmem:s15+$0xFFFFFFF0];
	[tilespmem:v49+s23+$0x0] =	vst.idx.msk $0xffff, v62;
	v38 =	vmul.f32 $8.000000000e+00, v56  }
0x136: {  	v51 =	vmov s30;
	s30 =	sadd.s32 $0x6, s16;
	v55 =	vld [tilespmem:s15+$0xFFFFFEB0];
	[tilespmem:v60+s23+$0x0] =	vst.idx.msk $0xffff, v63;
	v46 =	vmul.f32 $8.000000000e+00, v57;
	v57 =	vadd.s32 v12, v41  }
0x137: {  	v2 =	vmov s30;
	v49 =	vadd.s32 v4, v40;
	v60 =	vld [tilespmem:s15+$0xFFFFFEF0];
	[tilespmem:v50+s23+$0x0] =	vst.idx.msk $0xffff, v38;
	v50 =	vmul.f32 $8.000000000e+00, v58  }
0x138: {  	v58 =	vadd.s32 v16, v37;
	v61 =	vld [tilespmem:s15+$0xFFFFFF30];
	[tilespmem:v42+s23+$0x0] =	vst.idx.msk $0xffff, v46;
	v42 =	vshrl.u32 v2, $0x3;
	v2 =	vmul.f32 $8.000000000e+00, v53  }
0x139: {  	v62 =	vadd.s32 v20, v36;
	v38 =	vbroadcast v0, $0x0;
	v63 =	vld [tilespmem:s15+$0xFFFFFF70];
	[tilespmem:v52+s23+$0x0] =	vst.idx.msk $0xffff, v50;
	v0 =	vmul.f32 $8.000000000e+00, v54  }
0x13a: {  	v45 =	vmul.f32 $8.000000000e+00, v45;
	v5 =	vld [tilespmem:s15+$0xFFFFFFB0];
	[tilespmem:v44+s23+$0x0] =	vst.idx.msk $0xffff, v2  }
0x13b: {  	v2 =	vmul.f32 $8.000000000e+00, v55;
	[tilespmem:v57+s23+$0x0] =	vst.idx.msk $0xffff, v0;
	v57 =	vld [tilespmem:$0x1FFB0]  }
0x13c: {  	s29 =	sadd.s32 $0x1, s16;
	s28 =	sadd.s32 $0x4, s16;
	[tilespmem:v49+s23+$0x0] =	vst.idx.msk $0xffff, v45;
	v0 =	vmul.f32 $8.000000000e+00, v60;
	v60 =	vld [tilespmem:$0x1FFE0]  }
0x13d: {  	v43 =	vmov s28;
	v48 =	vmov s29;
	s29 =	sadd.s32 $0x5, s16;
	[tilespmem:v58+s23+$0x0] =	vst.idx.msk $0xffff, v2;
	v2 =	vmul.f32 $8.000000000e+00, v61;
	v61 =	vld [tilespmem:$0x1FE80]  }
0x13e: {  	p1 =	slt.u32 s16, $0x78;
	v43 =	vshrl.u32 v43, $0x3;
	v3 =	vmov s29;
	v4 =	vadd.s32 v24, v35;
	[tilespmem:v62+s23+$0x0] =	vst.idx.msk $0xffff, v0;
	v0 =	vld [tilespmem:$0x1FE10]  }
.Ltmp2:
0x13f: {  	v48 =	vshrl.u32 v48, $0x3;
	v51 =	vshrl.u32 v51, $0x3;
	v3 =	vshrl.u32 v3, $0x3;
	v56 =	vld [tilespmem:s15+$0x0];
	(pc) =	sbr.rel @p1 .LBB2_7-.Ltmp2, $4  }
0x140: {  	v47 =	vshll.u32 v48, v1;
	v46 =	vshll.u32 v43, v1;
	v43 =	vshll.u32 v3, v1;
	v50 =	vld [tilespmem:s15+$0xFFFFFE40]  }
0x141: {  	v55 =	vadd.s32 v17, v33;
	v44 =	vshll.u32 v51, v1;
	v45 =	vshll.u32 v59, v1;
	v52 =	vld [tilespmem:s15+$0xFFFFFE80]  }
0x142: {  	v49 =	vld [tilespmem:s15+$0xFFFFFEC0];
	v51 =	vadd.s32 v57, v34;
	v53 =	vadd.s32 v60, v40;
	v40 =	vmul.f32 $8.000000000e+00, v5  }
0x143: {  	s7 =	sadd.s32 $0x7, s16;
	s16 =	sadd.s32 $0x8, s16;
	v54 =	vld [tilespmem:s15+$0xFFFFFF00];
	[tilespmem:v4+s23+$0x0] =	vst.idx.msk $0xffff, v2;
	v48 =	vadd.s32 v61, v39;
	v39 =	vmul.f32 $8.000000000e+00, v63;
	v41 =	vadd.s32 v0, v41  }
0x144: {  	_ =	sdelay $0x3  }
0x145: {  	v0 =	vmov s7;
	v2 =	vadd.s32 v28, v37;
	v3 =	vld [tilespmem:s15+$0xFFFFFF40];
	v4 =	vmul.f32 $8.000000000e+00, v56;
	[tilespmem:v55+s23+$0x0] =	vst.idx.msk $0xffff, v39  }
0x146: {  	v36 =	vadd.s32 v29, v36;
	[tilespmem:v51+s23+$0x0] =	vst.idx.msk $0xffff, v40;
	v0 =	vshrl.u32 v0, $0x3;
	v5 =	vmul.f32 $8.000000000e+00, v50;
	v63 =	vld [tilespmem:s15+$0xFFFFFF80]  }
0x147: {  	v35 =	vadd.s32 v9, v35;
	s7 =	sadd.s32 $0x200, s15;
	v40 =	vld [tilespmem:s15+$0xFFFFFFC0];
	v0 =	vshll.u32 v0, v1;
	v55 =	vmul.f32 $8.000000000e+00, v52;
	[tilespmem:v53+s23+$0x0] =	vst.idx.msk $0xffff, v4  }
0x148: {  	v33 =	vadd.s32 v21, v33;
	v56 =	vld [tilespmem:s7+$0xFFFFFFD0];
	v0 =	vbroadcast v0, $0x0;
	[tilespmem:v48+s23+$0x0] =	vst.idx.msk $0xffff, v5;
	v57 =	vmul.f32 $8.000000000e+00, v49  }
0x149: {  	v42 =	vshll.u32 v42, v1;
	v34 =	vadd.s32 v25, v34;
	v58 =	vld [tilespmem:s7+$0xFFFFFE10];
	[tilespmem:v41+s23+$0x0] =	vst.idx.msk $0xffff, v55;
	v59 =	vmul.f32 $8.000000000e+00, v54  }
0x14a: {  	v47 =	vbroadcast v47, $0x0;
	v60 =	vld [tilespmem:s7+$0xFFFFFE50];
	v61 =	vadd.s32 v32, v0;
	[tilespmem:v2+s23+$0x0] =	vst.idx.msk $0xffff, v57;
	v2 =	vmul.f32 $8.000000000e+00, v3  }
0x14b: {  	v44 =	vbroadcast v44, $0x0;
	v62 =	vld [tilespmem:s7+$0xFFFFFE90];
	v3 =	vadd.s32 v6, v38;
	[tilespmem:v36+s23+$0x0] =	vst.idx.msk $0xffff, v59;
	v63 =	vmul.f32 $8.000000000e+00, v63  }
0x14c: {  	v45 =	vbroadcast v45, $0x0;
	v50 =	vmovc v21;
	v21 =	vadd.s32 v10, v47;
	v52 =	vld [tilespmem:s7+$0xFFFFFED0];
	[tilespmem:v35+s23+$0x0] =	vst.idx.msk $0xffff, v2;
	v2 =	vmul.f32 $8.000000000e+00, v40  }
0x14d: {  	v46 =	vbroadcast v46, $0x0;
	v53 =	vadd.s32 v14, v44;
	v54 =	vld [tilespmem:s7+$0xFFFFFF10];
	v4 =	vmul.f32 $8.000000000e+00, v56;
	[tilespmem:v33+s23+$0x0] =	vst.idx.msk $0xffff, v63  }
0x14e: {  	v43 =	vbroadcast v43, $0x0;
	v57 =	vld [tilespmem:s7+$0xFFFFFF50];
	v55 =	vmul.f32 $8.000000000e+00, v58;
	v56 =	vadd.s32 v18, v45;
	[tilespmem:v34+s23+$0x0] =	vst.idx.msk $0xffff, v2  }
0x14f: {  	v42 =	vbroadcast v42, $0x0;
	v58 =	vadd.s32 v22, v46;
	v59 =	vld [tilespmem:s7+$0xFFFFFF90];
	v2 =	vmul.f32 $8.000000000e+00, v60;
	[tilespmem:v61+s23+$0x0] =	vst.idx.msk $0xffff, v4  }
0x150: {  	v60 =	vadd.s32 v26, v43;
	[tilespmem:v3+s23+$0x0] =	vst.idx.msk $0xffff, v55;
	v3 =	vmul.f32 $8.000000000e+00, v62;
	v61 =	vld [tilespmem:s7+$0xFFFFFFE0]  }
0x151: {  	v62 =	vadd.s32 v30, v42;
	v33 =	vld [tilespmem:s7+$0xFFFFFE20];
	[tilespmem:v21+s23+$0x0] =	vst.idx.msk $0xffff, v2;
	v2 =	vmul.f32 $8.000000000e+00, v52  }
0x152: {  	v14 =	vadd.s32 v13, v0;
	v63 =	vld [tilespmem:s7+$0xFFFFFE60];
	[tilespmem:v53+s23+$0x0] =	vst.idx.msk $0xffff, v3;
	v3 =	vmul.f32 $8.000000000e+00, v54  }
0x153: {  	v18 =	vadd.s32 v7, v38;
	v21 =	vld [tilespmem:s7+$0xFFFFFEA0];
	[tilespmem:v56+s23+$0x0] =	vst.idx.msk $0xffff, v2;
	v2 =	vmul.f32 $8.000000000e+00, v57  }
0x154: {  	v22 =	vadd.s32 v11, v47;
	[tilespmem:v58+s23+$0x0] =	vst.idx.msk $0xffff, v3;
	v3 =	vmul.f32 $8.000000000e+00, v59  }
0x155: {  	v30 =	vadd.s32 v15, v44;
	[tilespmem:v60+s23+$0x0] =	vst.idx.msk $0xffff, v2;
	v2 =	vmul.f32 $8.000000000e+00, v61  }
0x156: {  	v53 =	vmul.f32 $8.000000000e+00, v33;
	[tilespmem:v62+s23+$0x0] =	vst.idx.msk $0xffff, v3  }
0x157: {  	v3 =	vmul.f32 $8.000000000e+00, v63;
	[tilespmem:v14+s23+$0x0] =	vst.idx.msk $0xffff, v2  }
0x158: {  	v26 =	vld [tilespmem:s7+$0xFFFFFEE0];
	[tilespmem:v18+s23+$0x0] =	vst.idx.msk $0xffff, v53;
	v2 =	vmul.f32 $8.000000000e+00, v21  }
0x159: {  	v52 =	vld [tilespmem:s7+$0xFFFFFF20];
	[tilespmem:v22+s23+$0x0] =	vst.idx.msk $0xffff, v3  }
0x15a: {  	v55 =	vld [tilespmem:s7+$0xFFFFFF60];
	[tilespmem:v30+s23+$0x0] =	vst.idx.msk $0xffff, v2  }
0x15b: {  	v54 =	vadd.s32 v19, v45;
	v21 =	vld [tilespmem:$0x1FFF0]  }
0x15c: {  	v56 =	vadd.s32 v23, v46;
	v57 =	vld [tilespmem:s7+$0xFFFFFFA0]  }
0x15d: {  	v58 =	vadd.s32 v27, v43;
	v40 =	vld [tilespmem:s7+$0xFFFFFE30]  }
0x15e: {  	v59 =	vadd.s32 v31, v42;
	v35 =	vld [tilespmem:s7+$0xFFFFFFF0];
	v3 =	vmul.f32 $8.000000000e+00, v26  }
0x15f: {  	v62 =	vadd.s32 v8, v38;
	v60 =	vld [tilespmem:s7+$0xFFFFFE70];
	v2 =	vmul.f32 $8.000000000e+00, v52  }
0x160: {  	v63 =	vld [tilespmem:s7+$0xFFFFFEB0];
	[tilespmem:v54+s23+$0x0] =	vst.idx.msk $0xffff, v3;
	v3 =	vmul.f32 $8.000000000e+00, v55;
	v61 =	vadd.s32 v21, v0  }
0x161: {  	v14 =	vadd.s32 v12, v47;
	[tilespmem:v56+s23+$0x0] =	vst.idx.msk $0xffff, v2;
	v2 =	vmul.f32 $8.000000000e+00, v57  }
0x162: {  	v16 =	vadd.s32 v16, v44;
	v15 =	vld [tilespmem:s7+$0xFFFFFEF0];
	[tilespmem:v58+s23+$0x0] =	vst.idx.msk $0xffff, v3;
	v19 =	vmul.f32 $8.000000000e+00, v40  }
0x163: {  	v3 =	vmul.f32 $8.000000000e+00, v35;
	[tilespmem:v59+s23+$0x0] =	vst.idx.msk $0xffff, v2  }
0x164: {  	v22 =	vadd.s32 v20, v45;
	v18 =	vld [tilespmem:s7+$0xFFFFFF30];
	v2 =	vmul.f32 $8.000000000e+00, v60;
	[tilespmem:v62+s23+$0x0] =	vst.idx.msk $0xffff, v19  }
0x165: {  	v23 =	vld [tilespmem:s7+$0xFFFFFF70];
	[tilespmem:v61+s23+$0x0] =	vst.idx.msk $0xffff, v3;
	v3 =	vmul.f32 $8.000000000e+00, v63  }
0x166: {  	v27 =	vld [tilespmem:s7+$0xFFFFFFB0];
	[tilespmem:v14+s23+$0x0] =	vst.idx.msk $0xffff, v2  }
0x167: {  	v2 =	vmul.f32 $8.000000000e+00, v15;
	v5 =	vld [tilespmem:$0x1FFB0];
	[tilespmem:v16+s23+$0x0] =	vst.idx.msk $0xffff, v3  }
0x168: {  	v39 =	vld [tilespmem:$0x1FFE0]  }
0x169: {  	v49 =	vld [tilespmem:$0x1FE80];
	[tilespmem:v22+s23+$0x0] =	vst.idx.msk $0xffff, v2  }
0x16a: {  	v26 =	vadd.s32 v24, v46;
	v53 =	vld [tilespmem:$0x1FE10]  }
0x16b: {  	v30 =	vadd.s32 v17, v43;
	v34 =	vld [tilespmem:s7+$0x0]  }
0x16c: {  	v41 =	vld [tilespmem:s7+$0xFFFFFE40];
	v5 =	vadd.s32 v5, v42  }
0x16d: {  	v31 =	vld [tilespmem:s7+$0xFFFFFE80];
	v3 =	vmul.f32 $8.000000000e+00, v18;
	v0 =	vadd.s32 v39, v0  }
0x16e: {  	v52 =	vld [tilespmem:s7+$0xFFFFFEC0];
	v2 =	vmul.f32 $8.000000000e+00, v23;
	v51 =	vadd.s32 v49, v38  }
0x16f: {  	v55 =	vld [tilespmem:s7+$0xFFFFFF00];
	[tilespmem:v26+s23+$0x0] =	vst.idx.msk $0xffff, v3;
	v3 =	vmul.f32 $8.000000000e+00, v27;
	v54 =	vadd.s32 v53, v47  }
0x170: {  	v56 =	vadd.s32 v28, v44;
	v57 =	vld [tilespmem:s7+$0xFFFFFF40];
	[tilespmem:v30+s23+$0x0] =	vst.idx.msk $0xffff, v2;
	v2 =	vmul.f32 $8.000000000e+00, v34  }
0x171: {  	v59 =	vadd.s32 v29, v45;
	v58 =	vmul.f32 $8.000000000e+00, v41;
	v60 =	vld [tilespmem:s7+$0xFFFFFF80];
	[tilespmem:v5+s23+$0x0] =	vst.idx.msk $0xffff, v3  }
0x172: {  	v61 =	vadd.s32 v9, v46;
	v3 =	vmul.f32 $8.000000000e+00, v31;
	v62 =	vld [tilespmem:s7+$0xFFFFFFC0];
	[tilespmem:v0+s23+$0x0] =	vst.idx.msk $0xffff, v2  }
0x173: {  	[tilespmem:v51+s23+$0x0] =	vst.idx.msk $0xffff, v58;
	v0 =	vmul.f32 $8.000000000e+00, v52;
	v2 =	vadd.s32 v50, v43  }
0x174: {  	v63 =	vadd.s32 v25, v42;
	[tilespmem:v54+s23+$0x0] =	vst.idx.msk $0xffff, v3;
	v3 =	vmul.f32 $8.000000000e+00, v55  }
0x175: {  	[tilespmem:v56+s23+$0x0] =	vst.idx.msk $0xffff, v0;
	v0 =	vmul.f32 $8.000000000e+00, v57  }
0x176: {  	[tilespmem:v59+s23+$0x0] =	vst.idx.msk $0xffff, v3;
	v3 =	vmul.f32 $8.000000000e+00, v60  }
0x177: {  	[tilespmem:v61+s23+$0x0] =	vst.idx.msk $0xffff, v0;
	v0 =	vmul.f32 $8.000000000e+00, v62  }
0x178: {  	[tilespmem:v2+s23+$0x0] =	vst.idx.msk $0xffff, v3  }
0x179: {  	s11 =	simm.s32 $0xA400;
	s7 =	sadd.s32 s3, s10;
	[tilespmem:v63+s23+$0x0] =	vst.idx.msk $0xffff, v0  }
0x17a: {  	[hbm4b:s7+s2] =	stream.linear.scatter [tilespmem:s11], [sflag:$0x3], $0x80, $0x38;
	[tilespmem:$0x10A00] =	vst v63  }
0x17b: {  	s15 =	simm.s32 $0xA488;
	s11 =	sadd.s32 $0x10, s7  }
0x17c: {  	[hbm4b:s11+s2] =	stream.linear.scatter [tilespmem:s15], [sflag:$0x3], $0x80, $0x38;
	[tilespmem:$0x10A00] =	vst v63  }
0x17d: {  	s16 =	simm.s32 $0xA510;
	s29 =	simm.s32 $0xA598;
	s28 =	sadd.s32 $0x20, s7  }
0x17e: {  	[hbm4b:s28+s2] =	stream.linear.scatter [tilespmem:s16], [sflag:$0x3], $0x80, $0x38;
	[tilespmem:$0x10A00] =	vst v63  }
0x17f: {  	s3 =	simm.s32 $0x440;
	s30 =	sadd.s32 $0x30, s7;
	s11 =	simm.s32 $0xA620  }
0x180: {  	[hbm4b:s30+s2] =	stream.linear.scatter [tilespmem:s29], [sflag:$0x3], $0x80, $0x38;
	[tilespmem:$0x10A00] =	vst v63  }
0x181: {  	s15 =	sadd.s32 $0x40, s7;
	s16 =	simm.s32 $0xA6A8;
	s28 =	sadd.s32 $0x50, s7  }
0x182: {  	[hbm4b:s15+s2] =	stream.linear.scatter [tilespmem:s11], [sflag:$0x3], $0x80, $0x38;
	[tilespmem:$0x10A00] =	vst v63  }
0x183: {  	s29 =	simm.s32 $0xA730;
	s30 =	sadd.s32 $0x60, s7;
	s15 =	simm.s32 $0x2200  }
0x184: {  	[hbm4b:s28+s2] =	stream.linear.scatter [tilespmem:s16], [sflag:$0x3], $0x80, $0x38;
	[tilespmem:$0x10A00] =	vst v63  }
0x185: {  	s11 =	simm.s32 $0xA7B8;
	s16 =	sadd.s32 $0x70, s7;
	s7 =	sadd.s32 $0x1000, s7  }
0x186: {  	v9 =	vmov v21;
	v63 =	vmov v13;
	[hbm4b:s30+s2] =	stream.linear.scatter [tilespmem:s29], [sflag:$0x3], $0x80, $0x38;
	[tilespmem:$0x10A00] =	vst v63  }
.LBB2_9:
0x187: {  	[hbm4b:s16+s2] =	stream.linear.scatter [tilespmem:s11], [sflag:$0x3], $0x80, $0x38;
	[tilespmem:$0x10A00] =	vst v63  }
0x188: {  	s11 =	smov.u32 s3;
	s3 =	smov.u32 s15  }
0x189: {  	s28 =	sadd.s32 $0x1100, s15;
	s3 =	sshra.s32 s3, $0x2;
	s16 =	sadd.s32 $0xA400, s11  }
0x18a: {  	[hbm4b:s7+s2] =	stream.linear.scatter [tilespmem:s16], [sflag:$0x3], $0x80, $0x38;
	[tilespmem:$0x10A00] =	vst v63  }
0x18b: {  	p1 =	sne.s32 s15, $0x7700;
	s15 =	sadd.s32 $0xA488, s11;
	s16 =	sadd.s32 $0x10, s7  }
0x18c: {  	[hbm4b:s16+s2] =	stream.linear.scatter [tilespmem:s15], [sflag:$0x3], $0x80, $0x38;
	[tilespmem:$0x10A00] =	vst v63  }
0x18d: {  	s15 =	sadd.s32 $0xA510, s11;
	s16 =	sadd.s32 $0x20, s7  }
0x18e: {  	[hbm4b:s16+s2] =	stream.linear.scatter [tilespmem:s15], [sflag:$0x3], $0x80, $0x38;
	[tilespmem:$0x10A00] =	vst v63  }
0x18f: {  	s15 =	sadd.s32 $0xA598, s11;
	s16 =	sadd.s32 $0x30, s7  }
0x190: {  	[hbm4b:s16+s2] =	stream.linear.scatter [tilespmem:s15], [sflag:$0x3], $0x80, $0x38;
	[tilespmem:$0x10A00] =	vst v63  }
0x191: {  	s15 =	sadd.s32 $0xA620, s11;
	s16 =	sadd.s32 $0x40, s7  }
0x192: {  	[hbm4b:s16+s2] =	stream.linear.scatter [tilespmem:s15], [sflag:$0x3], $0x80, $0x38;
	[tilespmem:$0x10A00] =	vst v63  }
.Ltmp3:
0x193: {  	s15 =	sadd.s32 $0xA6A8, s11;
	s16 =	sadd.s32 $0x50, s7;
	(pc) =	sbr.rel @p1 .LBB2_9-.Ltmp3, $4  }
0x194: {  	[hbm4b:s16+s2] =	stream.linear.scatter [tilespmem:s15], [sflag:$0x3], $0x80, $0x38;
	[tilespmem:$0x10A00] =	vst v63  }
0x195: {  	s15 =	sadd.s32 $0xA730, s11;
	s16 =	sadd.s32 $0x60, s7;
	s11 =	sadd.s32 $0xA7B8, s11  }
0x196: {  	[hbm4b:s16+s2] =	stream.linear.scatter [tilespmem:s15], [sflag:$0x3], $0x80, $0x38;
	[tilespmem:$0x10A00] =	vst v63  }
0x197: {  	s16 =	sadd.s32 $0x70, s7;
	s7 =	sadd.s32 $0x1000, s7;
	s15 =	smov.u32 s28  }
0x198: {  	[hbm4b:s16+s2] =	stream.linear.scatter [tilespmem:s11], [sflag:$0x3], $0x80, $0x38;
	[tilespmem:$0x10A00] =	vst v63  }
0x199: {  	s16 =	sadd.s32 $0xA400, s3  }
0x19a: {  	[hbm4b:s7+s2] =	stream.linear.scatter [tilespmem:s16], [sflag:$0x3], $0x80, $0x38;
	[tilespmem:$0x10A00] =	vst v63  }
0x19b: {  	s28 =	sadd.s32 $0xA488, s3;
	s15 =	sadd.s32 $0x10, s7  }
0x19c: {  	[hbm4b:s15+s2] =	stream.linear.scatter [tilespmem:s28], [sflag:$0x3], $0x80, $0x38;
	[tilespmem:$0x10A00] =	vst v63  }
0x19d: {  	s29 =	sadd.s32 $0xA510, s3;
	s30 =	sadd.s32 $0x20, s7;
	s11 =	sadd.s32 $0xA7B8, s3  }
0x19e: {  	[hbm4b:s30+s2] =	stream.linear.scatter [tilespmem:s29], [sflag:$0x3], $0x80, $0x38;
	[tilespmem:$0x10A00] =	vst v63  }
0x19f: {  	p1 =	seq.s32 s31, $0x31;
	s16 =	sadd.s32 $0xA598, s3;
	s28 =	sadd.s32 $0x30, s7  }
0x1a0: {  	[hbm4b:s28+s2] =	stream.linear.scatter [tilespmem:s16], [sflag:$0x3], $0x80, $0x38;
	[tilespmem:$0x10A00] =	vst v63  }
0x1a1: {  	s29 =	sadd.s32 $0xA620, s3;
	s30 =	sadd.s32 $0x40, s7;
	s16 =	sadd.s32 $0xA6A8, s3  }
0x1a2: {  	[hbm4b:s30+s2] =	stream.linear.scatter [tilespmem:s29], [sflag:$0x3], $0x80, $0x38;
	[tilespmem:$0x10A00] =	vst v63  }
0x1a3: {  	s28 =	sadd.s32 $0x50, s7;
	s29 =	sadd.s32 $0xA730, s3;
	s3 =	sshll.u32 @!p1 s31, $0xE  }
0x1a4: {  	[hbm4b:s28+s2] =	stream.linear.scatter [tilespmem:s16], [sflag:$0x3], $0x80, $0x38;
	[tilespmem:$0x10A00] =	vst v63  }
0x1a5: {  	s30 =	sadd.s32 $0x60, s7;
	s3 =	sadd.s32 @!p1 s8, s3  }
0x1a6: {  	[hbm4b:s30+s2] =	stream.linear.scatter [tilespmem:s29], [sflag:$0x3], $0x80, $0x38;
	[tilespmem:$0x10A00] =	vst v63  }
0x1a7: {  	s15 =	sadd.s32 $0x70, s7;
	s7 =	simm.s32 @!p1 $0x80;
	s3 =	sshrl.u32 @!p1 s3, $0x3  }
0x1a8: {  	[hbm4b:s15+s2] =	stream.linear.scatter [tilespmem:s11], [sflag:$0x3], $0x80, $0x38;
	[tilespmem:$0x10A00] =	vst v63  }
0x1a9: {  	s3 =	sadd.s32 @!p1 s4, s3;
	s11 =	simm.s32 @!p1 $0x1000;
	s15 =	simm.s32 @!p1 $0x0  }
0x1aa: {  	[tilespmem:s15], [sflag:$0x5] =	stream.strided.gather @!p1 [hbm4b:s3+s7], $0x100, s11, s7, $0x38;
	[tilespmem:$0x10A00] =	vst v63  }
0x1ab: {  	s3 =	simm.s32 @!p1 $0x5  }
0x1ac: {  	_ =	swait.ge @!p1 [sflag:s3], $0x100  }
0x1ad: {  	[sflag:s3] =	ssyncset.done @!p1 $0x0  }
0x1ae: {  	[sflag:s3] =	ssyncadd.s32 @!p1 $0xFFFFFF00;
	s3 =	simm.s32 @!p1 $0x200  }
0x1af: {  	[tilespmem:s3], [sflag:$0x1] =	stream.indirect.gather @!p1 [hbm4b:s5+s7], $0x40, s15, s7, $0xb8;
	[tilespmem:$0x10A00] =	vst v63  }
0x1b0: {  	s3 =	simm.s32 @!p1 $0x2200  }
0x1b1: {  	[tilespmem:s3], [sflag:$0x1] =	stream.indirect.gather @!p1 [hbm4b:s5+s7], $0x40, s7, s7, $0xb8;
	[tilespmem:$0x10A00] =	vst v63  }
0x1b2: {  	_ =	swait.ge [sflag:s24], $0x2000  }
0x1b3: {  	[sflag:s24] =	ssyncset.done $0x0  }
0x1b4: {  	[sflag:s24] =	ssyncadd.s32 $0xFFFFE000  }
0x1b5: {  	_ =	swait.ge [sflag:s24], $0x2000  }
0x1b6: {  	[sflag:s24] =	ssyncset.done $0x0  }
0x1b7: {  	s3 =	simm.s32 @!p0 $0x4;
	[sflag:s24] =	ssyncadd.s32 $0xFFFFE000  }
0x1b8: {  	_ =	swait.ge @!p0 [sflag:s3], $0x2000  }
0x1b9: {  	[sflag:s3] =	ssyncset.done @!p0 $0x0  }
0x1ba: {  	s16 =	simm.s32 $0x0;
	[sflag:s3] =	ssyncadd.s32 @!p0 $0xFFFFE000  }
0x1bb: {  	s28 =	simm.s32 $0x1;
	s30 =	simm.s32 $0x3;
	_ =	swait.ge @!p0 [sflag:s3], $0x2000  }
0x1bc: {  	v0 =	vmov s16;
	v2 =	vmov s28;
	s29 =	simm.s32 $0x2;
	v4 =	vmov s30;
	v22 =	vld [tilespmem:$0x1FFD0]  }
0x1bd: {  	v0 =	vshrl.u32 v0, $0x3;
	v3 =	vmov s29;
	s29 =	simm.s32 $0x7;
	v4 =	vshrl.u32 v4, $0x3;
	v6 =	vld [tilespmem:$0x1FE50]  }
0x1be: {  	v2 =	vshrl.u32 v2, $0x3;
	v35 =	vmov s29;
	v4 =	vshll.u32 v4, v1;
	[sflag:s3] =	ssyncset.done @!p0 $0x0;
	v7 =	vld [tilespmem:$0x1FE90]  }
0x1bf: {  	v0 =	vshll.u32 v0, v1;
	v35 =	vshrl.u32 v35, $0x3;
	v36 =	vbroadcast v4, $0x0;
	v4 =	vld [tilespmem:$0x1FEC0];
	[sflag:s3] =	ssyncadd.s32 @!p0 $0xFFFFE000;
	s3 =	simm.s32 $0x4300  }
0x1c0: {  	v2 =	vshll.u32 v2, v1;
	v39 =	vbroadcast v0, $0x0;
	v35 =	vshll.u32 v35, v1;
	v0 =	vld [tilespmem:s3+$0xC0]  }
0x1c1: {  	v40 =	vbroadcast v2, $0x0;
	v41 =	vbroadcast v35, $0x0;
	v38 =	vld [tilespmem:s3+$0xFFFFFF00]  }
0x1c2: {  	v42 =	vld [tilespmem:s3+$0xFFFFFF40]  }
0x1c3: {  	s15 =	simm.s32 $0x4;
	v2 =	vadd.s32 v22, v41;
	v45 =	vadd.s32 v7, v40;
	v7 =	vld [tilespmem:$0x1FF00]  }
0x1c4: {  	v3 =	vshrl.u32 v3, $0x3;
	v5 =	vmov s15;
	v44 =	vld [tilespmem:s3+$0xFFFFFF80];
	v43 =	vadd.s32 v6, v39  }
0x1c5: {  	v3 =	vshll.u32 v3, v1;
	v5 =	vshrl.u32 v5, $0x3;
	v46 =	vld [tilespmem:s3+$0xFFFFFFC0]  }
0x1c6: {  	s28 =	simm.s32 $0x6;
	v37 =	vbroadcast v3, $0x0;
	v5 =	vshll.u32 v5, v1;
	v47 =	vld [tilespmem:s3+$0x0];
	v0 =	vmul.f32 $8.000000000e+00, v0  }
0x1c7: {  	v34 =	vmov s28;
	v35 =	vbroadcast v5, $0x0;
	v48 =	vld [tilespmem:s3+$0x40];
	v5 =	vmul.f32 $8.000000000e+00, v38  }
0x1c8: {  	v34 =	vshrl.u32 v34, $0x3;
	v4 =	vadd.s32 v4, v37;
	v56 =	vadd.s32 v7, v36;
	v7 =	vld [tilespmem:$0x1FF30];
	[tilespmem:v2+s25+$0x0] =	vst.idx.msk $0xffff, v0  }
0x1c9: {  	s16 =	simm.s32 $0x5;
	v3 =	vshll.u32 v34, v1;
	v50 =	vld [tilespmem:s3+$0x80];
	v42 =	vmul.f32 $8.000000000e+00, v42;
	[tilespmem:v43+s25+$0x0] =	vst.idx.msk $0xffff, v5  }
0x1ca: {  	v33 =	vmov s16;
	v34 =	vbroadcast v3, $0x0;
	v3 =	vld [tilespmem:$0x1FF60]  }
0x1cb: {  	v33 =	vshrl.u32 v33, $0x3;
	v2 =	vmul.f32 $8.000000000e+00, v44;
	v5 =	vld [tilespmem:s3+$0xD0];
	[tilespmem:v45+s25+$0x0] =	vst.idx.msk $0xffff, v42  }
0x1cc: {  	v33 =	vshll.u32 v33, v1;
	v30 =	vld [tilespmem:$0x1FF90]  }
0x1cd: {  	v33 =	vbroadcast v33, $0x0;
	v57 =	vmul.f32 $8.000000000e+00, v46;
	v43 =	vld [tilespmem:s3+$0xFFFFFF10];
	[tilespmem:v4+s25+$0x0] =	vst.idx.msk $0xffff, v2;
	v49 =	vadd.s32 v7, v35  }
0x1ce: {  	v7 =	vld [tilespmem:$0x1FE60]  }
0x1cf: {  	v59 =	vld [tilespmem:s3+$0xFFFFFF50];
	[tilespmem:v56+s25+$0x0] =	vst.idx.msk $0xffff, v57;
	v3 =	vadd.s32 v3, v33  }
0x1d0: {  	v2 =	vmul.f32 $8.000000000e+00, v47;
	v11 =	vld [tilespmem:$0x1FEA0]  }
0x1d1: {  	v52 =	vld [tilespmem:s3+$0xFFFFFF90];
	v58 =	vadd.s32 v30, v34  }
0x1d2: {  	v60 =	vmul.f32 $8.000000000e+00, v48;
	v4 =	vadd.s32 v63, v41;
	v53 =	vld [tilespmem:s3+$0xFFFFFFD0];
	[tilespmem:v49+s25+$0x0] =	vst.idx.msk $0xffff, v2  }
0x1d3: {  	v51 =	vadd.s32 v7, v39;
	v15 =	vld [tilespmem:$0x1FED0]  }
0x1d4: {  	v2 =	vmul.f32 $8.000000000e+00, v50;
	v54 =	vld [tilespmem:s3+$0x10];
	[tilespmem:v3+s25+$0x0] =	vst.idx.msk $0xffff, v60  }
0x1d5: {  	v48 =	vadd.s32 v11, v40;
	v3 =	vmul.f32 $8.000000000e+00, v5;
	v19 =	vld [tilespmem:$0x1FF10]  }
0x1d6: {  	v61 =	vmul.f32 $8.000000000e+00, v43;
	v55 =	vld [tilespmem:s3+$0x50];
	[tilespmem:v58+s25+$0x0] =	vst.idx.msk $0xffff, v2  }
0x1d7: {  	v23 =	vld [tilespmem:$0x1FF40];
	[tilespmem:v4+s25+$0x0] =	vst.idx.msk $0xffff, v3  }
0x1d8: {  	v32 =	vmul.f32 $8.000000000e+00, v59;
	v56 =	vld [tilespmem:s3+$0x90];
	[tilespmem:v51+s25+$0x0] =	vst.idx.msk $0xffff, v61;
	v50 =	vadd.s32 v15, v37  }
0x1d9: {  	v27 =	vld [tilespmem:$0x1FF70]  }
0x1da: {  	v60 =	vld [tilespmem:s3+$0xE0];
	[tilespmem:v48+s25+$0x0] =	vst.idx.msk $0xffff, v32;
	v62 =	vadd.s32 v19, v36  }
0x1db: {  	s15 =	simm.s32 $0xA;
	v3 =	vmul.f32 $8.000000000e+00, v52;
	v31 =	vld [tilespmem:$0x1FFA0]  }
0x1dc: {  	v47 =	vmov s15;
	v51 =	vld [tilespmem:s3+$0xFFFFFF20];
	v46 =	vadd.s32 v23, v35  }
0x1dd: {  	v52 =	vshrl.u32 v47, $0x3;
	v61 =	vmul.f32 $8.000000000e+00, v53;
	v47 =	vld [tilespmem:s3+$0xFFFFFF60];
	[tilespmem:v50+s25+$0x0] =	vst.idx.msk $0xffff, v3  }
0x1de: {  	v4 =	vadd.s32 v27, v33;
	v8 =	vld [tilespmem:$0x1FE70]  }
0x1df: {  	v3 =	vmul.f32 $8.000000000e+00, v54;
	v57 =	vld [tilespmem:s3+$0xFFFFFFA0];
	[tilespmem:v62+s25+$0x0] =	vst.idx.msk $0xffff, v61  }
0x1e0: {  	v48 =	vadd.s32 v31, v34;
	v12 =	vld [tilespmem:$0x1FEB0]  }
0x1e1: {  	v62 =	vmul.f32 $8.000000000e+00, v55;
	v58 =	vld [tilespmem:s3+$0xFFFFFFE0];
	[tilespmem:v46+s25+$0x0] =	vst.idx.msk $0xffff, v3  }
0x1e2: {  	s30 =	simm.s32 $0x8;
	v50 =	vadd.s32 v9, v41;
	v16 =	vld [tilespmem:$0x1FEE0]  }
0x1e3: {  	s16 =	simm.s32 $0xB;
	v0 =	vmov s30;
	v3 =	vmul.f32 $8.000000000e+00, v56;
	v59 =	vld [tilespmem:s3+$0x20];
	[tilespmem:v4+s25+$0x0] =	vst.idx.msk $0xffff, v62;
	v54 =	vadd.s32 v8, v39  }
0x1e4: {  	s30 =	simm.s32 $0xE;
	v0 =	vshrl.u32 v0, $0x3;
	v42 =	vmov s16;
	v20 =	vld [tilespmem:$0x1FE20]  }
0x1e5: {  	v2 =	vmov s30;
	v4 =	vmul.f32 $8.000000000e+00, v60;
	v61 =	vld [tilespmem:s3+$0x60];
	[tilespmem:v48+s25+$0x0] =	vst.idx.msk $0xffff, v3;
	v32 =	vadd.s32 v12, v40  }
0x1e6: {  	v53 =	vshrl.u32 v42, $0x3;
	v42 =	vshrl.u32 v2, $0x3;
	v2 =	vmul.f32 $8.000000000e+00, v51;
	v24 =	vld [tilespmem:$0x1FE30]  }
0x1e7: {  	v0 =	vshll.u32 v0, v1;
	v62 =	vld [tilespmem:s3+$0xA0];
	[tilespmem:v50+s25+$0x0] =	vst.idx.msk $0xffff, v4;
	v46 =	vadd.s32 v16, v37  }
0x1e8: {  	v38 =	vbroadcast v0, $0x0;
	v0 =	vmul.f32 $8.000000000e+00, v47;
	v56 =	vld [tilespmem:s3+$0xF0];
	[tilespmem:v54+s25+$0x0] =	vst.idx.msk $0xffff, v2  }
0x1e9: {  	v28 =	vld [tilespmem:$0x1FE40]  }
0x1ea: {  	v60 =	vadd.s32 v20, v36;
	v2 =	vmul.f32 $8.000000000e+00, v57;
	v50 =	vld [tilespmem:s3+$0xFFFFFF30];
	[tilespmem:v32+s25+$0x0] =	vst.idx.msk $0xffff, v0  }
0x1eb: {  	v32 =	vld [tilespmem:$0x1FFB0]  }
0x1ec: {  	v44 =	vshll.u32 v52, v1;
	v3 =	vadd.s32 v24, v35;
	v52 =	vld [tilespmem:s3+$0xFFFFFF70];
	[tilespmem:v46+s25+$0x0] =	vst.idx.msk $0xffff, v2  }
0x1ed: {  	s28 =	simm.s32 $0xC;
	v0 =	vmul.f32 $8.000000000e+00, v58;
	v26 =	vld [tilespmem:$0x1FFE0]  }
0x1ee: {  	v49 =	vmov s28;
	v10 =	vld [tilespmem:$0x1FE80]  }
0x1ef: {  	v43 =	vshrl.u32 v49, $0x3;
	v2 =	vmul.f32 $8.000000000e+00, v59;
	v49 =	vld [tilespmem:s3+$0xFFFFFFB0];
	[tilespmem:v60+s25+$0x0] =	vst.idx.msk $0xffff, v0  }
0x1f0: {  	s11 =	simm.s32 $0x9;
	v13 =	vld [tilespmem:$0x1FE10]  }
0x1f1: {  	s29 =	simm.s32 $0xD;
	v45 =	vmov s11;
	v54 =	vld [tilespmem:s3+$0xFFFFFFF0];
	[tilespmem:v3+s25+$0x0] =	vst.idx.msk $0xffff, v2  }
0x1f2: {  	v45 =	vshrl.u32 v45, $0x3;
	v5 =	vmov s29;
	v17 =	vld [tilespmem:$0x1FEF0]  }
0x1f3: {  	v5 =	vshrl.u32 v5, $0x3;
	v47 =	vshll.u32 v45, v1;
	v45 =	vshll.u32 v53, v1;
	v21 =	vld [tilespmem:$0x1FF20]  }
0x1f4: {  	v46 =	vshll.u32 v43, v1;
	v43 =	vshll.u32 v5, v1;
	v55 =	vadd.s32 v28, v33;
	v25 =	vld [tilespmem:$0x1FF50]  }
0x1f5: {  	v51 =	vadd.s32 v32, v34;
	v29 =	vld [tilespmem:$0x1FF80];
	v53 =	vadd.s32 v26, v41;
	v48 =	vadd.s32 v10, v39  }
0x1f6: {  	s7 =	simm.s32 $0xF;
	s15 =	simm.s32 $0x10;
	v18 =	vld [tilespmem:$0x1FFC0];
	v39 =	vmul.f32 $8.000000000e+00, v61;
	v41 =	vadd.s32 v13, v40;
	v40 =	vmul.f32 $8.000000000e+00, v62  }
.LBB2_11:
0x1f7: {  	_ =	sdelay $0x1  }
0x1f8: {  	v14 =	vld [tilespmem:$0x1FE90];
	[tilespmem:v55+s25+$0x0] =	vst.idx.msk $0xffff, v39;
	v5 =	vmul.f32 $8.000000000e+00, v50  }
0x1f9: {  	v0 =	vmov s7;
	v2 =	vadd.s32 v17, v37;
	v3 =	vld [tilespmem:s3+$0x30];
	[tilespmem:v51+s25+$0x0] =	vst.idx.msk $0xffff, v40;
	v57 =	vmul.f32 $8.000000000e+00, v52  }
0x1fa: {  	v0 =	vshrl.u32 v0, $0x3;
	v58 =	vld [tilespmem:s3+$0xB0];
	[tilespmem:v48+s25+$0x0] =	vst.idx.msk $0xffff, v5  }
0x1fb: {  	v0 =	vshll.u32 v0, v1;
	v4 =	vmul.f32 $8.000000000e+00, v56;
	v56 =	vld [tilespmem:s3+$0x70];
	s3 =	sadd.s32 $0x200, s3;
	[tilespmem:v41+s25+$0x0] =	vst.idx.msk $0xffff, v57;
	v41 =	vbroadcast v47, $0x0  }
0x1fc: {  	v36 =	vadd.s32 v21, v36;
	v40 =	vbroadcast v0, $0x0;
	v0 =	vmul.f32 $8.000000000e+00, v49;
	v59 =	vld [tilespmem:s3+$0xFFFFFF00]  }
0x1fd: {  	[tilespmem:v53+s25+$0x0] =	vst.idx.msk $0xffff, v4;
	v5 =	vadd.s32 v29, v33;
	v53 =	vadd.s32 v14, v41;
	v14 =	vld [tilespmem:$0x1FEC0]  }
0x1fe: {  	v35 =	vadd.s32 v25, v35;
	v39 =	vmov v38;
	[tilespmem:v2+s25+$0x0] =	vst.idx.msk $0xffff, v0  }
0x1ff: {  	v60 =	vmul.f32 $8.000000000e+00, v54;
	v0 =	vmul.f32 $8.000000000e+00, v3;
	v2 =	vadd.s32 v6, v39;
	v3 =	vld [tilespmem:s3+$0xFFFFFF80]  }
0x200: {  	v34 =	vadd.s32 v18, v34;
	v37 =	vbroadcast v44, $0x0;
	v61 =	vld [tilespmem:s3+$0xFFFFFF40];
	v38 =	vmul.f32 $8.000000000e+00, v56  }
0x201: {  	[tilespmem:v36+s25+$0x0] =	vst.idx.msk $0xffff, v60;
	v4 =	vld [tilespmem:s3+$0xC0]  }
0x202: {  	[tilespmem:v5+s25+$0x0] =	vst.idx.msk $0xffff, v38;
	v5 =	vmul.f32 $8.000000000e+00, v59;
	v54 =	vadd.s32 v14, v37;
	v14 =	vld [tilespmem:$0x1FF00]  }
0x203: {  	v52 =	vadd.s32 v22, v40;
	[tilespmem:v35+s25+$0x0] =	vst.idx.msk $0xffff, v0;
	v0 =	vmul.f32 $8.000000000e+00, v58  }
0x204: {  	[tilespmem:v2+s25+$0x0] =	vst.idx.msk $0xffff, v5;
	v2 =	vmul.f32 $8.000000000e+00, v3;
	v3 =	vld [tilespmem:$0x1FF60]  }
0x205: {  	v36 =	vbroadcast v45, $0x0;
	v48 =	vld [tilespmem:s3+$0xFFFFFFC0];
	[tilespmem:v34+s25+$0x0] =	vst.idx.msk $0xffff, v0;
	v0 =	vmul.f32 $8.000000000e+00, v61  }
0x206: {  	v4 =	vmul.f32 $8.000000000e+00, v4;
	v56 =	vld [tilespmem:s3+$0x40]  }
0x207: {  	v33 =	vbroadcast v43, $0x0;
	[tilespmem:v53+s25+$0x0] =	vst.idx.msk $0xffff, v0;
	v62 =	vadd.s32 v14, v36;
	v14 =	vld [tilespmem:$0x1FF30]  }
0x208: {  	[tilespmem:v52+s25+$0x0] =	vst.idx.msk $0xffff, v4;
	v61 =	vld [tilespmem:s3+$0xFFFFFF50]  }
0x209: {  	v5 =	vld [tilespmem:s3+$0xD0];
	v3 =	vadd.s32 v3, v33  }
0x20a: {  	v35 =	vbroadcast v46, $0x0;
	v46 =	vadd.s32 v11, v41;
	v55 =	vld [tilespmem:s3+$0x0];
	v0 =	vmul.f32 $8.000000000e+00, v48  }
0x20b: {  	v42 =	vshll.u32 v42, v1;
	v45 =	vadd.s32 v63, v40;
	v59 =	vld [tilespmem:s3+$0xFFFFFF10]  }
0x20c: {  	v34 =	vbroadcast v42, $0x0;
	v58 =	vld [tilespmem:s3+$0x80];
	v57 =	vadd.s32 v14, v35;
	[tilespmem:v62+s25+$0x0] =	vst.idx.msk $0xffff, v0;
	v0 =	vmul.f32 $8.000000000e+00, v56  }
0x20d: {  	v51 =	vadd.s32 v7, v39;
	[tilespmem:v54+s25+$0x0] =	vst.idx.msk $0xffff, v2;
	v62 =	vmul.f32 $8.000000000e+00, v61  }
0x20e: {  	v60 =	vadd.s32 v30, v34;
	v52 =	vld [tilespmem:s3+$0xFFFFFF90];
	[tilespmem:v3+s25+$0x0] =	vst.idx.msk $0xffff, v0;
	v0 =	vmul.f32 $8.000000000e+00, v5  }
0x20f: {  	s11 =	sadd.s32 $0x2, s15;
	v2 =	vmul.f32 $8.000000000e+00, v55;
	[tilespmem:v46+s25+$0x0] =	vst.idx.msk $0xffff, v62  }
0x210: {  	v50 =	vmov s11;
	v53 =	vld [tilespmem:s3+$0xFFFFFFD0];
	v5 =	vmul.f32 $8.000000000e+00, v59;
	[tilespmem:v45+s25+$0x0] =	vst.idx.msk $0xffff, v0  }
0x211: {  	v49 =	vadd.s32 v15, v37;
	v4 =	vmov s15;
	v55 =	vld [tilespmem:s3+$0x50];
	[tilespmem:v57+s25+$0x0] =	vst.idx.msk $0xffff, v2;
	v2 =	vmul.f32 $8.000000000e+00, v58  }
0x212: {  	v50 =	vshrl.u32 v50, $0x3;
	v42 =	vadd.s32 v19, v36;
	v4 =	vshrl.u32 v4, $0x3;
	[tilespmem:v51+s25+$0x0] =	vst.idx.msk $0xffff, v5;
	v54 =	vld [tilespmem:s3+$0x10]  }
0x213: {  	s30 =	sadd.s32 $0x1, s15;
	s28 =	sadd.s32 $0x4, s15;
	v0 =	vshll.u32 v4, v1;
	v4 =	vmul.f32 $8.000000000e+00, v52;
	v5 =	vadd.s32 v27, v33;
	v52 =	vld [tilespmem:s3+$0xFFFFFF60];
	[tilespmem:v60+s25+$0x0] =	vst.idx.msk $0xffff, v2  }
0x214: {  	v47 =	vmov s30;
	v43 =	vmov s28;
	v60 =	vadd.s32 v23, v35;
	v61 =	vld [tilespmem:s3+$0x90]  }
0x215: {  	s16 =	sadd.s32 $0x3, s15;
	v44 =	vshll.u32 v50, v1;
	v45 =	vld [tilespmem:s3+$0xE0];
	v58 =	vadd.s32 v12, v41;
	v62 =	vmul.f32 $8.000000000e+00, v53  }
0x216: {  	v38 =	vmov s16;
	v46 =	vadd.s32 v31, v34;
	v51 =	vld [tilespmem:s3+$0xFFFFFF20];
	[tilespmem:v49+s25+$0x0] =	vst.idx.msk $0xffff, v4;
	v55 =	vmul.f32 $8.000000000e+00, v55  }
0x217: {  	v49 =	vadd.s32 v9, v40;
	v53 =	vshrl.u32 v38, $0x3;
	[tilespmem:v42+s25+$0x0] =	vst.idx.msk $0xffff, v62;
	v4 =	vmul.f32 $8.000000000e+00, v54  }
0x218: {  	v38 =	vbroadcast v0, $0x0;
	v57 =	vld [tilespmem:s3+$0xFFFFFFA0];
	v0 =	vmul.f32 $8.000000000e+00, v52;
	[tilespmem:v5+s25+$0x0] =	vst.idx.msk $0xffff, v55;
	v54 =	vadd.s32 v8, v39  }
0x219: {  	s30 =	sadd.s32 $0x6, s15;
	v47 =	vshrl.u32 v47, $0x3;
	v43 =	vshrl.u32 v43, $0x3;
	v59 =	vld [tilespmem:s3+$0xFFFFFFE0];
	[tilespmem:v60+s25+$0x0] =	vst.idx.msk $0xffff, v4;
	v4 =	vmul.f32 $8.000000000e+00, v61  }
0x21a: {  	v48 =	vadd.s32 v16, v37;
	v2 =	vmov s30;
	v5 =	vmul.f32 $8.000000000e+00, v45;
	[tilespmem:v58+s25+$0x0] =	vst.idx.msk $0xffff, v0;
	v60 =	vld [tilespmem:s3+$0x20]  }
0x21b: {  	s29 =	sadd.s32 $0x5, s15;
	v42 =	vshrl.u32 v2, $0x3;
	v2 =	vmul.f32 $8.000000000e+00, v51;
	v62 =	vld [tilespmem:s3+$0x60];
	v61 =	vadd.s32 v20, v36;
	[tilespmem:v46+s25+$0x0] =	vst.idx.msk $0xffff, v4  }
0x21c: {  	p0 =	slt.u32 s15, $0x78;
	v47 =	vshll.u32 v47, v1;
	v14 =	vmovc v63;
	v3 =	vmov s29;
	[tilespmem:v49+s25+$0x0] =	vst.idx.msk $0xffff, v5;
	v4 =	vadd.s32 v24, v35;
	v63 =	vld [tilespmem:s3+$0xA0]  }
.Ltmp4:
0x21d: {  	v3 =	vshrl.u32 v3, $0x3;
	v41 =	vadd.s32 v13, v41;
	v52 =	vld [tilespmem:s3+$0xFFFFFF70];
	[tilespmem:v54+s25+$0x0] =	vst.idx.msk $0xffff, v2;
	v2 =	vmul.f32 $8.000000000e+00, v57;
	(pc) =	sbr.rel @p0 .LBB2_11-.Ltmp4, $4  }
0x21e: {  	v55 =	vadd.s32 v28, v33;
	v51 =	vadd.s32 v32, v34;
	v56 =	vld [tilespmem:s3+$0xF0];
	v0 =	vmul.f32 $8.000000000e+00, v59  }
0x21f: {  	v45 =	vshll.u32 v53, v1;
	v53 =	vadd.s32 v26, v40;
	v50 =	vld [tilespmem:s3+$0xFFFFFF30];
	[tilespmem:v48+s25+$0x0] =	vst.idx.msk $0xffff, v2;
	v2 =	vmul.f32 $8.000000000e+00, v60  }
0x220: {  	v46 =	vshll.u32 v43, v1;
	v43 =	vshll.u32 v3, v1;
	[tilespmem:v61+s25+$0x0] =	vst.idx.msk $0xffff, v0;
	v49 =	vld [tilespmem:s3+$0xFFFFFFB0]  }
0x221: {  	s7 =	sadd.s32 $0x7, s15;
	s15 =	sadd.s32 $0x8, s15;
	v48 =	vadd.s32 v10, v39;
	v39 =	vmul.f32 $8.000000000e+00, v62;
	v54 =	vld [tilespmem:s3+$0xFFFFFFF0];
	[tilespmem:v4+s25+$0x0] =	vst.idx.msk $0xffff, v2;
	v40 =	vmul.f32 $8.000000000e+00, v63;
	v63 =	vmovc v14  }
0x222: {  	_ =	sdelay $0x3  }
0x223: {  	v0 =	vmov s7;
	v2 =	vadd.s32 v17, v37;
	v3 =	vld [tilespmem:s3+$0x30];
	v57 =	vmul.f32 $8.000000000e+00, v52;
	[tilespmem:v55+s25+$0x0] =	vst.idx.msk $0xffff, v39  }
0x224: {  	v36 =	vadd.s32 v21, v36;
	v4 =	vmul.f32 $8.000000000e+00, v56;
	v0 =	vshrl.u32 v0, $0x3;
	[tilespmem:v51+s25+$0x0] =	vst.idx.msk $0xffff, v40;
	v56 =	vld [tilespmem:s3+$0x70]  }
0x225: {  	v35 =	vadd.s32 v25, v35;
	s7 =	sadd.s32 $0x200, s3;
	v5 =	vmul.f32 $8.000000000e+00, v50;
	v0 =	vshll.u32 v0, v1;
	v40 =	vld [tilespmem:s3+$0xB0];
	[tilespmem:v41+s25+$0x0] =	vst.idx.msk $0xffff, v57  }
0x226: {  	v33 =	vadd.s32 v29, v33;
	v58 =	vld [tilespmem:s7+$0xC0];
	[tilespmem:v53+s25+$0x0] =	vst.idx.msk $0xffff, v4;
	v0 =	vbroadcast v0, $0x0;
	v59 =	vmul.f32 $8.000000000e+00, v49  }
0x227: {  	v34 =	vadd.s32 v18, v34;
	v60 =	vld [tilespmem:s7+$0xFFFFFF00];
	[tilespmem:v48+s25+$0x0] =	vst.idx.msk $0xffff, v5;
	v61 =	vmul.f32 $8.000000000e+00, v54  }
0x228: {  	v49 =	vadd.s32 v22, v0;
	[tilespmem:v2+s25+$0x0] =	vst.idx.msk $0xffff, v59;
	v2 =	vmul.f32 $8.000000000e+00, v3  }
0x229: {  	v62 =	vld [tilespmem:s7+$0xFFFFFF40];
	v3 =	vadd.s32 v6, v38;
	[tilespmem:v36+s25+$0x0] =	vst.idx.msk $0xffff, v61;
	v51 =	vmul.f32 $8.000000000e+00, v56  }
0x22a: {  	v52 =	vld [tilespmem:$0x1FE90];
	[tilespmem:v35+s25+$0x0] =	vst.idx.msk $0xffff, v2;
	v2 =	vmul.f32 $8.000000000e+00, v40  }
0x22b: {  	v4 =	vmul.f32 $8.000000000e+00, v58;
	v54 =	vld [tilespmem:$0x1FEC0];
	[tilespmem:v33+s25+$0x0] =	vst.idx.msk $0xffff, v51  }
0x22c: {  	v57 =	vmul.f32 $8.000000000e+00, v60;
	v58 =	vld [tilespmem:$0x1FF00];
	[tilespmem:v34+s25+$0x0] =	vst.idx.msk $0xffff, v2  }
0x22d: {  	v61 =	vld [tilespmem:$0x1FF30];
	[tilespmem:v49+s25+$0x0] =	vst.idx.msk $0xffff, v4  }
0x22e: {  	v47 =	vbroadcast v47, $0x0;
	v5 =	vld [tilespmem:s7+$0xFFFFFF80];
	[tilespmem:v3+s25+$0x0] =	vst.idx.msk $0xffff, v57  }
0x22f: {  	v44 =	vbroadcast v44, $0x0;
	v4 =	vld [tilespmem:$0x1FF60]  }
0x230: {  	v45 =	vbroadcast v45, $0x0;
	v53 =	vld [tilespmem:s7+$0xFFFFFFC0];
	v37 =	vadd.s32 v52, v47  }
0x231: {  	v46 =	vbroadcast v46, $0x0;
	v56 =	vld [tilespmem:s7+$0x0];
	v55 =	vadd.s32 v54, v44  }
0x232: {  	v42 =	vshll.u32 v42, v1;
	v43 =	vbroadcast v43, $0x0;
	v60 =	vld [tilespmem:s7+$0x40];
	v59 =	vadd.s32 v58, v45  }
0x233: {  	v42 =	vbroadcast v42, $0x0;
	v22 =	vld [tilespmem:s7+$0x80];
	v2 =	vmul.f32 $8.000000000e+00, v62;
	v62 =	vadd.s32 v61, v46  }
0x234: {  	v3 =	vmul.f32 $8.000000000e+00, v5;
	v33 =	vld [tilespmem:s7+$0xFFFFFF10];
	v4 =	vadd.s32 v4, v43  }
0x235: {  	v52 =	vld [tilespmem:s7+$0xD0];
	[tilespmem:v37+s25+$0x0] =	vst.idx.msk $0xffff, v2;
	v2 =	vmul.f32 $8.000000000e+00, v53;
	v53 =	vadd.s32 v30, v42  }
0x236: {  	v54 =	vld [tilespmem:s7+$0xFFFFFF50];
	[tilespmem:v55+s25+$0x0] =	vst.idx.msk $0xffff, v3;
	v3 =	vmul.f32 $8.000000000e+00, v56;
	v56 =	vadd.s32 v7, v38  }
0x237: {  	v55 =	vadd.s32 v63, v0;
	v57 =	vld [tilespmem:s7+$0xFFFFFF90];
	[tilespmem:v59+s25+$0x0] =	vst.idx.msk $0xffff, v2;
	v2 =	vmul.f32 $8.000000000e+00, v60  }
0x238: {  	v58 =	vadd.s32 v11, v47;
	v59 =	vld [tilespmem:s7+$0xFFFFFFD0];
	[tilespmem:v62+s25+$0x0] =	vst.idx.msk $0xffff, v3;
	v3 =	vmul.f32 $8.000000000e+00, v22  }
0x239: {  	v60 =	vadd.s32 v15, v44;
	v62 =	vmul.f32 $8.000000000e+00, v33;
	v61 =	vld [tilespmem:s7+$0x10];
	[tilespmem:v4+s25+$0x0] =	vst.idx.msk $0xffff, v2  }
0x23a: {  	v22 =	vadd.s32 v19, v45;
	v2 =	vmul.f32 $8.000000000e+00, v52;
	v30 =	vld [tilespmem:s7+$0x50];
	[tilespmem:v53+s25+$0x0] =	vst.idx.msk $0xffff, v3  }
0x23b: {  	v52 =	vadd.s32 v23, v46;
	v3 =	vmul.f32 $8.000000000e+00, v54;
	[tilespmem:v56+s25+$0x0] =	vst.idx.msk $0xffff, v62;
	v53 =	vld [tilespmem:s7+$0x90]  }
0x23c: {  	v54 =	vadd.s32 v27, v43;
	[tilespmem:v55+s25+$0x0] =	vst.idx.msk $0xffff, v2;
	v2 =	vmul.f32 $8.000000000e+00, v57;
	v40 =	vld [tilespmem:s7+$0xFFFFFF20]  }
0x23d: {  	v55 =	vadd.s32 v31, v42;
	v35 =	vld [tilespmem:s7+$0xE0];
	[tilespmem:v58+s25+$0x0] =	vst.idx.msk $0xffff, v3;
	v3 =	vmul.f32 $8.000000000e+00, v59  }
0x23e: {  	v58 =	vadd.s32 v8, v38;
	v56 =	vld [tilespmem:s7+$0xFFFFFF60];
	[tilespmem:v60+s25+$0x0] =	vst.idx.msk $0xffff, v2;
	v2 =	vmul.f32 $8.000000000e+00, v61  }
0x23f: {  	v57 =	vadd.s32 v9, v0;
	v59 =	vld [tilespmem:s7+$0xFFFFFFA0];
	[tilespmem:v22+s25+$0x0] =	vst.idx.msk $0xffff, v3;
	v3 =	vmul.f32 $8.000000000e+00, v30  }
0x240: {  	v60 =	vadd.s32 v12, v47;
	v61 =	vld [tilespmem:s7+$0xFFFFFFE0];
	[tilespmem:v52+s25+$0x0] =	vst.idx.msk $0xffff, v2;
	v2 =	vmul.f32 $8.000000000e+00, v53  }
0x241: {  	v62 =	vadd.s32 v16, v44;
	v19 =	vmul.f32 $8.000000000e+00, v40;
	v16 =	vld [tilespmem:s7+$0x20];
	[tilespmem:v54+s25+$0x0] =	vst.idx.msk $0xffff, v3  }
0x242: {  	v22 =	vadd.s32 v20, v45;
	v3 =	vmul.f32 $8.000000000e+00, v35;
	v23 =	vld [tilespmem:s7+$0x60];
	[tilespmem:v55+s25+$0x0] =	vst.idx.msk $0xffff, v2  }
0x243: {  	v27 =	vadd.s32 v24, v46;
	v2 =	vmul.f32 $8.000000000e+00, v56;
	[tilespmem:v58+s25+$0x0] =	vst.idx.msk $0xffff, v19;
	v30 =	vld [tilespmem:s7+$0xA0]  }
0x244: {  	v31 =	vadd.s32 v28, v43;
	[tilespmem:v57+s25+$0x0] =	vst.idx.msk $0xffff, v3;
	v3 =	vmul.f32 $8.000000000e+00, v59;
	v41 =	vld [tilespmem:s7+$0xFFFFFF30]  }
0x245: {  	v49 =	vadd.s32 v32, v42;
	v34 =	vld [tilespmem:s7+$0xF0];
	[tilespmem:v60+s25+$0x0] =	vst.idx.msk $0xffff, v2;
	v2 =	vmul.f32 $8.000000000e+00, v61  }
0x246: {  	v51 =	vadd.s32 v10, v38;
	v50 =	vld [tilespmem:s7+$0xFFFFFF70];
	[tilespmem:v62+s25+$0x0] =	vst.idx.msk $0xffff, v3;
	v3 =	vmul.f32 $8.000000000e+00, v16  }
0x247: {  	v0 =	vadd.s32 v26, v0;
	v52 =	vld [tilespmem:s7+$0xFFFFFFB0];
	[tilespmem:v22+s25+$0x0] =	vst.idx.msk $0xffff, v2;
	v2 =	vmul.f32 $8.000000000e+00, v23  }
0x248: {  	v53 =	vadd.s32 v13, v47;
	v54 =	vld [tilespmem:s7+$0xFFFFFFF0];
	[tilespmem:v27+s25+$0x0] =	vst.idx.msk $0xffff, v3;
	v3 =	vmul.f32 $8.000000000e+00, v30  }
0x249: {  	v55 =	vadd.s32 v17, v44;
	v57 =	vmul.f32 $8.000000000e+00, v41;
	v56 =	vld [tilespmem:s7+$0x30];
	[tilespmem:v31+s25+$0x0] =	vst.idx.msk $0xffff, v2  }
0x24a: {  	v58 =	vadd.s32 v21, v45;
	v2 =	vmul.f32 $8.000000000e+00, v34;
	v59 =	vld [tilespmem:s7+$0x70];
	[tilespmem:v49+s25+$0x0] =	vst.idx.msk $0xffff, v3  }
0x24b: {  	v60 =	vadd.s32 v25, v46;
	v3 =	vmul.f32 $8.000000000e+00, v50;
	[tilespmem:v51+s25+$0x0] =	vst.idx.msk $0xffff, v57;
	v61 =	vld [tilespmem:s7+$0xB0]  }
0x24c: {  	[tilespmem:v0+s25+$0x0] =	vst.idx.msk $0xffff, v2;
	v0 =	vmul.f32 $8.000000000e+00, v52;
	v2 =	vadd.s32 v29, v43  }
0x24d: {  	v62 =	vadd.s32 v18, v42;
	[tilespmem:v53+s25+$0x0] =	vst.idx.msk $0xffff, v3;
	v3 =	vmul.f32 $8.000000000e+00, v54  }
0x24e: {  	[tilespmem:v55+s25+$0x0] =	vst.idx.msk $0xffff, v0;
	v0 =	vmul.f32 $8.000000000e+00, v56  }
0x24f: {  	s0 =	sshll.u32 s0, $0x13;
	[tilespmem:v58+s25+$0x0] =	vst.idx.msk $0xffff, v3;
	v3 =	vmul.f32 $8.000000000e+00, v59  }
0x250: {  	s0 =	sor.u32 s9, s0;
	[tilespmem:v60+s25+$0x0] =	vst.idx.msk $0xffff, v0;
	v0 =	vmul.f32 $8.000000000e+00, v61  }
0x251: {  	s0 =	sshrl.u32 s0, $0x3;
	[tilespmem:v2+s25+$0x0] =	vst.idx.msk $0xffff, v3  }
0x252: {  	s11 =	simm.s32 $0xC600;
	s3 =	simm.s32 $0x0;
	s15 =	sadd.s32 s1, s0;
	[tilespmem:v62+s25+$0x0] =	vst.idx.msk $0xffff, v0  }
0x253: {  	[hbm4b:s15+s3] =	stream.linear.scatter [tilespmem:s11], [sflag:$0x4], $0x80, $0x38;
	[tilespmem:$0x10A00] =	vst v63  }
0x254: {  	s16 =	simm.s32 $0xC688;
	s11 =	sadd.s32 $0x10, s15  }
0x255: {  	[hbm4b:s11+s3] =	stream.linear.scatter [tilespmem:s16], [sflag:$0x4], $0x80, $0x38;
	[tilespmem:$0x10A00] =	vst v63  }
0x256: {  	s29 =	simm.s32 $0xC710;
	s30 =	sadd.s32 $0x20, s15;
	s28 =	sadd.s32 $0x70, s15  }
0x257: {  	[hbm4b:s30+s3] =	stream.linear.scatter [tilespmem:s29], [sflag:$0x4], $0x80, $0x38;
	[tilespmem:$0x10A00] =	vst v63  }
0x258: {  	s7 =	simm.s32 $0x440;
	s11 =	simm.s32 $0xC798;
	s16 =	sadd.s32 $0x30, s15  }
0x259: {  	[hbm4b:s16+s3] =	stream.linear.scatter [tilespmem:s11], [sflag:$0x4], $0x80, $0x38;
	[tilespmem:$0x10A00] =	vst v63  }
0x25a: {  	s29 =	simm.s32 $0xC820;
	s30 =	sadd.s32 $0x40, s15;
	s11 =	simm.s32 $0xC8A8  }
0x25b: {  	[hbm4b:s30+s3] =	stream.linear.scatter [tilespmem:s29], [sflag:$0x4], $0x80, $0x38;
	[tilespmem:$0x10A00] =	vst v63  }
0x25c: {  	s16 =	sadd.s32 $0x50, s15;
	s29 =	simm.s32 $0xC930;
	s30 =	sadd.s32 $0x60, s15  }
0x25d: {  	[hbm4b:s16+s3] =	stream.linear.scatter [tilespmem:s11], [sflag:$0x4], $0x80, $0x38;
	[tilespmem:$0x10A00] =	vst v63  }
0x25e: {  	s15 =	sadd.s32 $0x1000, s15;
	s11 =	simm.s32 $0x2200;
	s16 =	simm.s32 $0xC9B8  }
0x25f: {  	[hbm4b:s30+s3] =	stream.linear.scatter [tilespmem:s29], [sflag:$0x4], $0x80, $0x38;
	[tilespmem:$0x10A00] =	vst v63  }
.LBB2_13:
0x260: {  	[hbm4b:s28+s3] =	stream.linear.scatter [tilespmem:s16], [sflag:$0x4], $0x80, $0x38;
	[tilespmem:$0x10A00] =	vst v63  }
0x261: {  	s16 =	smov.u32 s7;
	s7 =	smov.u32 s11  }
0x262: {  	s29 =	sadd.s32 $0x1100, s11;
	s7 =	sshra.s32 s7, $0x2;
	s28 =	sadd.s32 $0xC600, s16  }
0x263: {  	[hbm4b:s15+s3] =	stream.linear.scatter [tilespmem:s28], [sflag:$0x4], $0x80, $0x38;
	[tilespmem:$0x10A00] =	vst v63  }
0x264: {  	p0 =	sne.s32 s11, $0x7700;
	s11 =	sadd.s32 $0xC688, s16;
	s28 =	sadd.s32 $0x10, s15  }
0x265: {  	[hbm4b:s28+s3] =	stream.linear.scatter [tilespmem:s11], [sflag:$0x4], $0x80, $0x38;
	[tilespmem:$0x10A00] =	vst v63  }
0x266: {  	s11 =	sadd.s32 $0xC710, s16;
	s28 =	sadd.s32 $0x20, s15  }
0x267: {  	[hbm4b:s28+s3] =	stream.linear.scatter [tilespmem:s11], [sflag:$0x4], $0x80, $0x38;
	[tilespmem:$0x10A00] =	vst v63  }
0x268: {  	s11 =	sadd.s32 $0xC798, s16;
	s28 =	sadd.s32 $0x30, s15  }
0x269: {  	[hbm4b:s28+s3] =	stream.linear.scatter [tilespmem:s11], [sflag:$0x4], $0x80, $0x38;
	[tilespmem:$0x10A00] =	vst v63  }
0x26a: {  	s11 =	sadd.s32 $0xC820, s16;
	s28 =	sadd.s32 $0x40, s15  }
0x26b: {  	[hbm4b:s28+s3] =	stream.linear.scatter [tilespmem:s11], [sflag:$0x4], $0x80, $0x38;
	[tilespmem:$0x10A00] =	vst v63  }
.Ltmp5:
0x26c: {  	s11 =	sadd.s32 $0xC8A8, s16;
	s28 =	sadd.s32 $0x50, s15;
	(pc) =	sbr.rel @p0 .LBB2_13-.Ltmp5, $4  }
0x26d: {  	[hbm4b:s28+s3] =	stream.linear.scatter [tilespmem:s11], [sflag:$0x4], $0x80, $0x38;
	[tilespmem:$0x10A00] =	vst v63  }
0x26e: {  	s11 =	sadd.s32 $0xC930, s16;
	s28 =	sadd.s32 $0x60, s15;
	s16 =	sadd.s32 $0xC9B8, s16  }
0x26f: {  	[hbm4b:s28+s3] =	stream.linear.scatter [tilespmem:s11], [sflag:$0x4], $0x80, $0x38;
	[tilespmem:$0x10A00] =	vst v63  }
0x270: {  	s28 =	sadd.s32 $0x70, s15;
	s15 =	sadd.s32 $0x1000, s15;
	s11 =	smov.u32 s29  }
0x271: {  	[hbm4b:s28+s3] =	stream.linear.scatter [tilespmem:s16], [sflag:$0x4], $0x80, $0x38;
	[tilespmem:$0x10A00] =	vst v63  }
0x272: {  	s11 =	sadd.s32 $0xC600, s7  }
0x273: {  	[hbm4b:s15+s3] =	stream.linear.scatter [tilespmem:s11], [sflag:$0x4], $0x80, $0x38;
	[tilespmem:$0x10A00] =	vst v63  }
0x274: {  	s29 =	sadd.s32 $0xC688, s7;
	s30 =	sadd.s32 $0x10, s15  }
0x275: {  	[hbm4b:s30+s3] =	stream.linear.scatter [tilespmem:s29], [sflag:$0x4], $0x80, $0x38;
	[tilespmem:$0x10A00] =	vst v63  }
0x276: {  	s16 =	sadd.s32 $0xC710, s7;
	s28 =	sadd.s32 $0x20, s15  }
0x277: {  	[hbm4b:s28+s3] =	stream.linear.scatter [tilespmem:s16], [sflag:$0x4], $0x80, $0x38;
	[tilespmem:$0x10A00] =	vst v63  }
0x278: {  	s29 =	sadd.s32 $0xC798, s7;
	s30 =	sadd.s32 $0x30, s15  }
0x279: {  	[hbm4b:s30+s3] =	stream.linear.scatter [tilespmem:s29], [sflag:$0x4], $0x80, $0x38;
	[tilespmem:$0x10A00] =	vst v63  }
0x27a: {  	s16 =	sadd.s32 $0xC820, s7;
	s28 =	sadd.s32 $0x40, s15  }
0x27b: {  	[hbm4b:s28+s3] =	stream.linear.scatter [tilespmem:s16], [sflag:$0x4], $0x80, $0x38;
	[tilespmem:$0x10A00] =	vst v63  }
0x27c: {  	s29 =	sadd.s32 $0xC8A8, s7;
	s30 =	sadd.s32 $0x50, s15  }
0x27d: {  	v3 =	vmov s3;
	[hbm4b:s30+s3] =	stream.linear.scatter [tilespmem:s29], [sflag:$0x4], $0x80, $0x38;
	[tilespmem:$0x10A00] =	vst v63  }
0x27e: {  	v27 =	vld [tilespmem:$0x1FE50];
	v3 =	vshrl.u32 v3, $0x3;
	s16 =	sadd.s32 $0xC930, s7;
	s28 =	sadd.s32 $0x60, s15;
	s29 =	simm.s32 $0x1  }
0x27f: {  	v3 =	vshll.u32 v3, v1;
	[hbm4b:s28+s3] =	stream.linear.scatter [tilespmem:s16], [sflag:$0x4], $0x80, $0x38;
	[tilespmem:$0x10A00] =	vst v63  }
0x280: {  	v39 =	vbroadcast v3, $0x0;
	v0 =	vmov s29;
	s29 =	simm.s32 $0x5;
	s16 =	simm.s32 $0x3;
	s28 =	simm.s32 $0x4  }
0x281: {  	v24 =	vld [tilespmem:$0x1FFD0];
	v33 =	vmov s29;
	s29 =	sadd.s32 $0x70, s15;
	v4 =	vmov s16;
	v5 =	vmov s28;
	s16 =	simm.s32 $0x7;
	s28 =	sadd.s32 $0xC9B8, s7  }
0x282: {  	v31 =	vld [tilespmem:$0x1FE90];
	[hbm4b:s29+s3] =	stream.linear.scatter [tilespmem:s28], [sflag:$0x4], $0x80, $0x38  }
0x283: {  	v6 =	vld [tilespmem:$0x1FF00];
	v43 =	vadd.s32 v27, v39;
	s30 =	simm.s32 $0x2;
	v35 =	vmov s16;
	v4 =	vshrl.u32 v4, $0x3;
	s3 =	simm.s32 $0x63F0  }
0x284: {  	v2 =	vmov s30;
	v35 =	vshrl.u32 v35, $0x3;
	v4 =	vshll.u32 v4, v1;
	v38 =	vld [tilespmem:s3+$0xFFFFFE10]  }
0x285: {  	v0 =	vshrl.u32 v0, $0x3;
	v35 =	vshll.u32 v35, v1;
	v36 =	vbroadcast v4, $0x0;
	v4 =	vld [tilespmem:$0x1FEC0]  }
0x286: {  	v2 =	vshrl.u32 v2, $0x3;
	v0 =	vshll.u32 v0, v1;
	v3 =	vld [tilespmem:s3+$0xFFFFFFD0];
	v41 =	vbroadcast v35, $0x0  }
0x287: {  	v2 =	vshll.u32 v2, v1;
	v5 =	vshrl.u32 v5, $0x3;
	v40 =	vbroadcast v0, $0x0;
	v42 =	vld [tilespmem:s3+$0xFFFFFE50]  }
0x288: {  	s30 =	simm.s32 $0x6;
	v37 =	vbroadcast v2, $0x0;
	v5 =	vshll.u32 v5, v1;
	v44 =	vld [tilespmem:s3+$0xFFFFFE90];
	v0 =	vadd.s32 v24, v41  }
0x289: {  	v34 =	vmov s30;
	v45 =	vadd.s32 v31, v40;
	v35 =	vbroadcast v5, $0x0  }
0x28a: {  	v56 =	vadd.s32 v6, v36;
	v6 =	vld [tilespmem:$0x1FF30];
	v5 =	vmul.f32 $8.000000000e+00, v38;
	v4 =	vadd.s32 v4, v37  }
0x28b: {  	v34 =	vshrl.u32 v34, $0x3;
	v3 =	vmul.f32 $8.000000000e+00, v3  }
0x28c: {  	v2 =	vshll.u32 v34, v1;
	v42 =	vmul.f32 $8.000000000e+00, v42;
	[tilespmem:v43+s26+$0x0] =	vst.idx.msk $0xffff, v5  }
0x28d: {  	v46 =	vld [tilespmem:s3+$0xFFFFFED0];
	v34 =	vbroadcast v2, $0x0;
	v2 =	vmul.f32 $8.000000000e+00, v44;
	[tilespmem:v0+s26+$0x0] =	vst.idx.msk $0xffff, v3  }
0x28e: {  	v3 =	vld [tilespmem:$0x1FF60];
	[tilespmem:v45+s26+$0x0] =	vst.idx.msk $0xffff, v42  }
0x28f: {  	v49 =	vadd.s32 v6, v35;
	v6 =	vld [tilespmem:$0x1FF90];
	[tilespmem:v4+s26+$0x0] =	vst.idx.msk $0xffff, v2  }
0x290: {  	v7 =	vld [tilespmem:$0x1FE60];
	_ =	sdelay $0x1  }
0x291: {  	v47 =	vld [tilespmem:s3+$0xFFFFFF10];
	v57 =	vmul.f32 $8.000000000e+00, v46;
	_ =	sdelay $0x1  }
0x292: {  	v48 =	vld [tilespmem:s3+$0xFFFFFF50];
	[tilespmem:v56+s26+$0x0] =	vst.idx.msk $0xffff, v57  }
0x293: {  	v33 =	vshrl.u32 v33, $0x3;
	v58 =	vadd.s32 v6, v34;
	v6 =	vmovc v7;
	v51 =	vadd.s32 v7, v39;
	v7 =	vld [tilespmem:$0x1FEA0]  }
0x294: {  	v33 =	vshll.u32 v33, v1  }
0x295: {  	v33 =	vbroadcast v33, $0x0;
	v2 =	vmul.f32 $8.000000000e+00, v47  }
0x296: {  	v50 =	vld [tilespmem:s3+$0xFFFFFF90]  }
0x297: {  	v3 =	vadd.s32 v3, v33;
	[tilespmem:v49+s26+$0x0] =	vst.idx.msk $0xffff, v2  }
0x298: {  	v60 =	vmul.f32 $8.000000000e+00, v48;
	v10 =	vmov v7;
	v48 =	vadd.s32 v7, v40;
	v7 =	vld [tilespmem:$0x1FED0]  }
0x299: {  	v5 =	vld [tilespmem:s3+$0xFFFFFFE0]  }
0x29a: {  	v43 =	vld [tilespmem:s3+$0xFFFFFE20]  }
0x29b: {  	v59 =	vld [tilespmem:s3+$0xFFFFFE60];
	v4 =	vadd.s32 v63, v41;
	v2 =	vmul.f32 $8.000000000e+00, v50  }
0x29c: {  	[tilespmem:v3+s26+$0x0] =	vst.idx.msk $0xffff, v60  }
0x29d: {  	v20 =	vmov v7;
	v50 =	vadd.s32 v7, v37;
	v7 =	vld [tilespmem:$0x1FF10];
	[tilespmem:v58+s26+$0x0] =	vst.idx.msk $0xffff, v2  }
0x29e: {  	v3 =	vmul.f32 $8.000000000e+00, v5;
	v12 =	vld [tilespmem:$0x1FF40]  }
0x29f: {  	v61 =	vmul.f32 $8.000000000e+00, v43  }
0x2a0: {  	v52 =	vld [tilespmem:s3+$0xFFFFFEA0];
	v32 =	vmul.f32 $8.000000000e+00, v59;
	[tilespmem:v4+s26+$0x0] =	vst.idx.msk $0xffff, v3  }
0x2a1: {  	[tilespmem:v51+s26+$0x0] =	vst.idx.msk $0xffff, v61  }
0x2a2: {  	v4 =	vld [tilespmem:$0x1FF70];
	[tilespmem:v48+s26+$0x0] =	vst.idx.msk $0xffff, v32  }
0x2a3: {  	v8 =	vmovc v7;
	v62 =	vadd.s32 v7, v36;
	v7 =	vmov v12;
	v46 =	vadd.s32 v12, v35;
	v12 =	vld [tilespmem:$0x1FFA0]  }
0x2a4: {  	v53 =	vld [tilespmem:s3+$0xFFFFFEE0]  }
0x2a5: {  	v54 =	vld [tilespmem:s3+$0xFFFFFF20];
	v3 =	vmul.f32 $8.000000000e+00, v52  }
0x2a6: {  	v55 =	vld [tilespmem:s3+$0xFFFFFF60]  }
0x2a7: {  	v56 =	vld [tilespmem:s3+$0xFFFFFFA0];
	[tilespmem:v50+s26+$0x0] =	vst.idx.msk $0xffff, v3  }
0x2a8: {  	v28 =	vmov v12;
	v48 =	vadd.s32 v12, v34;
	v12 =	vld [tilespmem:$0x1FE70]  }
0x2a9: {  	s15 =	simm.s32 $0xA;
	v60 =	vld [tilespmem:s3+$0xFFFFFFF0]  }
0x2aa: {  	v47 =	vmov s15;
	v61 =	vmul.f32 $8.000000000e+00, v53;
	v51 =	vld [tilespmem:s3+$0xFFFFFE30];
	v13 =	vmovc v4;
	v4 =	vadd.s32 v4, v33  }
0x2ab: {  	v52 =	vshrl.u32 v47, $0x3;
	v47 =	vld [tilespmem:s3+$0xFFFFFE70]  }
0x2ac: {  	v3 =	vmul.f32 $8.000000000e+00, v54;
	v50 =	vadd.s32 v9, v41;
	v57 =	vld [tilespmem:s3+$0xFFFFFEB0];
	[tilespmem:v62+s26+$0x0] =	vst.idx.msk $0xffff, v61  }
0x2ad: {  	s30 =	simm.s32 $0x8;
	v62 =	vmul.f32 $8.000000000e+00, v55;
	v17 =	vmov v12;
	v54 =	vadd.s32 v12, v39;
	v12 =	vld [tilespmem:$0x1FEB0]  }
0x2ae: {  	s16 =	simm.s32 $0xB;
	v0 =	vmov s30;
	s30 =	simm.s32 $0xE;
	v58 =	vld [tilespmem:s3+$0xFFFFFEF0];
	[tilespmem:v46+s26+$0x0] =	vst.idx.msk $0xffff, v3;
	v3 =	vmul.f32 $8.000000000e+00, v56  }
0x2af: {  	v42 =	vmov s16;
	v2 =	vmov s30;
	v16 =	vld [tilespmem:$0x1FEE0];
	[tilespmem:v4+s26+$0x0] =	vst.idx.msk $0xffff, v62;
	v4 =	vmul.f32 $8.000000000e+00, v60  }
0x2b0: {  	v53 =	vshrl.u32 v42, $0x3;
	v42 =	vshrl.u32 v2, $0x3;
	v2 =	vmul.f32 $8.000000000e+00, v51;
	v15 =	vld [tilespmem:$0x1FE20];
	[tilespmem:v48+s26+$0x0] =	vst.idx.msk $0xffff, v3  }
0x2b1: {  	v3 =	vld [tilespmem:$0x1FE30];
	[tilespmem:v50+s26+$0x0] =	vst.idx.msk $0xffff, v4  }
0x2b2: {  	v59 =	vld [tilespmem:s3+$0xFFFFFF30];
	v32 =	vadd.s32 v12, v40;
	[tilespmem:v54+s26+$0x0] =	vst.idx.msk $0xffff, v2  }
0x2b3: {  	v0 =	vshrl.u32 v0, $0x3;
	v4 =	vld [tilespmem:$0x1FE40]  }
0x2b4: {  	v0 =	vshll.u32 v0, v1;
	v61 =	vld [tilespmem:s3+$0xFFFFFF70];
	v46 =	vadd.s32 v16, v37  }
0x2b5: {  	v38 =	vbroadcast v0, $0x0;
	v0 =	vmul.f32 $8.000000000e+00, v47;
	v62 =	vld [tilespmem:s3+$0xFFFFFFB0]  }
0x2b6: {  	v56 =	vld [tilespmem:s3+$0x0]  }
0x2b7: {  	v2 =	vmul.f32 $8.000000000e+00, v57;
	v50 =	vld [tilespmem:s3+$0xFFFFFE40];
	v60 =	vadd.s32 v15, v36;
	[tilespmem:v32+s26+$0x0] =	vst.idx.msk $0xffff, v0  }
0x2b8: {  	v26 =	vmov v4;
	v55 =	vadd.s32 v4, v33;
	v4 =	vld [tilespmem:$0x1FFB0]  }
0x2b9: {  	v44 =	vshll.u32 v52, v1;
	v22 =	vmov v3;
	v3 =	vadd.s32 v3, v35;
	v52 =	vld [tilespmem:s3+$0xFFFFFE80];
	[tilespmem:v46+s26+$0x0] =	vst.idx.msk $0xffff, v2  }
0x2ba: {  	s28 =	simm.s32 $0xC;
	v0 =	vmul.f32 $8.000000000e+00, v58;
	v23 =	vld [tilespmem:$0x1FFE0]  }
0x2bb: {  	v49 =	vmov s28;
	v18 =	vmov v15;
	v15 =	vld [tilespmem:$0x1FE80]  }
0x2bc: {  	v43 =	vshrl.u32 v49, $0x3;
	v2 =	vmul.f32 $8.000000000e+00, v59;
	v49 =	vld [tilespmem:s3+$0xFFFFFEC0];
	[tilespmem:v60+s26+$0x0] =	vst.idx.msk $0xffff, v0  }
0x2bd: {  	s11 =	simm.s32 $0x9;
	v0 =	vld [tilespmem:$0x1FE10]  }
0x2be: {  	s29 =	simm.s32 $0xD;
	v45 =	vmov s11;
	v54 =	vld [tilespmem:s3+$0xFFFFFF00];
	[tilespmem:v3+s26+$0x0] =	vst.idx.msk $0xffff, v2  }
0x2bf: {  	v45 =	vshrl.u32 v45, $0x3;
	v5 =	vmov s29;
	v11 =	vld [tilespmem:$0x1FEF0]  }
0x2c0: {  	v5 =	vshrl.u32 v5, $0x3;
	v47 =	vshll.u32 v45, v1;
	v21 =	vld [tilespmem:$0x1FF20]  }
0x2c1: {  	v45 =	vshll.u32 v53, v1;
	v46 =	vshll.u32 v43, v1;
	v25 =	vld [tilespmem:$0x1FF50];
	v51 =	vadd.s32 v4, v34  }
0x2c2: {  	v43 =	vshll.u32 v5, v1;
	v29 =	vld [tilespmem:$0x1FF80];
	v53 =	vadd.s32 v23, v41;
	v48 =	vadd.s32 v15, v39  }
0x2c3: {  	s7 =	simm.s32 $0xF;
	s15 =	simm.s32 $0x10;
	v32 =	vld [tilespmem:$0x1FFC0];
	v30 =	vmovc v4;
	v39 =	vmul.f32 $8.000000000e+00, v61;
	v19 =	vmovc v0;
	v41 =	vadd.s32 v0, v40;
	v40 =	vmul.f32 $8.000000000e+00, v62  }
.LBB2_15:
0x2c4: {  	v0 =	vmov s7  }
0x2c5: {  	v2 =	vadd.s32 v11, v37;
	v3 =	vld [tilespmem:s3+$0xFFFFFF40];
	[tilespmem:v55+s26+$0x0] =	vst.idx.msk $0xffff, v39;
	v0 =	vshrl.u32 v0, $0x3  }
0x2c6: {  	[tilespmem:v51+s26+$0x0] =	vst.idx.msk $0xffff, v40;
	v55 =	vld [tilespmem:s3+$0xFFFFFF80];
	v0 =	vshll.u32 v0, v1;
	v5 =	vmul.f32 $8.000000000e+00, v50  }
0x2c7: {  	v36 =	vadd.s32 v21, v36;
	v57 =	vld [tilespmem:s3+$0xFFFFFFC0];
	v40 =	vbroadcast v0, $0x0;
	v4 =	vmul.f32 $8.000000000e+00, v56  }
0x2c8: {  	s3 =	sadd.s32 $0x200, s3;
	v56 =	vmul.f32 $8.000000000e+00, v52;
	v0 =	vmul.f32 $8.000000000e+00, v49;
	v52 =	vld [tilespmem:$0x1FEC0];
	[tilespmem:v48+s26+$0x0] =	vst.idx.msk $0xffff, v5  }
0x2c9: {  	[tilespmem:v53+s26+$0x0] =	vst.idx.msk $0xffff, v4;
	v5 =	vadd.s32 v29, v33;
	v58 =	vld [tilespmem:s3+$0xFFFFFE10]  }
0x2ca: {  	v35 =	vadd.s32 v25, v35;
	v39 =	vmov v38;
	v59 =	vmul.f32 $8.000000000e+00, v54;
	[tilespmem:v2+s26+$0x0] =	vst.idx.msk $0xffff, v0;
	v4 =	vld [tilespmem:s3+$0xFFFFFFD0]  }
0x2cb: {  	[tilespmem:v41+s26+$0x0] =	vst.idx.msk $0xffff, v56;
	v0 =	vmul.f32 $8.000000000e+00, v3;
	v2 =	vadd.s32 v27, v39;
	v3 =	vld [tilespmem:s3+$0xFFFFFE90]  }
0x2cc: {  	v61 =	vadd.s32 v24, v40;
	[tilespmem:v36+s26+$0x0] =	vst.idx.msk $0xffff, v59;
	v60 =	vld [tilespmem:s3+$0xFFFFFE50];
	v38 =	vmul.f32 $8.000000000e+00, v55  }
0x2cd: {  	v48 =	vld [tilespmem:s3+$0xFFFFFED0]  }
0x2ce: {  	v34 =	vadd.s32 v32, v34;
	v41 =	vbroadcast v47, $0x0;
	v55 =	vld [tilespmem:$0x1FF00];
	[tilespmem:v5+s26+$0x0] =	vst.idx.msk $0xffff, v38;
	v5 =	vmul.f32 $8.000000000e+00, v58  }
0x2cf: {  	[tilespmem:v35+s26+$0x0] =	vst.idx.msk $0xffff, v0;
	v0 =	vmul.f32 $8.000000000e+00, v57;
	v57 =	vld [tilespmem:$0x1FF30];
	v4 =	vmul.f32 $8.000000000e+00, v4  }
0x2d0: {  	v37 =	vbroadcast v44, $0x0;
	[tilespmem:v2+s26+$0x0] =	vst.idx.msk $0xffff, v5;
	v2 =	vmul.f32 $8.000000000e+00, v3;
	v3 =	vld [tilespmem:$0x1FF60]  }
0x2d1: {  	v36 =	vbroadcast v45, $0x0;
	v62 =	vadd.s32 v31, v41;
	[tilespmem:v61+s26+$0x0] =	vst.idx.msk $0xffff, v4;
	v61 =	vld [tilespmem:$0x1FF90]  }
0x2d2: {  	v35 =	vbroadcast v46, $0x0;
	v53 =	vadd.s32 v52, v37;
	v54 =	vld [tilespmem:s3+$0xFFFFFF10]  }
0x2d3: {  	v42 =	vshll.u32 v42, v1;
	v33 =	vbroadcast v43, $0x0;
	[tilespmem:v34+s26+$0x0] =	vst.idx.msk $0xffff, v0;
	v38 =	vadd.s32 v55, v36;
	v56 =	vld [tilespmem:s3+$0xFFFFFF50]  }
0x2d4: {  	s11 =	sadd.s32 $0x2, s15;
	v34 =	vbroadcast v42, $0x0;
	v59 =	vld [tilespmem:s3+$0xFFFFFF90];
	v0 =	vmul.f32 $8.000000000e+00, v60;
	v58 =	vadd.s32 v57, v35  }
0x2d5: {  	v51 =	vadd.s32 v6, v39;
	v50 =	vmov s11;
	v5 =	vld [tilespmem:s3+$0xFFFFFFE0];
	v3 =	vadd.s32 v3, v33  }
0x2d6: {  	v49 =	vadd.s32 v20, v37;
	[tilespmem:v62+s26+$0x0] =	vst.idx.msk $0xffff, v0;
	v0 =	vmul.f32 $8.000000000e+00, v48;
	v60 =	vld [tilespmem:s3+$0xFFFFFE20];
	v44 =	vadd.s32 v61, v34  }
0x2d7: {  	s30 =	sadd.s32 $0x1, s15;
	s28 =	sadd.s32 $0x4, s15;
	v50 =	vshrl.u32 v50, $0x3;
	v45 =	vadd.s32 v63, v40;
	v62 =	vld [tilespmem:s3+$0xFFFFFE60];
	[tilespmem:v53+s26+$0x0] =	vst.idx.msk $0xffff, v2;
	v2 =	vmul.f32 $8.000000000e+00, v54  }
0x2d8: {  	v47 =	vmov s30;
	v43 =	vmov s28;
	v52 =	vld [tilespmem:s3+$0xFFFFFEA0];
	[tilespmem:v38+s26+$0x0] =	vst.idx.msk $0xffff, v0;
	v0 =	vmul.f32 $8.000000000e+00, v56  }
0x2d9: {  	v47 =	vshrl.u32 v47, $0x3;
	v46 =	vadd.s32 v10, v41;
	v63 =	vld [tilespmem:s3+$0xFFFFFEE0];
	[tilespmem:v58+s26+$0x0] =	vst.idx.msk $0xffff, v2;
	v2 =	vmul.f32 $8.000000000e+00, v59  }
0x2da: {  	v43 =	vshrl.u32 v43, $0x3;
	v47 =	vshll.u32 v47, v1;
	v54 =	vld [tilespmem:s3+$0xFFFFFF20];
	[tilespmem:v3+s26+$0x0] =	vst.idx.msk $0xffff, v0;
	v0 =	vmul.f32 $8.000000000e+00, v5  }
0x2db: {  	v42 =	vadd.s32 v8, v36;
	v4 =	vmov s15;
	v5 =	vmul.f32 $8.000000000e+00, v60;
	[tilespmem:v44+s26+$0x0] =	vst.idx.msk $0xffff, v2;
	v55 =	vld [tilespmem:s3+$0xFFFFFF60]  }
0x2dc: {  	v4 =	vshrl.u32 v4, $0x3;
	v61 =	vadd.s32 v7, v35;
	v60 =	vmul.f32 $8.000000000e+00, v62;
	v62 =	vld [tilespmem:s3+$0xFFFFFFA0];
	[tilespmem:v45+s26+$0x0] =	vst.idx.msk $0xffff, v0  }
0x2dd: {  	v0 =	vshll.u32 v4, v1;
	[tilespmem:v51+s26+$0x0] =	vst.idx.msk $0xffff, v5;
	v4 =	vmul.f32 $8.000000000e+00, v52;
	v5 =	vadd.s32 v13, v33;
	v45 =	vld [tilespmem:s3+$0xFFFFFFF0]  }
0x2de: {  	s16 =	sadd.s32 $0x3, s15;
	v48 =	vadd.s32 v16, v37;
	v63 =	vmul.f32 $8.000000000e+00, v63;
	[tilespmem:v46+s26+$0x0] =	vst.idx.msk $0xffff, v60;
	v46 =	vadd.s32 v28, v34;
	v51 =	vld [tilespmem:s3+$0xFFFFFE30]  }
0x2df: {  	v38 =	vmov s16;
	v52 =	vld [tilespmem:s3+$0xFFFFFE70];
	[tilespmem:v49+s26+$0x0] =	vst.idx.msk $0xffff, v4;
	v4 =	vmul.f32 $8.000000000e+00, v54;
	v49 =	vadd.s32 v9, v40  }
0x2e0: {  	v53 =	vshrl.u32 v38, $0x3;
	[tilespmem:v42+s26+$0x0] =	vst.idx.msk $0xffff, v63;
	v54 =	vadd.s32 v17, v39;
	v57 =	vld [tilespmem:s3+$0xFFFFFEB0];
	v55 =	vmul.f32 $8.000000000e+00, v55  }
0x2e1: {  	s29 =	sadd.s32 $0x5, s15;
	s30 =	sadd.s32 $0x6, s15;
	v58 =	vadd.s32 v12, v41;
	v41 =	vadd.s32 v19, v41;
	v59 =	vld [tilespmem:s3+$0xFFFFFEF0];
	[tilespmem:v61+s26+$0x0] =	vst.idx.msk $0xffff, v4;
	v4 =	vmul.f32 $8.000000000e+00, v62  }
0x2e2: {  	v3 =	vmov s29;
	v2 =	vmov s30;
	v60 =	vld [tilespmem:s3+$0xFFFFFF30];
	[tilespmem:v5+s26+$0x0] =	vst.idx.msk $0xffff, v55;
	v5 =	vmul.f32 $8.000000000e+00, v45  }
0x2e3: {  	v42 =	vshrl.u32 v2, $0x3;
	v61 =	vadd.s32 v18, v36;
	v2 =	vmul.f32 $8.000000000e+00, v51;
	[tilespmem:v46+s26+$0x0] =	vst.idx.msk $0xffff, v4;
	v62 =	vld [tilespmem:s3+$0xFFFFFF70]  }
0x2e4: {  	p0 =	slt.u32 s15, $0x78;
	v38 =	vbroadcast v0, $0x0;
	v0 =	vmul.f32 $8.000000000e+00, v52;
	v4 =	vadd.s32 v22, v35;
	v63 =	vld [tilespmem:s3+$0xFFFFFFB0];
	[tilespmem:v49+s26+$0x0] =	vst.idx.msk $0xffff, v5  }
.Ltmp6:
0x2e5: {  	v44 =	vshll.u32 v50, v1;
	v3 =	vshrl.u32 v3, $0x3;
	[tilespmem:v54+s26+$0x0] =	vst.idx.msk $0xffff, v2;
	v2 =	vmul.f32 $8.000000000e+00, v57;
	v56 =	vld [tilespmem:s3+$0x0];
	(pc) =	sbr.rel @p0 .LBB2_15-.Ltmp6, $4  }
0x2e6: {  	v55 =	vadd.s32 v26, v33;
	v51 =	vadd.s32 v30, v34;
	[tilespmem:v58+s26+$0x0] =	vst.idx.msk $0xffff, v0;
	v0 =	vmul.f32 $8.000000000e+00, v59;
	v50 =	vld [tilespmem:s3+$0xFFFFFE40]  }
0x2e7: {  	v45 =	vshll.u32 v53, v1;
	v53 =	vadd.s32 v23, v40;
	v52 =	vld [tilespmem:s3+$0xFFFFFE80];
	[tilespmem:v48+s26+$0x0] =	vst.idx.msk $0xffff, v2;
	v2 =	vmul.f32 $8.000000000e+00, v60  }
0x2e8: {  	v46 =	vshll.u32 v43, v1;
	v43 =	vshll.u32 v3, v1;
	[tilespmem:v61+s26+$0x0] =	vst.idx.msk $0xffff, v0;
	v49 =	vld [tilespmem:s3+$0xFFFFFEC0]  }
0x2e9: {  	s7 =	sadd.s32 $0x7, s15;
	s15 =	sadd.s32 $0x8, s15;
	v48 =	vadd.s32 v15, v39;
	v54 =	vld [tilespmem:s3+$0xFFFFFF00];
	v39 =	vmul.f32 $8.000000000e+00, v62;
	[tilespmem:v4+s26+$0x0] =	vst.idx.msk $0xffff, v2;
	v40 =	vmul.f32 $8.000000000e+00, v63;
	v63 =	vmovc v14  }
0x2ea: {  	_ =	sdelay $0x3  }
0x2eb: {  	v2 =	vadd.s32 v11, v37;
	v3 =	vld [tilespmem:s3+$0xFFFFFF40];
	v4 =	vmul.f32 $8.000000000e+00, v56;
	[tilespmem:v55+s26+$0x0] =	vst.idx.msk $0xffff, v39  }
0x2ec: {  	v36 =	vadd.s32 v21, v36;
	v5 =	vmul.f32 $8.000000000e+00, v50;
	[tilespmem:v51+s26+$0x0] =	vst.idx.msk $0xffff, v40  }
0x2ed: {  	v35 =	vadd.s32 v25, v35;
	v59 =	vmul.f32 $8.000000000e+00, v52;
	[tilespmem:v53+s26+$0x0] =	vst.idx.msk $0xffff, v4  }
0x2ee: {  	[tilespmem:v48+s26+$0x0] =	vst.idx.msk $0xffff, v5;
	v5 =	vmul.f32 $8.000000000e+00, v49  }
0x2ef: {  	[tilespmem:v41+s26+$0x0] =	vst.idx.msk $0xffff, v59;
	v61 =	vmul.f32 $8.000000000e+00, v54  }
0x2f0: {  	v58 =	vld [tilespmem:s3+$0xFFFFFF80];
	[tilespmem:v2+s26+$0x0] =	vst.idx.msk $0xffff, v5;
	v2 =	vmul.f32 $8.000000000e+00, v3  }
0x2f1: {  	[tilespmem:v36+s26+$0x0] =	vst.idx.msk $0xffff, v61  }
0x2f2: {  	v33 =	vadd.s32 v29, v33;
	[tilespmem:v35+s26+$0x0] =	vst.idx.msk $0xffff, v2  }
0x2f3: {  	v14 =	vld [tilespmem:$0x1FEC0];
	_ =	sdelay $0x1  }
0x2f4: {  	v0 =	vmov s7;
	v40 =	vld [tilespmem:s3+$0xFFFFFFC0];
	v53 =	vmul.f32 $8.000000000e+00, v58  }
0x2f5: {  	s30 =	sadd.s32 $0x200, s3;
	v44 =	vbroadcast v44, $0x0;
	v0 =	vshrl.u32 v0, $0x3  }
0x2f6: {  	v34 =	vadd.s32 v32, v34;
	v0 =	vshll.u32 v0, v1;
	v4 =	vld [tilespmem:s30+$0xFFFFFFD0];
	[tilespmem:v33+s26+$0x0] =	vst.idx.msk $0xffff, v53  }
0x2f7: {  	v0 =	vbroadcast v0, $0x0;
	v56 =	vadd.s32 v14, v44;
	v14 =	vld [tilespmem:$0x1FF00]  }
0x2f8: {  	v60 =	vld [tilespmem:s30+$0xFFFFFE10]  }
0x2f9: {  	v47 =	vbroadcast v47, $0x0;
	v62 =	vld [tilespmem:s30+$0xFFFFFE50];
	v52 =	vadd.s32 v24, v0;
	v2 =	vmul.f32 $8.000000000e+00, v40  }
0x2fa: {  	v45 =	vbroadcast v45, $0x0;
	v3 =	vadd.s32 v27, v38  }
0x2fb: {  	v54 =	vadd.s32 v31, v47;
	[tilespmem:v34+s26+$0x0] =	vst.idx.msk $0xffff, v2  }
0x2fc: {  	v4 =	vmul.f32 $8.000000000e+00, v4;
	v59 =	vadd.s32 v14, v45;
	v14 =	vld [tilespmem:$0x1FF30]  }
0x2fd: {  	v58 =	vmul.f32 $8.000000000e+00, v60  }
0x2fe: {  	v55 =	vld [tilespmem:s30+$0xFFFFFED0];
	v2 =	vmul.f32 $8.000000000e+00, v62;
	[tilespmem:v52+s26+$0x0] =	vst.idx.msk $0xffff, v4  }
0x2ff: {  	v46 =	vbroadcast v46, $0x0;
	v5 =	vld [tilespmem:s30+$0xFFFFFE90];
	[tilespmem:v3+s26+$0x0] =	vst.idx.msk $0xffff, v58  }
0x300: {  	v4 =	vld [tilespmem:$0x1FF60];
	[tilespmem:v54+s26+$0x0] =	vst.idx.msk $0xffff, v2  }
0x301: {  	v61 =	vadd.s32 v14, v46;
	v14 =	vld [tilespmem:$0x1FF90]  }
0x302: {  	v57 =	vld [tilespmem:s30+$0xFFFFFF10]  }
0x303: {  	v42 =	vshll.u32 v42, v1;
	v43 =	vbroadcast v43, $0x0;
	v60 =	vld [tilespmem:s30+$0xFFFFFF50]  }
0x304: {  	v42 =	vbroadcast v42, $0x0;
	v62 =	vld [tilespmem:s30+$0xFFFFFF90]  }
0x305: {  	v3 =	vmul.f32 $8.000000000e+00, v5;
	v5 =	vld [tilespmem:s30+$0xFFFFFFE0];
	v4 =	vadd.s32 v4, v43  }
0x306: {  	v33 =	vld [tilespmem:s30+$0xFFFFFE20];
	v2 =	vmul.f32 $8.000000000e+00, v55;
	v52 =	vadd.s32 v14, v42  }
0x307: {  	v54 =	vadd.s32 v63, v0;
	v53 =	vld [tilespmem:s30+$0xFFFFFE60];
	[tilespmem:v56+s26+$0x0] =	vst.idx.msk $0xffff, v3;
	v3 =	vmul.f32 $8.000000000e+00, v57  }
0x308: {  	v55 =	vadd.s32 v6, v38;
	[tilespmem:v59+s26+$0x0] =	vst.idx.msk $0xffff, v2;
	v2 =	vmul.f32 $8.000000000e+00, v60;
	v56 =	vld [tilespmem:s30+$0xFFFFFEA0]  }
0x309: {  	v57 =	vadd.s32 v10, v47;
	v58 =	vld [tilespmem:s30+$0xFFFFFEE0];
	[tilespmem:v61+s26+$0x0] =	vst.idx.msk $0xffff, v3;
	v3 =	vmul.f32 $8.000000000e+00, v62  }
0x30a: {  	v59 =	vadd.s32 v20, v44;
	v60 =	vld [tilespmem:s30+$0xFFFFFF20];
	[tilespmem:v4+s26+$0x0] =	vst.idx.msk $0xffff, v2;
	v2 =	vmul.f32 $8.000000000e+00, v5  }
0x30b: {  	v4 =	vmul.f32 $8.000000000e+00, v33;
	v5 =	vadd.s32 v8, v45;
	v61 =	vld [tilespmem:s30+$0xFFFFFF60];
	[tilespmem:v52+s26+$0x0] =	vst.idx.msk $0xffff, v3  }
0x30c: {  	v62 =	vadd.s32 v7, v46;
	[tilespmem:v54+s26+$0x0] =	vst.idx.msk $0xffff, v2;
	v3 =	vmul.f32 $8.000000000e+00, v53;
	v52 =	vld [tilespmem:s30+$0xFFFFFFA0]  }
0x30d: {  	[tilespmem:v55+s26+$0x0] =	vst.idx.msk $0xffff, v4;
	v2 =	vmul.f32 $8.000000000e+00, v56;
	v4 =	vadd.s32 v13, v43;
	v35 =	vld [tilespmem:s30+$0xFFFFFFF0]  }
0x30e: {  	v40 =	vld [tilespmem:s30+$0xFFFFFE30];
	v53 =	vadd.s32 v28, v42;
	[tilespmem:v57+s26+$0x0] =	vst.idx.msk $0xffff, v3;
	v3 =	vmul.f32 $8.000000000e+00, v58  }
0x30f: {  	v55 =	vadd.s32 v9, v0;
	[tilespmem:v59+s26+$0x0] =	vst.idx.msk $0xffff, v2;
	v2 =	vmul.f32 $8.000000000e+00, v60;
	v54 =	vld [tilespmem:s30+$0xFFFFFE70]  }
0x310: {  	v56 =	vadd.s32 v17, v38;
	v57 =	vld [tilespmem:s30+$0xFFFFFEB0];
	[tilespmem:v5+s26+$0x0] =	vst.idx.msk $0xffff, v3;
	v3 =	vmul.f32 $8.000000000e+00, v61  }
0x311: {  	[tilespmem:v62+s26+$0x0] =	vst.idx.msk $0xffff, v2;
	v5 =	vadd.s32 v12, v47;
	v58 =	vld [tilespmem:s30+$0xFFFFFEF0];
	v2 =	vmul.f32 $8.000000000e+00, v52  }
0x312: {  	v59 =	vadd.s32 v16, v44;
	v60 =	vld [tilespmem:s30+$0xFFFFFF30];
	[tilespmem:v4+s26+$0x0] =	vst.idx.msk $0xffff, v3;
	v3 =	vmul.f32 $8.000000000e+00, v35  }
0x313: {  	v61 =	vadd.s32 v18, v45;
	v4 =	vmul.f32 $8.000000000e+00, v40;
	v62 =	vld [tilespmem:s30+$0xFFFFFF70];
	[tilespmem:v53+s26+$0x0] =	vst.idx.msk $0xffff, v2  }
0x314: {  	v22 =	vadd.s32 v22, v46;
	v2 =	vmul.f32 $8.000000000e+00, v54;
	[tilespmem:v55+s26+$0x0] =	vst.idx.msk $0xffff, v3;
	v52 =	vld [tilespmem:s30+$0xFFFFFFB0]  }
0x315: {  	[tilespmem:v56+s26+$0x0] =	vst.idx.msk $0xffff, v4;
	v3 =	vmul.f32 $8.000000000e+00, v57;
	v4 =	vadd.s32 v26, v43;
	v34 =	vld [tilespmem:s30+$0x0]  }
0x316: {  	v41 =	vld [tilespmem:s30+$0xFFFFFE40];
	[tilespmem:v5+s26+$0x0] =	vst.idx.msk $0xffff, v2;
	v2 =	vmul.f32 $8.000000000e+00, v58;
	v5 =	vadd.s32 v30, v42  }
0x317: {  	v0 =	vadd.s32 v23, v0;
	[tilespmem:v59+s26+$0x0] =	vst.idx.msk $0xffff, v3;
	v3 =	vmul.f32 $8.000000000e+00, v60;
	v53 =	vld [tilespmem:s30+$0xFFFFFE80]  }
0x318: {  	v54 =	vadd.s32 v15, v38;
	v55 =	vld [tilespmem:s30+$0xFFFFFEC0];
	[tilespmem:v61+s26+$0x0] =	vst.idx.msk $0xffff, v2;
	v2 =	vmul.f32 $8.000000000e+00, v62  }
0x319: {  	v56 =	vadd.s32 v19, v47;
	[tilespmem:v22+s26+$0x0] =	vst.idx.msk $0xffff, v3;
	v57 =	vld [tilespmem:s30+$0xFFFFFF00];
	v3 =	vmul.f32 $8.000000000e+00, v52  }
0x31a: {  	v58 =	vadd.s32 v11, v44;
	v59 =	vld [tilespmem:s30+$0xFFFFFF40];
	[tilespmem:v4+s26+$0x0] =	vst.idx.msk $0xffff, v2;
	v2 =	vmul.f32 $8.000000000e+00, v34  }
0x31b: {  	v60 =	vadd.s32 v21, v45;
	v4 =	vmul.f32 $8.000000000e+00, v41;
	v61 =	vld [tilespmem:s30+$0xFFFFFF80];
	[tilespmem:v5+s26+$0x0] =	vst.idx.msk $0xffff, v3  }
0x31c: {  	v3 =	vmul.f32 $8.000000000e+00, v53;
	v5 =	vadd.s32 v25, v46;
	[tilespmem:v0+s26+$0x0] =	vst.idx.msk $0xffff, v2;
	v62 =	vld [tilespmem:s30+$0xFFFFFFC0]  }
0x31d: {  	[tilespmem:v54+s26+$0x0] =	vst.idx.msk $0xffff, v4;
	v0 =	vmul.f32 $8.000000000e+00, v55;
	v2 =	vadd.s32 v29, v43  }
0x31e: {  	v4 =	vadd.s32 v32, v42;
	[tilespmem:v56+s26+$0x0] =	vst.idx.msk $0xffff, v3;
	v3 =	vmul.f32 $8.000000000e+00, v57  }
0x31f: {  	[tilespmem:v58+s26+$0x0] =	vst.idx.msk $0xffff, v0;
	v0 =	vmul.f32 $8.000000000e+00, v59  }
0x320: {  	[tilespmem:v60+s26+$0x0] =	vst.idx.msk $0xffff, v3;
	v3 =	vmul.f32 $8.000000000e+00, v61  }
0x321: {  	[tilespmem:v5+s26+$0x0] =	vst.idx.msk $0xffff, v0;
	v0 =	vmul.f32 $8.000000000e+00, v62  }
0x322: {  	[tilespmem:v2+s26+$0x0] =	vst.idx.msk $0xffff, v3  }
0x323: {  	s7 =	simm.s32 $0xE800;
	s3 =	sadd.s32 s0, s10;
	[tilespmem:v4+s26+$0x0] =	vst.idx.msk $0xffff, v0  }
0x324: {  	[hbm4b:s3+s2] =	stream.linear.scatter [tilespmem:s7], [sflag:$0x4], $0x80, $0x38;
	[tilespmem:$0x10A00] =	vst v63  }
0x325: {  	s11 =	simm.s32 $0xE888;
	s15 =	sadd.s32 $0x10, s3  }
0x326: {  	[hbm4b:s15+s2] =	stream.linear.scatter [tilespmem:s11], [sflag:$0x4], $0x80, $0x38;
	[tilespmem:$0x10A00] =	vst v63  }
0x327: {  	s16 =	simm.s32 $0xE910;
	s29 =	simm.s32 $0xE998;
	s28 =	sadd.s32 $0x20, s3  }
0x328: {  	[hbm4b:s28+s2] =	stream.linear.scatter [tilespmem:s16], [sflag:$0x4], $0x80, $0x38;
	[tilespmem:$0x10A00] =	vst v63  }
0x329: {  	s0 =	simm.s32 $0x440;
	s30 =	sadd.s32 $0x30, s3;
	s7 =	simm.s32 $0x2200  }
0x32a: {  	[hbm4b:s30+s2] =	stream.linear.scatter [tilespmem:s29], [sflag:$0x4], $0x80, $0x38;
	[tilespmem:$0x10A00] =	vst v63  }
0x32b: {  	s11 =	simm.s32 $0xEA20;
	s15 =	sadd.s32 $0x40, s3;
	s16 =	simm.s32 $0xEAA8  }
0x32c: {  	[hbm4b:s15+s2] =	stream.linear.scatter [tilespmem:s11], [sflag:$0x4], $0x80, $0x38;
	[tilespmem:$0x10A00] =	vst v63  }
0x32d: {  	s28 =	sadd.s32 $0x50, s3;
	s29 =	simm.s32 $0xEB30;
	s30 =	sadd.s32 $0x60, s3  }
0x32e: {  	[hbm4b:s28+s2] =	stream.linear.scatter [tilespmem:s16], [sflag:$0x4], $0x80, $0x38;
	[tilespmem:$0x10A00] =	vst v63  }
0x32f: {  	v14 =	vmovc v28;
	v29 =	vmov v20;
	v25 =	vmov v8;
	v61 =	vmov v7;
	s11 =	simm.s32 $0xEBB8;
	s15 =	sadd.s32 $0x70, s3;
	s3 =	sadd.s32 $0x1000, s3  }
0x330: {  	v5 =	vmovc v13;
	v2 =	vmovc v17;
	v17 =	vmov v11;
	v62 =	vmov v9;
	v0 =	vmov v6;
	[hbm4b:s30+s2] =	stream.linear.scatter [tilespmem:s29], [sflag:$0x4], $0x80, $0x38;
	[tilespmem:$0x10A00] =	vst v63  }
.LBB2_17:
0x331: {  	[hbm4b:s15+s2] =	stream.linear.scatter [tilespmem:s11], [sflag:$0x4], $0x80, $0x38;
	[tilespmem:$0x10A00] =	vst v63  }
0x332: {  	s11 =	smov.u32 s0;
	s0 =	smov.u32 s7  }
0x333: {  	s16 =	sadd.s32 $0x1100, s7;
	s0 =	sshra.s32 s0, $0x2;
	s15 =	sadd.s32 $0xE800, s11  }
0x334: {  	[hbm4b:s3+s2] =	stream.linear.scatter [tilespmem:s15], [sflag:$0x4], $0x80, $0x38;
	[tilespmem:$0x10A00] =	vst v63  }
0x335: {  	p0 =	sne.s32 s7, $0x7700;
	s7 =	sadd.s32 $0xE888, s11;
	s15 =	sadd.s32 $0x10, s3  }
0x336: {  	[hbm4b:s15+s2] =	stream.linear.scatter [tilespmem:s7], [sflag:$0x4], $0x80, $0x38;
	[tilespmem:$0x10A00] =	vst v63  }
0x337: {  	s7 =	sadd.s32 $0xE910, s11;
	s15 =	sadd.s32 $0x20, s3  }
0x338: {  	[hbm4b:s15+s2] =	stream.linear.scatter [tilespmem:s7], [sflag:$0x4], $0x80, $0x38;
	[tilespmem:$0x10A00] =	vst v63  }
0x339: {  	s7 =	sadd.s32 $0xE998, s11;
	s15 =	sadd.s32 $0x30, s3  }
0x33a: {  	[hbm4b:s15+s2] =	stream.linear.scatter [tilespmem:s7], [sflag:$0x4], $0x80, $0x38;
	[tilespmem:$0x10A00] =	vst v63  }
0x33b: {  	s7 =	sadd.s32 $0xEA20, s11;
	s15 =	sadd.s32 $0x40, s3  }
0x33c: {  	[hbm4b:s15+s2] =	stream.linear.scatter [tilespmem:s7], [sflag:$0x4], $0x80, $0x38;
	[tilespmem:$0x10A00] =	vst v63  }
.Ltmp7:
0x33d: {  	s7 =	sadd.s32 $0xEAA8, s11;
	s15 =	sadd.s32 $0x50, s3;
	(pc) =	sbr.rel @p0 .LBB2_17-.Ltmp7, $4  }
0x33e: {  	[hbm4b:s15+s2] =	stream.linear.scatter [tilespmem:s7], [sflag:$0x4], $0x80, $0x38;
	[tilespmem:$0x10A00] =	vst v63  }
0x33f: {  	s7 =	sadd.s32 $0xEB30, s11;
	s15 =	sadd.s32 $0x60, s3;
	s11 =	sadd.s32 $0xEBB8, s11  }
0x340: {  	[hbm4b:s15+s2] =	stream.linear.scatter [tilespmem:s7], [sflag:$0x4], $0x80, $0x38;
	[tilespmem:$0x10A00] =	vst v63  }
0x341: {  	s15 =	sadd.s32 $0x70, s3;
	s3 =	sadd.s32 $0x1000, s3;
	s7 =	smov.u32 s16  }
0x342: {  	[hbm4b:s15+s2] =	stream.linear.scatter [tilespmem:s11], [sflag:$0x4], $0x80, $0x38;
	[tilespmem:$0x10A00] =	vst v63  }
0x343: {  	s7 =	sadd.s32 $0xE800, s0  }
0x344: {  	v9 =	vld [tilespmem:$0x1FE50];
	[hbm4b:s3+s2] =	stream.linear.scatter [tilespmem:s7], [sflag:$0x4], $0x80, $0x38  }
0x345: {  	s29 =	sadd.s32 $0xE888, s0;
	s30 =	sadd.s32 $0x10, s3;
	v12 =	vld [tilespmem:$0x1FE80]  }
0x346: {  	v13 =	vld [tilespmem:$0x1FE90];
	[hbm4b:s30+s2] =	stream.linear.scatter [tilespmem:s29], [sflag:$0x4], $0x80, $0x38  }
0x347: {  	s11 =	sadd.s32 $0xE910, s0;
	s15 =	sadd.s32 $0x20, s3;
	v16 =	vld [tilespmem:$0x1FEB0]  }
0x348: {  	v6 =	vld [tilespmem:$0x1FEC0];
	[hbm4b:s15+s2] =	stream.linear.scatter [tilespmem:s11], [sflag:$0x4], $0x80, $0x38  }
0x349: {  	s16 =	sadd.s32 $0xE998, s0;
	s28 =	sadd.s32 $0x30, s3;
	v24 =	vld [tilespmem:$0x1FEE0]  }
0x34a: {  	v28 =	vld [tilespmem:$0x1FF00];
	[hbm4b:s28+s2] =	stream.linear.scatter [tilespmem:s16], [sflag:$0x4], $0x80, $0x38  }
0x34b: {  	s31 =	sadd.s32 $0x1, s31;
	v11 =	vld [tilespmem:$0x1FF20];
	s29 =	sadd.s32 $0xEA20, s0;
	s30 =	sadd.s32 $0x40, s3  }
0x34c: {  	v4 =	vld [tilespmem:$0x1FF30];
	[hbm4b:s30+s2] =	stream.linear.scatter [tilespmem:s29], [sflag:$0x4], $0x80, $0x38  }
0x34d: {  	v7 =	vld [tilespmem:$0x1FF50];
	p0 =	sne.s32 s31, $0x32;
	s11 =	sadd.s32 $0xEAA8, s0;
	s15 =	sadd.s32 $0x50, s3  }
0x34e: {  	v32 =	vld [tilespmem:$0x1FF60];
	[hbm4b:s15+s2] =	stream.linear.scatter [tilespmem:s11], [sflag:$0x4], $0x80, $0x38  }
.Ltmp8:
0x34f: {  	v31 =	vld [tilespmem:$0x1FF80];
	(pc) =	sbr.rel @p0 .LBB2_2-.Ltmp8, $4  }
0x350: {  	v27 =	vld [tilespmem:$0x1FF90];
	s16 =	sadd.s32 $0xEB30, s0;
	s28 =	sadd.s32 $0x60, s3  }
0x351: {  	v8 =	vld [tilespmem:$0x1FFC0];
	[hbm4b:s28+s2] =	stream.linear.scatter [tilespmem:s16], [sflag:$0x4], $0x80, $0x38  }
0x352: {  	v23 =	vld [tilespmem:$0x1FFD0];
	s29 =	sadd.s32 $0xEBB8, s0;
	s30 =	sadd.s32 $0x70, s3  }
0x353: {  	v19 =	vld [tilespmem:$0x1FFE0];
	[hbm4b:s30+s2] =	stream.linear.scatter [tilespmem:s29], [sflag:$0x4], $0x80, $0x38  }
0x354: {  	s0 =	simm.s32 $0x3  }
0x355: {  	_ =	swait.ge [sflag:s0], $0x2000  }
0x356: {  	[sflag:s0] =	ssyncset.done $0x0  }
0x357: {  	[sflag:s0] =	ssyncadd.s32 $0xFFFFE000  }
0x358: {  	_ =	swait.ge [sflag:s0], $0x2000  }
0x359: {  	[sflag:s0] =	ssyncset.done $0x0  }
0x35a: {  	s3 =	simm.s32 $0x4;
	[sflag:s0] =	ssyncadd.s32 $0xFFFFE000  }
0x35b: {  	_ =	swait.ge [sflag:s3], $0x2000  }
0x35c: {  	[sflag:s3] =	ssyncset.done $0x0  }
0x35d: {  	[sflag:s3] =	ssyncadd.s32 $0xFFFFE000  }
0x35e: {  	_ =	swait.ge [sflag:s3], $0x2000  }
0x35f: {  	s7 =	rddreg [dreg:$0x5]  }
0x360: {  	s31 =	rddreg [dreg:$0x4];
	s7 =	sadd.s32 $0x1, s7  }
0x361: {  	p0 =	sne.s32 s7, s31  }
.Ltmp9:
0x362: {  	_ = 	snop;
	(pc) =	sbr.rel @p0 .LBB2_1-.Ltmp9, $3  }
0x363: {  	_ =	sdelay $0x1  }
0x364: {  	[sflag:s3] =	ssyncset.done $0x0  }
0x365: {  	[sflag:s3] =	ssyncadd.s32 $0xFFFFE000  }
0x366: {  	_ =	sfence.sel $0x180000  }
0x367: {  	[bflag:$0x0] =	sbarrier.arrive $0xFFFF  }
0x368: {  	_ =	strace $0x90000047  }
0x369: {  	s0 =	stileid.u32;
	[bflag:$0x2] =	sbarrier.arrive $0xFFFF  }
0x36a: {  	p0 =	sne.s32 s0, $0x0;
	s0 =	rddreg [dreg:$0x2]  }
0x36b: {  	s0 =	sadd.s32 @!p0 $0x100000, s0  }
0x36c: {  	[sflag:s0] =	ssyncadd.tile.s32 @!p0 $0x1;
	_ =	shalt  }
.Lfunc_end2:
_tile_overlayer_lowered:
.L_overlay_start_2:
0x36d: {  	(tag) =	ssettag $0x2  }
0x36e: {  	s0 =	rddreg [dreg:$0x0];
	s2 =	stileid.u32  }
0x36f: {  	s1 =	rddreg [dreg:$0x1];
	p0 =	sne.s32 s2, $0x0  }
0x370: {  	s3 =	rddreg [dreg:$0x2];
	[bflag:$0x3] =	sbarrier.arrive $0xFFFF;
	s2 =	simm.s32 @!p0 $0x1C05  }
0x371: {  	[timem:s3], [sflag:s2] =	dma.local @!p0 [hbm:s0], s1  }
0x372: {  	s0 =	simm.s32 @!p0 $0x5  }
0x373: {  	_ =	swait.ge @!p0 [sflag:s0], s1  }
0x374: {  	s1 =	ssub.s32 @!p0 $0x0, s1;
	[sflag:s0] =	ssyncset.done @!p0 $0x0  }
0x375: {  	[sflag:s0] =	ssyncadd.s32 @!p0 s1  }
0x376: {  	[bflag:$0x3] =	sbarrier.arrive $0xFFFF  }
0x377: {  	_ =	shalt  }

</sc_bundles>
